<compile_context>
chip_gen: v7x
topology: tpu7x:2x2x1
jax: 0.10.2.dev20260603
libtpu: 0.0.44.dev20260713+nightly
codegen_flags: <defaults>
</compile_context>

<pallas_src>
import functools

import numpy as np

import jax
import jax.numpy as jnp
from jax import lax
from jax.experimental import pallas as pl
from jax.experimental.pallas import tpu as pltpu
from jax.experimental.pallas import tpu_sc as plsc

N = 10000
E = 320000
D = 128
OUT = 64

NC = 2
NS = 16
NW = NC * NS

CHUNK = 128
CPT = 80
HCPT = 40
RCH = E // CHUNK
TAILW = NW - 1
E_PAD = NW * CPT * CHUNK
N_ACC = 10112
ZROWS = N_ACC // NS
HIST_W = 16

BR = 1000

NPAD = NW * CPT - RCH
_PAD_IOTA = np.arange(NPAD * CHUNK, dtype=np.int32)
PAD_SCRATCH = N + _PAD_IOTA % (N_ACC - N)
PAD_REAL = _PAD_IOTA % N


def _mesh():
    return plsc.VectorSubcoreMesh(core_axis_name="c", subcore_axis_name="s")


@functools.lru_cache(maxsize=None)
def _hist_kernel():
    @functools.partial(
        pl.kernel,
        out_type=(
            jax.ShapeDtypeStruct((NC, N_ACC, HIST_W), jnp.float32),
            jax.ShapeDtypeStruct((NC, N_ACC, HIST_W), jnp.float32),
        ),
        mesh=_mesh(),
        scratch_types=[
            pltpu.VMEM((HCPT, CHUNK), jnp.int32),
            pltpu.VMEM((HCPT, CHUNK), jnp.int32),
            pltpu.VMEM((CHUNK, HIST_W), jnp.float32),
            pltpu.VMEM_SHARED((N_ACC, HIST_W), jnp.float32),
            pltpu.VMEM_SHARED((N_ACC, HIST_W), jnp.float32),
            pltpu.SemaphoreType.DMA,
            pltpu.SemaphoreType.DMA,
        ],
    )
    def hist(ei_hbm, tsrc_hbm, tdst_hbm, ones_hbm, z_hbm, degp_hbm, cntp_hbm,
             src_v, dst_v, ones_v, accd, accc, sem_d, sem_c):
        c = lax.axis_index("c")
        s = lax.axis_index("s")
        w = c * NS + s
        pltpu.sync_copy(z_hbm.at[pl.ds(s * ZROWS, ZROWS)],
                        accd.at[pl.ds(s * ZROWS, ZROWS)])
        pltpu.sync_copy(z_hbm.at[pl.ds(s * ZROWS, ZROWS)],
                        accc.at[pl.ds(s * ZROWS, ZROWS)])
        pltpu.sync_copy(ones_hbm, ones_v)
        plsc.subcore_barrier()

        def body(j, carry):
            @pl.when(j >= 2)
            def _():
                pltpu.make_async_copy(ones_v, accd.at[src_v.at[j - 2]],
                                      sem_d).wait()
                pltpu.make_async_copy(ones_v, accc.at[dst_v.at[j - 2]],
                                      sem_c).wait()

            pltpu.make_async_copy(ones_v, accd.at[src_v.at[j]],
                                  sem_d).start(add=True)
            pltpu.make_async_copy(ones_v, accc.at[dst_v.at[j]],
                                  sem_c).start(add=True)
            return carry

        for h in range(CPT // HCPT):
            base = w * CPT + h * HCPT

            @pl.when(w < TAILW)
            def _():
                pltpu.sync_copy(ei_hbm.at[0, pl.ds(base, HCPT)], src_v)
                pltpu.sync_copy(ei_hbm.at[1, pl.ds(base, HCPT)], dst_v)

            @pl.when(w == TAILW)
            def _():
                pltpu.sync_copy(tsrc_hbm.at[pl.ds(h * HCPT, HCPT)], src_v)
                pltpu.sync_copy(tdst_hbm.at[pl.ds(h * HCPT, HCPT)], dst_v)

            lax.fori_loop(0, HCPT, body, 0)
            for j in (HCPT - 2, HCPT - 1):
                pltpu.make_async_copy(ones_v, accd.at[src_v.at[j]],
                                      sem_d).wait()
                pltpu.make_async_copy(ones_v, accc.at[dst_v.at[j]],
                                      sem_c).wait()
        plsc.subcore_barrier()
        pltpu.sync_copy(accd.at[pl.ds(s * ZROWS, ZROWS)],
                        degp_hbm.at[c, pl.ds(s * ZROWS, ZROWS)])
        pltpu.sync_copy(accc.at[pl.ds(s * ZROWS, ZROWS)],
                        cntp_hbm.at[c, pl.ds(s * ZROWS, ZROWS)])

    return hist


@functools.lru_cache(maxsize=None)
def _scatter_kernel():
    @functools.partial(
        pl.kernel,
        out_type=jax.ShapeDtypeStruct((NC, N_ACC, D), jnp.float32),
        mesh=_mesh(),
        scratch_types=[
            pltpu.VMEM((HCPT, CHUNK), jnp.int32),
            pltpu.VMEM((HCPT, CHUNK), jnp.int32),
            pltpu.VMEM((CHUNK, D), jnp.float32),
            pltpu.VMEM((CHUNK, D), jnp.float32),
            pltpu.VMEM_SHARED((N_ACC, D), jnp.float32),
            pltpu.SemaphoreType.DMA,
            pltpu.SemaphoreType.DMA,
            pltpu.SemaphoreType.DMA,
            pltpu.SemaphoreType.DMA,
        ],
    )
    def scat(ei_hbm, tsrc_hbm, tdst_hbm, ym_hbm, z_hbm, out_hbm,
             src_v, dst_v, rows_a, rows_b, acc, sem_a, sem_b, sem_c, sem_d):
        c = lax.axis_index("c")
        s = lax.axis_index("s")
        pltpu.sync_copy(z_hbm.at[pl.ds(s * ZROWS, ZROWS)],
                        acc.at[pl.ds(s * ZROWS, ZROWS)])
        plsc.subcore_barrier()

        def body(i, carry):
            j = 2 * i

            @pl.when(i > 0)
            def _():
                pltpu.make_async_copy(rows_a, acc.at[dst_v.at[j - 2]],
                                      sem_c).wait()
                pltpu.make_async_copy(rows_b, acc.at[dst_v.at[j - 1]],
                                      sem_d).wait()

            ga = pltpu.async_copy(ym_hbm.at[src_v.at[j]], rows_a, sem_a)
            gb = pltpu.async_copy(ym_hbm.at[src_v.at[j + 1]], rows_b, sem_b)
            ga.wait()
            pltpu.make_async_copy(rows_a, acc.at[dst_v.at[j]],
                                  sem_c).start(add=True)
            gb.wait()
            pltpu.make_async_copy(rows_b, acc.at[dst_v.at[j + 1]],
                                  sem_d).start(add=True)
            return carry

        w = c * NS + s
        for h in range(CPT // HCPT):
            base = w * CPT + h * HCPT

            @pl.when(w < TAILW)
            def _():
                pltpu.sync_copy(ei_hbm.at[0, pl.ds(base, HCPT)], src_v)
                pltpu.sync_copy(ei_hbm.at[1, pl.ds(base, HCPT)], dst_v)

            @pl.when(w == TAILW)
            def _():
                pltpu.sync_copy(tsrc_hbm.at[pl.ds(h * HCPT, HCPT)], src_v)
                pltpu.sync_copy(tdst_hbm.at[pl.ds(h * HCPT, HCPT)], dst_v)

            lax.fori_loop(0, HCPT // 2, body, 0)
            pltpu.make_async_copy(rows_a, acc.at[dst_v.at[HCPT - 2]],
                                  sem_c).wait()
            pltpu.make_async_copy(rows_b, acc.at[dst_v.at[HCPT - 1]],
                                  sem_d).wait()

        plsc.subcore_barrier()
        pltpu.sync_copy(acc.at[pl.ds(s * ZROWS, ZROWS)],
                        out_hbm.at[c, pl.ds(s * ZROWS, ZROWS)])

    return scat


def _dis_icnt(degp, cntp):
    deg = (degp[0] + degp[1])[:, :1]
    cnt = (cntp[0] + cntp[1])[:, :1]
    return lax.rsqrt(deg), 1.0 / cnt


def _combine(p, ym, xa, dis, icnt):
    s = p[0] + p[1]
    aggr = dis * (s + ym) * icnt
    o = jnp.maximum(aggr + xa, 0.0)
    n2 = jnp.sum(o * o, axis=1, keepdims=True)
    nrm = jnp.maximum(jnp.sqrt(n2), 1e-12)
    return o / nrm


def _tc_a_body(x_ref, W_ref, b_ref, Wa_ref, degp_ref, cntp_ref, ym_ref, xa_ref):
    xb = x_ref[...]
    dis, _ = _dis_icnt(degp_ref[...], cntp_ref[...])
    xm = jnp.maximum(jnp.dot(xb, W_ref[...],
                             preferred_element_type=jnp.float32) + b_ref[...], 0.0)
    ym_ref[...] = xm * dis
    xa_ref[...] = jnp.dot(xb, Wa_ref[...], preferred_element_type=jnp.float32)


def _tc_b_body(p_ref, ym_ref, xa_ref, degp_ref, cntp_ref, W_ref, b_ref, Wa_ref,
               ym2_ref, xa2_ref):
    dis, icnt = _dis_icnt(degp_ref[...], cntp_ref[...])
    h = _combine(p_ref[...], ym_ref[...], xa_ref[...], dis, icnt)
    xm2 = jnp.maximum(jnp.dot(h, W_ref[...],
                              preferred_element_type=jnp.float32) + b_ref[...], 0.0)
    ym2_ref[...] = xm2 * dis
    xa2_ref[...] = jnp.dot(h, Wa_ref[...], preferred_element_type=jnp.float32)


def _tc_c_body(p_ref, ym_ref, xa_ref, degp_ref, cntp_ref,
               W1_ref, b1_ref, W2_ref, b2_ref, out_ref):
    dis, icnt = _dis_icnt(degp_ref[...], cntp_ref[...])
    h = _combine(p_ref[...], ym_ref[...], xa_ref[...], dis, icnt)
    z = jnp.dot(h, W1_ref[...], preferred_element_type=jnp.float32) + b1_ref[...]
    o = jnp.dot(z, W2_ref[...], preferred_element_type=jnp.float32) + b2_ref[...]
    m = jnp.max(o, axis=1, keepdims=True)
    lse = jnp.log(jnp.sum(jnp.exp(o - m), axis=1, keepdims=True)) + m
    out_ref[...] = o - lse


def _row_spec(rows, cols):
    return pl.BlockSpec((rows, cols), lambda i: (i, 0))


def _full_spec(shape):
    ndim = len(shape)
    return pl.BlockSpec(shape, lambda i, _n=ndim: (0,) * _n)


def _part_spec(width):
    return pl.BlockSpec((NC, BR, width), lambda i: (0, i, 0))


def kernel(x, edge_index, batch, lin1_W, lin1_b, agg1_W, lin2_W, lin2_b,
           agg2_W, mp1_W, mp1_b, mp2_W, mp2_b):
    ei3 = edge_index.reshape(2, RCH, CHUNK)
    tail_src = edge_index[0, TAILW * CPT * CHUNK:]
    tail_dst = edge_index[1, TAILW * CPT * CHUNK:]
    pad_scratch = jnp.asarray(PAD_SCRATCH)
    tdst = jnp.concatenate([tail_dst, pad_scratch]).reshape(CPT, CHUNK)
    tsrc_h = jnp.concatenate([tail_src, pad_scratch]).reshape(CPT, CHUNK)
    tsrc_s = jnp.concatenate([tail_src, jnp.asarray(PAD_REAL)]).reshape(
        CPT, CHUNK)
    ones_h = jnp.ones((CHUNK, HIST_W), jnp.float32)
    z_h = jnp.zeros((N_ACC, HIST_W), jnp.float32)
    z_d = jnp.zeros((N_ACC, D), jnp.float32)

    degp, cntp = _hist_kernel()(ei3, tsrc_h, tdst, ones_h, z_h)

    ym_shape = jax.ShapeDtypeStruct((N, D), jnp.float32)
    grid = (N // BR,)
    ym1, xa1 = pl.pallas_call(
        _tc_a_body,
        grid=grid,
        in_specs=[
            _row_spec(BR, D), _full_spec((D, D)), _full_spec((1, D)),
            _full_spec((D, D)), _part_spec(HIST_W), _part_spec(HIST_W),
        ],
        out_specs=[_row_spec(BR, D), _row_spec(BR, D)],
        out_shape=[ym_shape, jax.ShapeDtypeStruct((N, D), jnp.float32)],
    )(x, lin1_W, lin1_b.reshape(1, D), agg1_W, degp, cntp)

    p1 = _scatter_kernel()(ei3, tsrc_s, tdst, ym1, z_d)

    ym2, xa2 = pl.pallas_call(
        _tc_b_body,
        grid=grid,
        in_specs=[
            _part_spec(D), _row_spec(BR, D), _row_spec(BR, D),
            _part_spec(HIST_W), _part_spec(HIST_W),
            _full_spec((D, D)), _full_spec((1, D)), _full_spec((D, D)),
        ],
        out_specs=[_row_spec(BR, D), _row_spec(BR, D)],
        out_shape=[ym_shape, jax.ShapeDtypeStruct((N, D), jnp.float32)],
    )(p1, ym1, xa1, degp, cntp, lin2_W, lin2_b.reshape(1, D), agg2_W)

    p2 = _scatter_kernel()(ei3, tsrc_s, tdst, ym2, z_d)

    out = pl.pallas_call(
        _tc_c_body,
        grid=grid,
        in_specs=[
            _part_spec(D), _row_spec(BR, D), _row_spec(BR, D),
            _part_spec(HIST_W), _part_spec(HIST_W),
            _full_spec((D, D)), _full_spec((1, D)),
            _full_spec((D, OUT)), _full_spec((1, OUT)),
        ],
        out_specs=_row_spec(BR, OUT),
        out_shape=jax.ShapeDtypeStruct((N, OUT), jnp.float32),
    )(p2, ym2, xa2, degp, cntp, mp1_W, mp1_b.reshape(1, D),
      mp2_W, mp2_b.reshape(1, OUT))

    return out

# --- scband reference (transcript-rebuilt; emitter-appended) ---
"""Pipeline reference for scband-gnnstack-69260642615296 (READ-ONLY COPY).

The authoritative reference and input builder live on the scoring server;
editing this copy changes nothing except your own understanding.
"""

import jax, jax.numpy as jnp
import numpy as np

N = 10000
E = 320000
D_IN = 128
HID = 128
OUT = 64


def _glorot(key, shape):
    fan_in, fan_out = shape[0], shape[1]
    lim = float(np.sqrt(6.0 / (fan_in + fan_out)))
    return jax.random.uniform(key, shape, dtype=jnp.float32, minval=-lim, maxval=lim)


def setup_inputs(seed: int = 0):
    key = jax.random.key(seed)
    ks = jax.random.split(key, 16)
    x = jax.random.normal(ks[0], (N, D_IN), dtype=jnp.float32)
    src = jax.random.randint(ks[1], (E,), 0, N, dtype=jnp.int32)
    dst = jax.random.randint(ks[2], (E,), 0, N, dtype=jnp.int32)
    # avoid pre-existing self loops so that add_remaining_self_loops == append all loops
    dst = jnp.where(dst == src, (dst + 1) % N, dst)
    edge_index = jnp.stack([src, dst], axis=0)
    batch = jnp.zeros((N,), dtype=jnp.int32)
    return {
        "x": x,
        "edge_index": edge_index,
        "batch": batch,
        "lin1_W": _glorot(ks[3], (D_IN, HID)),
        "lin1_b": jnp.zeros((HID,), jnp.float32),
        "agg1_W": _glorot(ks[4], (D_IN, HID)),
        "lin2_W": _glorot(ks[5], (HID, HID)),
        "lin2_b": jnp.zeros((HID,), jnp.float32),
        "agg2_W": _glorot(ks[6], (HID, HID)),
        "mp1_W": _glorot(ks[7], (HID, HID)),
        "mp1_b": jnp.zeros((HID,), jnp.float32),
        "mp2_W": _glorot(ks[8], (HID, OUT)),
        "mp2_b": jnp.zeros((OUT,), jnp.float32),
    }


def _sage(x, edge_index, W, b, Wa):
    # GraphSage layer: x_message = relu(lin(x)); add self loops; normalized mean aggregation;
    # update: aggr + agg_lin(x_origin), relu, L2-normalize.
    n = x.shape[0]
    xm = jax.nn.relu(x @ W + b)
    loop = jnp.arange(n, dtype=edge_index.dtype)
    row = jnp.concatenate([edge_index[0], loop])
    col = jnp.concatenate([edge_index[1], loop])
    deg = jax.ops.segment_sum(jnp.ones(row.shape[0], dtype=xm.dtype), row, num_segments=n)
    dis = jnp.where(deg > 0, deg ** -0.5, 0.0)
    norm = dis[row] * dis[col]
    msg = norm[:, None] * jnp.take(xm, row, axis=0)
    s = jax.ops.segment_sum(msg, col, num_segments=n)
    cnt = jax.ops.segment_sum(jnp.ones(col.shape[0], dtype=xm.dtype), col, num_segments=n)
    aggr = s / jnp.maximum(cnt, 1.0)[:, None]
    out = aggr + x @ Wa
    out = jax.nn.relu(out)
    nrm = jnp.maximum(jnp.linalg.norm(out, axis=-1, keepdims=True), 1e-12)
    return out / nrm


def reference(x, edge_index, batch, lin1_W, lin1_b, agg1_W, lin2_W, lin2_b, agg2_W, mp1_W, mp1_b, mp2_W, mp2_b):
    # task == 'node': batch is unused; dropout p=0 / eval mode -> identity
    h = _sage(x, edge_index, lin1_W, lin1_b, agg1_W)
    h = jax.nn.relu(h)
    h = _sage(h, edge_index, lin2_W, lin2_b, agg2_W)
    h = jax.nn.relu(h)
    h = h @ mp1_W + mp1_b
    h = h @ mp2_W + mp2_b
    return jax.nn.log_softmax(h, axis=1)

if __name__ == "__main__":
    import jax
    _d = setup_inputs()
    print(jax.jit(kernel)(*tuple(_d.values())))

</pallas_src>

<mosaic_0001>
#map = affine_map<(d0, d1) -> (0, 0, 0)>
#map1 = affine_map<(d0, d1) -> (0, 0)>
module attributes {stable_mosaic.version = 14 : i64} {
  func.func @hist(%arg0: i32, %arg1: i32, %arg2: memref<2x2500x128xi32, #tpu.memory_space<hbm>>, %arg3: memref<80x128xi32, #tpu.memory_space<hbm>>, %arg4: memref<80x128xi32, #tpu.memory_space<hbm>>, %arg5: memref<128x16xf32, #tpu.memory_space<hbm>>, %arg6: memref<10112x16xf32, #tpu.memory_space<hbm>>, %arg7: memref<2x10112x16xf32, #tpu.memory_space<hbm>>, %arg8: memref<2x10112x16xf32, #tpu.memory_space<hbm>>, %arg9: memref<40x128xi32, #tpu.memory_space<vmem>>, %arg10: memref<40x128xi32, #tpu.memory_space<vmem>>, %arg11: memref<128x16xf32, #tpu.memory_space<vmem>>, %arg12: memref<10112x16xf32, #tpu.memory_space<vmem_shared>>, %arg13: memref<10112x16xf32, #tpu.memory_space<vmem_shared>>, %arg14: memref<!tpu.dma_semaphore, #tpu.memory_space<semaphore_mem>>, %arg15: memref<!tpu.dma_semaphore, #tpu.memory_space<semaphore_mem>>) attributes {dimension_semantics = [#tpu.dimension_semantics<core_parallel>, #tpu.dimension_semantics<subcore_parallel>], iteration_bounds = array<i64: 2, 16>, scalar_prefetch = 0 : i64, scratch_operands = 7 : i64, tpu.core_type = #tpu.core_type<sc_vector_subcore>, window_params = [{transform_indices = #map}, {transform_indices = #map1}, {transform_indices = #map1}, {transform_indices = #map1}, {transform_indices = #map1}, {transform_indices = #map}, {transform_indices = #map}]} {
    %mul3A = arith.constant 16 : i32
    %mul3A_0 = arith.muli %arg0, %mul3A : i32
    %add3A = arith.addi %mul3A_0, %arg1 : i32
    %mul3A_1 = arith.constant 632 : i32
    %mul3A_2 = arith.muli %arg1, %mul3A_1 : i32
    %mul3A_3 = arith.constant 632 : i32
    %mul3A_4 = arith.muli %arg1, %mul3A_3 : i32
    "tpu.region"() ({
      %run_scoped3A = tpu.sem_alloc : memref<!tpu.dma_semaphore, #tpu.memory_space<semaphore_mem>>
      %dma_start3A = arith.constant 0 : i32
      %dma_start3A_108 = tpu.memref_slice %arg12[%mul3A_4, %dma_start3A] : memref<10112x16xf32, #tpu.memory_space<vmem_shared>> -> memref<632x16xf32, #tpu.memory_space<vmem_shared>>
      %dma_start3A_109 = arith.constant 0 : i32
      %dma_start3A_110 = tpu.memref_slice %arg6[%mul3A_2, %dma_start3A_109] : memref<10112x16xf32, #tpu.memory_space<hbm>> -> memref<632x16xf32, #tpu.memory_space<hbm>>
      tpu.enqueue_dma source(%dma_start3A_110 : memref<632x16xf32, #tpu.memory_space<hbm>>) target(%dma_start3A_108 : memref<632x16xf32, #tpu.memory_space<vmem_shared>>) target_semaphore(%run_scoped3A : memref<!tpu.dma_semaphore, #tpu.memory_space<semaphore_mem>>)
      %dma_wait3A_111 = arith.constant 0 : i32
      %dma_wait3A_112 = tpu.memref_slice %arg12[%mul3A_4, %dma_wait3A_111] : memref<10112x16xf32, #tpu.memory_space<vmem_shared>> -> memref<632x16xf32, #tpu.memory_space<vmem_shared>>
      %dma_wait3A_113 = arith.constant 0 : i32
      %dma_wait3A_114 = tpu.memref_slice %arg6[%mul3A_2, %dma_wait3A_113] : memref<10112x16xf32, #tpu.memory_space<hbm>> -> memref<632x16xf32, #tpu.memory_space<hbm>>
      tpu.wait_dma2 semaphore(%run_scoped3A : memref<!tpu.dma_semaphore, #tpu.memory_space<semaphore_mem>>) src(%dma_wait3A_114 : memref<632x16xf32, #tpu.memory_space<hbm>>) dst(%dma_wait3A_112 : memref<632x16xf32, #tpu.memory_space<vmem_shared>>)
      tpu.yield
    }) : () -> ()
    %mul3A_5 = arith.constant 632 : i32
    %mul3A_6 = arith.muli %arg1, %mul3A_5 : i32
    %mul3A_7 = arith.constant 632 : i32
    %mul3A_8 = arith.muli %arg1, %mul3A_7 : i32
    "tpu.region"() ({
      %run_scoped3A = tpu.sem_alloc : memref<!tpu.dma_semaphore, #tpu.memory_space<semaphore_mem>>
      %dma_start3A = arith.constant 0 : i32
      %dma_start3A_108 = tpu.memref_slice %arg13[%mul3A_8, %dma_start3A] : memref<10112x16xf32, #tpu.memory_space<vmem_shared>> -> memref<632x16xf32, #tpu.memory_space<vmem_shared>>
      %dma_start3A_109 = arith.constant 0 : i32
      %dma_start3A_110 = tpu.memref_slice %arg6[%mul3A_6, %dma_start3A_109] : memref<10112x16xf32, #tpu.memory_space<hbm>> -> memref<632x16xf32, #tpu.memory_space<hbm>>
      tpu.enqueue_dma source(%dma_start3A_110 : memref<632x16xf32, #tpu.memory_space<hbm>>) target(%dma_start3A_108 : memref<632x16xf32, #tpu.memory_space<vmem_shared>>) target_semaphore(%run_scoped3A : memref<!tpu.dma_semaphore, #tpu.memory_space<semaphore_mem>>)
      %dma_wait3A_111 = arith.constant 0 : i32
      %dma_wait3A_112 = tpu.memref_slice %arg13[%mul3A_8, %dma_wait3A_111] : memref<10112x16xf32, #tpu.memory_space<vmem_shared>> -> memref<632x16xf32, #tpu.memory_space<vmem_shared>>
      %dma_wait3A_113 = arith.constant 0 : i32
      %dma_wait3A_114 = tpu.memref_slice %arg6[%mul3A_6, %dma_wait3A_113] : memref<10112x16xf32, #tpu.memory_space<hbm>> -> memref<632x16xf32, #tpu.memory_space<hbm>>
      tpu.wait_dma2 semaphore(%run_scoped3A : memref<!tpu.dma_semaphore, #tpu.memory_space<semaphore_mem>>) src(%dma_wait3A_114 : memref<632x16xf32, #tpu.memory_space<hbm>>) dst(%dma_wait3A_112 : memref<632x16xf32, #tpu.memory_space<vmem_shared>>)
      tpu.yield
    }) : () -> ()
    "tpu.region"() ({
      %run_scoped3A = tpu.sem_alloc : memref<!tpu.dma_semaphore, #tpu.memory_space<semaphore_mem>>
      tpu.enqueue_dma source(%arg5 : memref<128x16xf32, #tpu.memory_space<hbm>>) target(%arg11 : memref<128x16xf32, #tpu.memory_space<vmem>>) target_semaphore(%run_scoped3A : memref<!tpu.dma_semaphore, #tpu.memory_space<semaphore_mem>>)
      tpu.wait_dma2 semaphore(%run_scoped3A : memref<!tpu.dma_semaphore, #tpu.memory_space<semaphore_mem>>) src(%arg5 : memref<128x16xf32, #tpu.memory_space<hbm>>) dst(%arg11 : memref<128x16xf32, #tpu.memory_space<vmem>>)
      tpu.yield
    }) : () -> ()
    %barrier3A = arith.constant 0 : index
    tpu.barrier barrier_id(%barrier3A)
    %mul3A_9 = arith.constant 80 : i32
    %mul3A_10 = arith.muli %add3A, %mul3A_9 : i32
    %add3A_11 = arith.constant 0 : i32
    %add3A_12 = arith.addi %mul3A_10, %add3A_11 : i32
    %lt3A = arith.constant 31 : i32
    %lt3A_13 = arith.cmpi slt, %add3A, %lt3A : i32
    %convert_element_type3A = arith.extui %lt3A_13 : i1 to i32
    %cond3A = arith.constant 0 : i32
    %cond3A_14 = arith.cmpi ne, %convert_element_type3A, %cond3A : i32
    scf.if %cond3A_14 {
      %run_scoped3A = arith.constant 0 : i32
      "tpu.region"() ({
        %run_scoped3A_109 = tpu.sem_alloc : memref<!tpu.dma_semaphore, #tpu.memory_space<semaphore_mem>>
        %dma_start3A = arith.constant 0 : i32
        %dma_start3A_110 = tpu.memref_slice %arg2[%run_scoped3A, %add3A_12, %dma_start3A] : memref<2x2500x128xi32, #tpu.memory_space<hbm>> -> memref<1x40x128xi32, #tpu.memory_space<hbm>>
        %dma_start3A_111 = tpu.memref_squeeze %dma_start3A_110 : memref<1x40x128xi32, #tpu.memory_space<hbm>> -> memref<40x128xi32, #tpu.memory_space<hbm>>
        %dma_start3A_112 = arith.constant 0 : i32
        %dma_start3A_113 = tpu.memref_slice %arg2[%run_scoped3A, %add3A_12, %dma_start3A_112] : memref<2x2500x128xi32, #tpu.memory_space<hbm>> -> memref<1x40x128xi32, #tpu.memory_space<hbm>>
        %dma_start3A_114 = tpu.memref_squeeze %dma_start3A_113 : memref<1x40x128xi32, #tpu.memory_space<hbm>> -> memref<40x128xi32, #tpu.memory_space<hbm>>
        tpu.enqueue_dma source(%dma_start3A_114 : memref<40x128xi32, #tpu.memory_space<hbm>>) target(%arg9 : memref<40x128xi32, #tpu.memory_space<vmem>>) target_semaphore(%run_scoped3A_109 : memref<!tpu.dma_semaphore, #tpu.memory_space<semaphore_mem>>)
        %dma_wait3A_115 = arith.constant 0 : i32
        %dma_wait3A_116 = tpu.memref_slice %arg2[%run_scoped3A, %add3A_12, %dma_wait3A_115] : memref<2x2500x128xi32, #tpu.memory_space<hbm>> -> memref<1x40x128xi32, #tpu.memory_space<hbm>>
        %dma_wait3A_117 = tpu.memref_squeeze %dma_wait3A_116 : memref<1x40x128xi32, #tpu.memory_space<hbm>> -> memref<40x128xi32, #tpu.memory_space<hbm>>
        %dma_wait3A_118 = arith.constant 0 : i32
        %dma_wait3A_119 = tpu.memref_slice %arg2[%run_scoped3A, %add3A_12, %dma_wait3A_118] : memref<2x2500x128xi32, #tpu.memory_space<hbm>> -> memref<1x40x128xi32, #tpu.memory_space<hbm>>
        %dma_wait3A_120 = tpu.memref_squeeze %dma_wait3A_119 : memref<1x40x128xi32, #tpu.memory_space<hbm>> -> memref<40x128xi32, #tpu.memory_space<hbm>>
        tpu.wait_dma2 semaphore(%run_scoped3A_109 : memref<!tpu.dma_semaphore, #tpu.memory_space<semaphore_mem>>) src(%dma_wait3A_120 : memref<40x128xi32, #tpu.memory_space<hbm>>) dst(%arg9 : memref<40x128xi32, #tpu.memory_space<vmem>>)
        tpu.yield
      }) : () -> ()
      %run_scoped3A_108 = arith.constant 1 : i32
      "tpu.region"() ({
        %run_scoped3A_109 = tpu.sem_alloc : memref<!tpu.dma_semaphore, #tpu.memory_space<semaphore_mem>>
        %dma_start3A = arith.constant 0 : i32
        %dma_start3A_110 = tpu.memref_slice %arg2[%run_scoped3A_108, %add3A_12, %dma_start3A] : memref<2x2500x128xi32, #tpu.memory_space<hbm>> -> memref<1x40x128xi32, #tpu.memory_space<hbm>>
        %dma_start3A_111 = tpu.memref_squeeze %dma_start3A_110 : memref<1x40x128xi32, #tpu.memory_space<hbm>> -> memref<40x128xi32, #tpu.memory_space<hbm>>
        %dma_start3A_112 = arith.constant 0 : i32
        %dma_start3A_113 = tpu.memref_slice %arg2[%run_scoped3A_108, %add3A_12, %dma_start3A_112] : memref<2x2500x128xi32, #tpu.memory_space<hbm>> -> memref<1x40x128xi32, #tpu.memory_space<hbm>>
        %dma_start3A_114 = tpu.memref_squeeze %dma_start3A_113 : memref<1x40x128xi32, #tpu.memory_space<hbm>> -> memref<40x128xi32, #tpu.memory_space<hbm>>
        tpu.enqueue_dma source(%dma_start3A_114 : memref<40x128xi32, #tpu.memory_space<hbm>>) target(%arg10 : memref<40x128xi32, #tpu.memory_space<vmem>>) target_semaphore(%run_scoped3A_109 : memref<!tpu.dma_semaphore, #tpu.memory_space<semaphore_mem>>)
        %dma_wait3A_115 = arith.constant 0 : i32
        %dma_wait3A_116 = tpu.memref_slice %arg2[%run_scoped3A_108, %add3A_12, %dma_wait3A_115] : memref<2x2500x128xi32, #tpu.memory_space<hbm>> -> memref<1x40x128xi32, #tpu.memory_space<hbm>>
        %dma_wait3A_117 = tpu.memref_squeeze %dma_wait3A_116 : memref<1x40x128xi32, #tpu.memory_space<hbm>> -> memref<40x128xi32, #tpu.memory_space<hbm>>
        %dma_wait3A_118 = arith.constant 0 : i32
        %dma_wait3A_119 = tpu.memref_slice %arg2[%run_scoped3A_108, %add3A_12, %dma_wait3A_118] : memref<2x2500x128xi32, #tpu.memory_space<hbm>> -> memref<1x40x128xi32, #tpu.memory_space<hbm>>
        %dma_wait3A_120 = tpu.memref_squeeze %dma_wait3A_119 : memref<1x40x128xi32, #tpu.memory_space<hbm>> -> memref<40x128xi32, #tpu.memory_space<hbm>>
        tpu.wait_dma2 semaphore(%run_scoped3A_109 : memref<!tpu.dma_semaphore, #tpu.memory_space<semaphore_mem>>) src(%dma_wait3A_120 : memref<40x128xi32, #tpu.memory_space<hbm>>) dst(%arg10 : memref<40x128xi32, #tpu.memory_space<vmem>>)
        tpu.yield
      }) : () -> ()
    } else {
    }
    %eq3A = arith.constant 31 : i32
    %eq3A_15 = arith.cmpi eq, %add3A, %eq3A : i32
    %convert_element_type3A_16 = arith.extui %eq3A_15 : i1 to i32
    %cond3A_17 = arith.constant 0 : i32
    %cond3A_18 = arith.cmpi ne, %convert_element_type3A_16, %cond3A_17 : i32
    scf.if %cond3A_18 {
      "tpu.region"() ({
        %run_scoped3A = tpu.sem_alloc : memref<!tpu.dma_semaphore, #tpu.memory_space<semaphore_mem>>
        %dma_start3A = arith.constant 0 : i32
        %dma_start3A_108 = arith.constant 0 : i32
        %dma_start3A_109 = tpu.memref_slice %arg3[%dma_start3A, %dma_start3A_108] : memref<80x128xi32, #tpu.memory_space<hbm>> -> memref<40x128xi32, #tpu.memory_space<hbm>>
        %dma_start3A_110 = arith.constant 0 : i32
        %dma_start3A_111 = arith.constant 0 : i32
        %dma_start3A_112 = tpu.memref_slice %arg3[%dma_start3A_110, %dma_start3A_111] : memref<80x128xi32, #tpu.memory_space<hbm>> -> memref<40x128xi32, #tpu.memory_space<hbm>>
        tpu.enqueue_dma source(%dma_start3A_112 : memref<40x128xi32, #tpu.memory_space<hbm>>) target(%arg9 : memref<40x128xi32, #tpu.memory_space<vmem>>) target_semaphore(%run_scoped3A : memref<!tpu.dma_semaphore, #tpu.memory_space<semaphore_mem>>)
        %dma_wait3A_113 = arith.constant 0 : i32
        %dma_wait3A_114 = arith.constant 0 : i32
        %dma_wait3A_115 = tpu.memref_slice %arg3[%dma_wait3A_113, %dma_wait3A_114] : memref<80x128xi32, #tpu.memory_space<hbm>> -> memref<40x128xi32, #tpu.memory_space<hbm>>
        %dma_wait3A_116 = arith.constant 0 : i32
        %dma_wait3A_117 = arith.constant 0 : i32
        %dma_wait3A_118 = tpu.memref_slice %arg3[%dma_wait3A_116, %dma_wait3A_117] : memref<80x128xi32, #tpu.memory_space<hbm>> -> memref<40x128xi32, #tpu.memory_space<hbm>>
        tpu.wait_dma2 semaphore(%run_scoped3A : memref<!tpu.dma_semaphore, #tpu.memory_space<semaphore_mem>>) src(%dma_wait3A_118 : memref<40x128xi32, #tpu.memory_space<hbm>>) dst(%arg9 : memref<40x128xi32, #tpu.memory_space<vmem>>)
        tpu.yield
      }) : () -> ()
      "tpu.region"() ({
        %run_scoped3A = tpu.sem_alloc : memref<!tpu.dma_semaphore, #tpu.memory_space<semaphore_mem>>
        %dma_start3A = arith.constant 0 : i32
        %dma_start3A_108 = arith.constant 0 : i32
        %dma_start3A_109 = tpu.memref_slice %arg4[%dma_start3A, %dma_start3A_108] : memref<80x128xi32, #tpu.memory_space<hbm>> -> memref<40x128xi32, #tpu.memory_space<hbm>>
        %dma_start3A_110 = arith.constant 0 : i32
        %dma_start3A_111 = arith.constant 0 : i32
        %dma_start3A_112 = tpu.memref_slice %arg4[%dma_start3A_110, %dma_start3A_111] : memref<80x128xi32, #tpu.memory_space<hbm>> -> memref<40x128xi32, #tpu.memory_space<hbm>>
        tpu.enqueue_dma source(%dma_start3A_112 : memref<40x128xi32, #tpu.memory_space<hbm>>) target(%arg10 : memref<40x128xi32, #tpu.memory_space<vmem>>) target_semaphore(%run_scoped3A : memref<!tpu.dma_semaphore, #tpu.memory_space<semaphore_mem>>)
        %dma_wait3A_113 = arith.constant 0 : i32
        %dma_wait3A_114 = arith.constant 0 : i32
        %dma_wait3A_115 = tpu.memref_slice %arg4[%dma_wait3A_113, %dma_wait3A_114] : memref<80x128xi32, #tpu.memory_space<hbm>> -> memref<40x128xi32, #tpu.memory_space<hbm>>
        %dma_wait3A_116 = arith.constant 0 : i32
        %dma_wait3A_117 = arith.constant 0 : i32
        %dma_wait3A_118 = tpu.memref_slice %arg4[%dma_wait3A_116, %dma_wait3A_117] : memref<80x128xi32, #tpu.memory_space<hbm>> -> memref<40x128xi32, #tpu.memory_space<hbm>>
        tpu.wait_dma2 semaphore(%run_scoped3A : memref<!tpu.dma_semaphore, #tpu.memory_space<semaphore_mem>>) src(%dma_wait3A_118 : memref<40x128xi32, #tpu.memory_space<hbm>>) dst(%arg10 : memref<40x128xi32, #tpu.memory_space<vmem>>)
        tpu.yield
      }) : () -> ()
    } else {
    }
    %scan3A = arith.constant 0 : i32
    %scan3A_19 = arith.constant 0 : i32
    %scan3A_20 = arith.constant 40 : i32
    %scan3A_21 = arith.addi %scan3A_19, %scan3A_20 : i32
    %scan3A_22 = arith.constant 1 : i32
    scf.for %scan3A_108 = %scan3A_19 to %scan3A_21 step %scan3A_22  : i32 {
      %ge3A = arith.constant 2 : i32
      %ge3A_109 = arith.cmpi sge, %scan3A_108, %ge3A : i32
      %convert_element_type3A_110 = arith.extui %ge3A_109 : i1 to i32
      %cond3A_111 = arith.constant 0 : i32
      %cond3A_112 = arith.cmpi ne, %convert_element_type3A_110, %cond3A_111 : i32
      scf.if %cond3A_112 {
        %sub3A = arith.constant 2 : i32
        %sub3A_124 = arith.subi %scan3A_108, %sub3A : i32
        %dma_wait3A_125 = arith.constant 0 : i32
        %dma_wait3A_126 = tpu.memref_slice %arg9[%sub3A_124, %dma_wait3A_125] : memref<40x128xi32, #tpu.memory_space<vmem>> -> memref<1x128xi32, #tpu.memory_space<vmem>>
        %dma_wait3A_127 = tpu.memref_squeeze %dma_wait3A_126 : memref<1x128xi32, #tpu.memory_space<vmem>> -> memref<128xi32, #tpu.memory_space<vmem>>
        %dma_wait3A_128 = arith.constant 0 : i32
        %dma_wait3A_129 = arith.constant 0 : i32
        %dma_wait3A_130 = tpu.memref_slice %arg12[%dma_wait3A_128, %dma_wait3A_129] : memref<10112x16xf32, #tpu.memory_space<vmem_shared>> -> memref<10112x16xf32, #tpu.memory_space<vmem_shared>>
        tpu.wait_indirect_dma semaphore(%arg14 : memref<!tpu.dma_semaphore, #tpu.memory_space<semaphore_mem>>) src(%arg11 : memref<128x16xf32, #tpu.memory_space<vmem>>) dst(%dma_wait3A_130 : memref<10112x16xf32, #tpu.memory_space<vmem_shared>>)
        %sub3A_131 = arith.constant 2 : i32
        %sub3A_132 = arith.subi %scan3A_108, %sub3A_131 : i32
        %dma_wait3A_133 = arith.constant 0 : i32
        %dma_wait3A_134 = tpu.memref_slice %arg10[%sub3A_132, %dma_wait3A_133] : memref<40x128xi32, #tpu.memory_space<vmem>> -> memref<1x128xi32, #tpu.memory_space<vmem>>
        %dma_wait3A_135 = tpu.memref_squeeze %dma_wait3A_134 : memref<1x128xi32, #tpu.memory_space<vmem>> -> memref<128xi32, #tpu.memory_space<vmem>>
        %dma_wait3A_136 = arith.constant 0 : i32
        %dma_wait3A_137 = arith.constant 0 : i32
        %dma_wait3A_138 = tpu.memref_slice %arg13[%dma_wait3A_136, %dma_wait3A_137] : memref<10112x16xf32, #tpu.memory_space<vmem_shared>> -> memref<10112x16xf32, #tpu.memory_space<vmem_shared>>
        tpu.wait_indirect_dma semaphore(%arg15 : memref<!tpu.dma_semaphore, #tpu.memory_space<semaphore_mem>>) src(%arg11 : memref<128x16xf32, #tpu.memory_space<vmem>>) dst(%dma_wait3A_138 : memref<10112x16xf32, #tpu.memory_space<vmem_shared>>)
      } else {
      }
      %dma_start3A = arith.constant 0 : i32
      %dma_start3A_113 = tpu.memref_slice %arg9[%scan3A_108, %dma_start3A] : memref<40x128xi32, #tpu.memory_space<vmem>> -> memref<1x128xi32, #tpu.memory_space<vmem>>
      %dma_start3A_114 = tpu.memref_squeeze %dma_start3A_113 : memref<1x128xi32, #tpu.memory_space<vmem>> -> memref<128xi32, #tpu.memory_space<vmem>>
      %dma_start3A_115 = arith.constant 0 : i32
      %dma_start3A_116 = arith.constant 0 : i32
      %dma_start3A_117 = tpu.memref_slice %arg12[%dma_start3A_115, %dma_start3A_116] : memref<10112x16xf32, #tpu.memory_space<vmem_shared>> -> memref<10112x16xf32, #tpu.memory_space<vmem_shared>>
      tpu.enqueue_indirect_dma source(%arg11 : memref<128x16xf32, #tpu.memory_space<vmem>>) target(%dma_start3A_117 : memref<10112x16xf32, #tpu.memory_space<vmem_shared>>) offsets(%dma_start3A_114 : memref<128xi32, #tpu.memory_space<vmem>>) semaphore(%arg14 : memref<!tpu.dma_semaphore, #tpu.memory_space<semaphore_mem>>) {add = true}
      %dma_start3A_118 = arith.constant 0 : i32
      %dma_start3A_119 = tpu.memref_slice %arg10[%scan3A_108, %dma_start3A_118] : memref<40x128xi32, #tpu.memory_space<vmem>> -> memref<1x128xi32, #tpu.memory_space<vmem>>
      %dma_start3A_120 = tpu.memref_squeeze %dma_start3A_119 : memref<1x128xi32, #tpu.memory_space<vmem>> -> memref<128xi32, #tpu.memory_space<vmem>>
      %dma_start3A_121 = arith.constant 0 : i32
      %dma_start3A_122 = arith.constant 0 : i32
      %dma_start3A_123 = tpu.memref_slice %arg13[%dma_start3A_121, %dma_start3A_122] : memref<10112x16xf32, #tpu.memory_space<vmem_shared>> -> memref<10112x16xf32, #tpu.memory_space<vmem_shared>>
      tpu.enqueue_indirect_dma source(%arg11 : memref<128x16xf32, #tpu.memory_space<vmem>>) target(%dma_start3A_123 : memref<10112x16xf32, #tpu.memory_space<vmem_shared>>) offsets(%dma_start3A_120 : memref<128xi32, #tpu.memory_space<vmem>>) semaphore(%arg15 : memref<!tpu.dma_semaphore, #tpu.memory_space<semaphore_mem>>) {add = true}
    }
    %scan3A_23 = arith.constant 40 : i32
    %dma_wait3A = arith.constant 38 : i32
    %dma_wait3A_24 = arith.constant 0 : i32
    %dma_wait3A_25 = tpu.memref_slice %arg9[%dma_wait3A, %dma_wait3A_24] : memref<40x128xi32, #tpu.memory_space<vmem>> -> memref<1x128xi32, #tpu.memory_space<vmem>>
    %dma_wait3A_26 = tpu.memref_squeeze %dma_wait3A_25 : memref<1x128xi32, #tpu.memory_space<vmem>> -> memref<128xi32, #tpu.memory_space<vmem>>
    %dma_wait3A_27 = arith.constant 0 : i32
    %dma_wait3A_28 = arith.constant 0 : i32
    %dma_wait3A_29 = tpu.memref_slice %arg12[%dma_wait3A_27, %dma_wait3A_28] : memref<10112x16xf32, #tpu.memory_space<vmem_shared>> -> memref<10112x16xf32, #tpu.memory_space<vmem_shared>>
    tpu.wait_indirect_dma semaphore(%arg14 : memref<!tpu.dma_semaphore, #tpu.memory_space<semaphore_mem>>) src(%arg11 : memref<128x16xf32, #tpu.memory_space<vmem>>) dst(%dma_wait3A_29 : memref<10112x16xf32, #tpu.memory_space<vmem_shared>>)
    %dma_wait3A_30 = arith.constant 38 : i32
    %dma_wait3A_31 = arith.constant 0 : i32
    %dma_wait3A_32 = tpu.memref_slice %arg10[%dma_wait3A_30, %dma_wait3A_31] : memref<40x128xi32, #tpu.memory_space<vmem>> -> memref<1x128xi32, #tpu.memory_space<vmem>>
    %dma_wait3A_33 = tpu.memref_squeeze %dma_wait3A_32 : memref<1x128xi32, #tpu.memory_space<vmem>> -> memref<128xi32, #tpu.memory_space<vmem>>
    %dma_wait3A_34 = arith.constant 0 : i32
    %dma_wait3A_35 = arith.constant 0 : i32
    %dma_wait3A_36 = tpu.memref_slice %arg13[%dma_wait3A_34, %dma_wait3A_35] : memref<10112x16xf32, #tpu.memory_space<vmem_shared>> -> memref<10112x16xf32, #tpu.memory_space<vmem_shared>>
    tpu.wait_indirect_dma semaphore(%arg15 : memref<!tpu.dma_semaphore, #tpu.memory_space<semaphore_mem>>) src(%arg11 : memref<128x16xf32, #tpu.memory_space<vmem>>) dst(%dma_wait3A_36 : memref<10112x16xf32, #tpu.memory_space<vmem_shared>>)
    %dma_wait3A_37 = arith.constant 39 : i32
    %dma_wait3A_38 = arith.constant 0 : i32
    %dma_wait3A_39 = tpu.memref_slice %arg9[%dma_wait3A_37, %dma_wait3A_38] : memref<40x128xi32, #tpu.memory_space<vmem>> -> memref<1x128xi32, #tpu.memory_space<vmem>>
    %dma_wait3A_40 = tpu.memref_squeeze %dma_wait3A_39 : memref<1x128xi32, #tpu.memory_space<vmem>> -> memref<128xi32, #tpu.memory_space<vmem>>
    %dma_wait3A_41 = arith.constant 0 : i32
    %dma_wait3A_42 = arith.constant 0 : i32
    %dma_wait3A_43 = tpu.memref_slice %arg12[%dma_wait3A_41, %dma_wait3A_42] : memref<10112x16xf32, #tpu.memory_space<vmem_shared>> -> memref<10112x16xf32, #tpu.memory_space<vmem_shared>>
    tpu.wait_indirect_dma semaphore(%arg14 : memref<!tpu.dma_semaphore, #tpu.memory_space<semaphore_mem>>) src(%arg11 : memref<128x16xf32, #tpu.memory_space<vmem>>) dst(%dma_wait3A_43 : memref<10112x16xf32, #tpu.memory_space<vmem_shared>>)
    %dma_wait3A_44 = arith.constant 39 : i32
    %dma_wait3A_45 = arith.constant 0 : i32
    %dma_wait3A_46 = tpu.memref_slice %arg10[%dma_wait3A_44, %dma_wait3A_45] : memref<40x128xi32, #tpu.memory_space<vmem>> -> memref<1x128xi32, #tpu.memory_space<vmem>>
    %dma_wait3A_47 = tpu.memref_squeeze %dma_wait3A_46 : memref<1x128xi32, #tpu.memory_space<vmem>> -> memref<128xi32, #tpu.memory_space<vmem>>
    %dma_wait3A_48 = arith.constant 0 : i32
    %dma_wait3A_49 = arith.constant 0 : i32
    %dma_wait3A_50 = tpu.memref_slice %arg13[%dma_wait3A_48, %dma_wait3A_49] : memref<10112x16xf32, #tpu.memory_space<vmem_shared>> -> memref<10112x16xf32, #tpu.memory_space<vmem_shared>>
    tpu.wait_indirect_dma semaphore(%arg15 : memref<!tpu.dma_semaphore, #tpu.memory_space<semaphore_mem>>) src(%arg11 : memref<128x16xf32, #tpu.memory_space<vmem>>) dst(%dma_wait3A_50 : memref<10112x16xf32, #tpu.memory_space<vmem_shared>>)
    %mul3A_51 = arith.constant 80 : i32
    %mul3A_52 = arith.muli %add3A, %mul3A_51 : i32
    %add3A_53 = arith.constant 40 : i32
    %add3A_54 = arith.addi %mul3A_52, %add3A_53 : i32
    %lt3A_55 = arith.constant 31 : i32
    %lt3A_56 = arith.cmpi slt, %add3A, %lt3A_55 : i32
    %convert_element_type3A_57 = arith.extui %lt3A_56 : i1 to i32
    %cond3A_58 = arith.constant 0 : i32
    %cond3A_59 = arith.cmpi ne, %convert_element_type3A_57, %cond3A_58 : i32
    scf.if %cond3A_59 {
      %run_scoped3A = arith.constant 0 : i32
      "tpu.region"() ({
        %run_scoped3A_109 = tpu.sem_alloc : memref<!tpu.dma_semaphore, #tpu.memory_space<semaphore_mem>>
        %dma_start3A = arith.constant 0 : i32
        %dma_start3A_110 = tpu.memref_slice %arg2[%run_scoped3A, %add3A_54, %dma_start3A] : memref<2x2500x128xi32, #tpu.memory_space<hbm>> -> memref<1x40x128xi32, #tpu.memory_space<hbm>>
        %dma_start3A_111 = tpu.memref_squeeze %dma_start3A_110 : memref<1x40x128xi32, #tpu.memory_space<hbm>> -> memref<40x128xi32, #tpu.memory_space<hbm>>
        %dma_start3A_112 = arith.constant 0 : i32
        %dma_start3A_113 = tpu.memref_slice %arg2[%run_scoped3A, %add3A_54, %dma_start3A_112] : memref<2x2500x128xi32, #tpu.memory_space<hbm>> -> memref<1x40x128xi32, #tpu.memory_space<hbm>>
        %dma_start3A_114 = tpu.memref_squeeze %dma_start3A_113 : memref<1x40x128xi32, #tpu.memory_space<hbm>> -> memref<40x128xi32, #tpu.memory_space<hbm>>
        tpu.enqueue_dma source(%dma_start3A_114 : memref<40x128xi32, #tpu.memory_space<hbm>>) target(%arg9 : memref<40x128xi32, #tpu.memory_space<vmem>>) target_semaphore(%run_scoped3A_109 : memref<!tpu.dma_semaphore, #tpu.memory_space<semaphore_mem>>)
        %dma_wait3A_115 = arith.constant 0 : i32
        %dma_wait3A_116 = tpu.memref_slice %arg2[%run_scoped3A, %add3A_54, %dma_wait3A_115] : memref<2x2500x128xi32, #tpu.memory_space<hbm>> -> memref<1x40x128xi32, #tpu.memory_space<hbm>>
        %dma_wait3A_117 = tpu.memref_squeeze %dma_wait3A_116 : memref<1x40x128xi32, #tpu.memory_space<hbm>> -> memref<40x128xi32, #tpu.memory_space<hbm>>
        %dma_wait3A_118 = arith.constant 0 : i32
        %dma_wait3A_119 = tpu.memref_slice %arg2[%run_scoped3A, %add3A_54, %dma_wait3A_118] : memref<2x2500x128xi32, #tpu.memory_space<hbm>> -> memref<1x40x128xi32, #tpu.memory_space<hbm>>
        %dma_wait3A_120 = tpu.memref_squeeze %dma_wait3A_119 : memref<1x40x128xi32, #tpu.memory_space<hbm>> -> memref<40x128xi32, #tpu.memory_space<hbm>>
        tpu.wait_dma2 semaphore(%run_scoped3A_109 : memref<!tpu.dma_semaphore, #tpu.memory_space<semaphore_mem>>) src(%dma_wait3A_120 : memref<40x128xi32, #tpu.memory_space<hbm>>) dst(%arg9 : memref<40x128xi32, #tpu.memory_space<vmem>>)
        tpu.yield
      }) : () -> ()
      %run_scoped3A_108 = arith.constant 1 : i32
      "tpu.region"() ({
        %run_scoped3A_109 = tpu.sem_alloc : memref<!tpu.dma_semaphore, #tpu.memory_space<semaphore_mem>>
        %dma_start3A = arith.constant 0 : i32
        %dma_start3A_110 = tpu.memref_slice %arg2[%run_scoped3A_108, %add3A_54, %dma_start3A] : memref<2x2500x128xi32, #tpu.memory_space<hbm>> -> memref<1x40x128xi32, #tpu.memory_space<hbm>>
        %dma_start3A_111 = tpu.memref_squeeze %dma_start3A_110 : memref<1x40x128xi32, #tpu.memory_space<hbm>> -> memref<40x128xi32, #tpu.memory_space<hbm>>
        %dma_start3A_112 = arith.constant 0 : i32
        %dma_start3A_113 = tpu.memref_slice %arg2[%run_scoped3A_108, %add3A_54, %dma_start3A_112] : memref<2x2500x128xi32, #tpu.memory_space<hbm>> -> memref<1x40x128xi32, #tpu.memory_space<hbm>>
        %dma_start3A_114 = tpu.memref_squeeze %dma_start3A_113 : memref<1x40x128xi32, #tpu.memory_space<hbm>> -> memref<40x128xi32, #tpu.memory_space<hbm>>
        tpu.enqueue_dma source(%dma_start3A_114 : memref<40x128xi32, #tpu.memory_space<hbm>>) target(%arg10 : memref<40x128xi32, #tpu.memory_space<vmem>>) target_semaphore(%run_scoped3A_109 : memref<!tpu.dma_semaphore, #tpu.memory_space<semaphore_mem>>)
        %dma_wait3A_115 = arith.constant 0 : i32
        %dma_wait3A_116 = tpu.memref_slice %arg2[%run_scoped3A_108, %add3A_54, %dma_wait3A_115] : memref<2x2500x128xi32, #tpu.memory_space<hbm>> -> memref<1x40x128xi32, #tpu.memory_space<hbm>>
        %dma_wait3A_117 = tpu.memref_squeeze %dma_wait3A_116 : memref<1x40x128xi32, #tpu.memory_space<hbm>> -> memref<40x128xi32, #tpu.memory_space<hbm>>
        %dma_wait3A_118 = arith.constant 0 : i32
        %dma_wait3A_119 = tpu.memref_slice %arg2[%run_scoped3A_108, %add3A_54, %dma_wait3A_118] : memref<2x2500x128xi32, #tpu.memory_space<hbm>> -> memref<1x40x128xi32, #tpu.memory_space<hbm>>
        %dma_wait3A_120 = tpu.memref_squeeze %dma_wait3A_119 : memref<1x40x128xi32, #tpu.memory_space<hbm>> -> memref<40x128xi32, #tpu.memory_space<hbm>>
        tpu.wait_dma2 semaphore(%run_scoped3A_109 : memref<!tpu.dma_semaphore, #tpu.memory_space<semaphore_mem>>) src(%dma_wait3A_120 : memref<40x128xi32, #tpu.memory_space<hbm>>) dst(%arg10 : memref<40x128xi32, #tpu.memory_space<vmem>>)
        tpu.yield
      }) : () -> ()
    } else {
    }
    %eq3A_60 = arith.constant 31 : i32
    %eq3A_61 = arith.cmpi eq, %add3A, %eq3A_60 : i32
    %convert_element_type3A_62 = arith.extui %eq3A_61 : i1 to i32
    %cond3A_63 = arith.constant 0 : i32
    %cond3A_64 = arith.cmpi ne, %convert_element_type3A_62, %cond3A_63 : i32
    scf.if %cond3A_64 {
      "tpu.region"() ({
        %run_scoped3A = tpu.sem_alloc : memref<!tpu.dma_semaphore, #tpu.memory_space<semaphore_mem>>
        %dma_start3A = arith.constant 40 : i32
        %dma_start3A_108 = arith.constant 0 : i32
        %dma_start3A_109 = tpu.memref_slice %arg3[%dma_start3A, %dma_start3A_108] : memref<80x128xi32, #tpu.memory_space<hbm>> -> memref<40x128xi32, #tpu.memory_space<hbm>>
        %dma_start3A_110 = arith.constant 40 : i32
        %dma_start3A_111 = arith.constant 0 : i32
        %dma_start3A_112 = tpu.memref_slice %arg3[%dma_start3A_110, %dma_start3A_111] : memref<80x128xi32, #tpu.memory_space<hbm>> -> memref<40x128xi32, #tpu.memory_space<hbm>>
        tpu.enqueue_dma source(%dma_start3A_112 : memref<40x128xi32, #tpu.memory_space<hbm>>) target(%arg9 : memref<40x128xi32, #tpu.memory_space<vmem>>) target_semaphore(%run_scoped3A : memref<!tpu.dma_semaphore, #tpu.memory_space<semaphore_mem>>)
        %dma_wait3A_113 = arith.constant 40 : i32
        %dma_wait3A_114 = arith.constant 0 : i32
        %dma_wait3A_115 = tpu.memref_slice %arg3[%dma_wait3A_113, %dma_wait3A_114] : memref<80x128xi32, #tpu.memory_space<hbm>> -> memref<40x128xi32, #tpu.memory_space<hbm>>
        %dma_wait3A_116 = arith.constant 40 : i32
        %dma_wait3A_117 = arith.constant 0 : i32
        %dma_wait3A_118 = tpu.memref_slice %arg3[%dma_wait3A_116, %dma_wait3A_117] : memref<80x128xi32, #tpu.memory_space<hbm>> -> memref<40x128xi32, #tpu.memory_space<hbm>>
        tpu.wait_dma2 semaphore(%run_scoped3A : memref<!tpu.dma_semaphore, #tpu.memory_space<semaphore_mem>>) src(%dma_wait3A_118 : memref<40x128xi32, #tpu.memory_space<hbm>>) dst(%arg9 : memref<40x128xi32, #tpu.memory_space<vmem>>)
        tpu.yield
      }) : () -> ()
      "tpu.region"() ({
        %run_scoped3A = tpu.sem_alloc : memref<!tpu.dma_semaphore, #tpu.memory_space<semaphore_mem>>
        %dma_start3A = arith.constant 40 : i32
        %dma_start3A_108 = arith.constant 0 : i32
        %dma_start3A_109 = tpu.memref_slice %arg4[%dma_start3A, %dma_start3A_108] : memref<80x128xi32, #tpu.memory_space<hbm>> -> memref<40x128xi32, #tpu.memory_space<hbm>>
        %dma_start3A_110 = arith.constant 40 : i32
        %dma_start3A_111 = arith.constant 0 : i32
        %dma_start3A_112 = tpu.memref_slice %arg4[%dma_start3A_110, %dma_start3A_111] : memref<80x128xi32, #tpu.memory_space<hbm>> -> memref<40x128xi32, #tpu.memory_space<hbm>>
        tpu.enqueue_dma source(%dma_start3A_112 : memref<40x128xi32, #tpu.memory_space<hbm>>) target(%arg10 : memref<40x128xi32, #tpu.memory_space<vmem>>) target_semaphore(%run_scoped3A : memref<!tpu.dma_semaphore, #tpu.memory_space<semaphore_mem>>)
        %dma_wait3A_113 = arith.constant 40 : i32
        %dma_wait3A_114 = arith.constant 0 : i32
        %dma_wait3A_115 = tpu.memref_slice %arg4[%dma_wait3A_113, %dma_wait3A_114] : memref<80x128xi32, #tpu.memory_space<hbm>> -> memref<40x128xi32, #tpu.memory_space<hbm>>
        %dma_wait3A_116 = arith.constant 40 : i32
        %dma_wait3A_117 = arith.constant 0 : i32
        %dma_wait3A_118 = tpu.memref_slice %arg4[%dma_wait3A_116, %dma_wait3A_117] : memref<80x128xi32, #tpu.memory_space<hbm>> -> memref<40x128xi32, #tpu.memory_space<hbm>>
        tpu.wait_dma2 semaphore(%run_scoped3A : memref<!tpu.dma_semaphore, #tpu.memory_space<semaphore_mem>>) src(%dma_wait3A_118 : memref<40x128xi32, #tpu.memory_space<hbm>>) dst(%arg10 : memref<40x128xi32, #tpu.memory_space<vmem>>)
        tpu.yield
      }) : () -> ()
    } else {
    }
    %scan3A_65 = arith.constant 0 : i32
    %scan3A_66 = arith.constant 0 : i32
    %scan3A_67 = arith.constant 40 : i32
    %scan3A_68 = arith.addi %scan3A_66, %scan3A_67 : i32
    %scan3A_69 = arith.constant 1 : i32
    scf.for %scan3A_108 = %scan3A_66 to %scan3A_68 step %scan3A_69  : i32 {
      %ge3A = arith.constant 2 : i32
      %ge3A_109 = arith.cmpi sge, %scan3A_108, %ge3A : i32
      %convert_element_type3A_110 = arith.extui %ge3A_109 : i1 to i32
      %cond3A_111 = arith.constant 0 : i32
      %cond3A_112 = arith.cmpi ne, %convert_element_type3A_110, %cond3A_111 : i32
      scf.if %cond3A_112 {
        %sub3A = arith.constant 2 : i32
        %sub3A_124 = arith.subi %scan3A_108, %sub3A : i32
        %dma_wait3A_125 = arith.constant 0 : i32
        %dma_wait3A_126 = tpu.memref_slice %arg9[%sub3A_124, %dma_wait3A_125] : memref<40x128xi32, #tpu.memory_space<vmem>> -> memref<1x128xi32, #tpu.memory_space<vmem>>
        %dma_wait3A_127 = tpu.memref_squeeze %dma_wait3A_126 : memref<1x128xi32, #tpu.memory_space<vmem>> -> memref<128xi32, #tpu.memory_space<vmem>>
        %dma_wait3A_128 = arith.constant 0 : i32
        %dma_wait3A_129 = arith.constant 0 : i32
        %dma_wait3A_130 = tpu.memref_slice %arg12[%dma_wait3A_128, %dma_wait3A_129] : memref<10112x16xf32, #tpu.memory_space<vmem_shared>> -> memref<10112x16xf32, #tpu.memory_space<vmem_shared>>
        tpu.wait_indirect_dma semaphore(%arg14 : memref<!tpu.dma_semaphore, #tpu.memory_space<semaphore_mem>>) src(%arg11 : memref<128x16xf32, #tpu.memory_space<vmem>>) dst(%dma_wait3A_130 : memref<10112x16xf32, #tpu.memory_space<vmem_shared>>)
        %sub3A_131 = arith.constant 2 : i32
        %sub3A_132 = arith.subi %scan3A_108, %sub3A_131 : i32
        %dma_wait3A_133 = arith.constant 0 : i32
        %dma_wait3A_134 = tpu.memref_slice %arg10[%sub3A_132, %dma_wait3A_133] : memref<40x128xi32, #tpu.memory_space<vmem>> -> memref<1x128xi32, #tpu.memory_space<vmem>>
        %dma_wait3A_135 = tpu.memref_squeeze %dma_wait3A_134 : memref<1x128xi32, #tpu.memory_space<vmem>> -> memref<128xi32, #tpu.memory_space<vmem>>
        %dma_wait3A_136 = arith.constant 0 : i32
        %dma_wait3A_137 = arith.constant 0 : i32
        %dma_wait3A_138 = tpu.memref_slice %arg13[%dma_wait3A_136, %dma_wait3A_137] : memref<10112x16xf32, #tpu.memory_space<vmem_shared>> -> memref<10112x16xf32, #tpu.memory_space<vmem_shared>>
        tpu.wait_indirect_dma semaphore(%arg15 : memref<!tpu.dma_semaphore, #tpu.memory_space<semaphore_mem>>) src(%arg11 : memref<128x16xf32, #tpu.memory_space<vmem>>) dst(%dma_wait3A_138 : memref<10112x16xf32, #tpu.memory_space<vmem_shared>>)
      } else {
      }
      %dma_start3A = arith.constant 0 : i32
      %dma_start3A_113 = tpu.memref_slice %arg9[%scan3A_108, %dma_start3A] : memref<40x128xi32, #tpu.memory_space<vmem>> -> memref<1x128xi32, #tpu.memory_space<vmem>>
      %dma_start3A_114 = tpu.memref_squeeze %dma_start3A_113 : memref<1x128xi32, #tpu.memory_space<vmem>> -> memref<128xi32, #tpu.memory_space<vmem>>
      %dma_start3A_115 = arith.constant 0 : i32
      %dma_start3A_116 = arith.constant 0 : i32
      %dma_start3A_117 = tpu.memref_slice %arg12[%dma_start3A_115, %dma_start3A_116] : memref<10112x16xf32, #tpu.memory_space<vmem_shared>> -> memref<10112x16xf32, #tpu.memory_space<vmem_shared>>
      tpu.enqueue_indirect_dma source(%arg11 : memref<128x16xf32, #tpu.memory_space<vmem>>) target(%dma_start3A_117 : memref<10112x16xf32, #tpu.memory_space<vmem_shared>>) offsets(%dma_start3A_114 : memref<128xi32, #tpu.memory_space<vmem>>) semaphore(%arg14 : memref<!tpu.dma_semaphore, #tpu.memory_space<semaphore_mem>>) {add = true}
      %dma_start3A_118 = arith.constant 0 : i32
      %dma_start3A_119 = tpu.memref_slice %arg10[%scan3A_108, %dma_start3A_118] : memref<40x128xi32, #tpu.memory_space<vmem>> -> memref<1x128xi32, #tpu.memory_space<vmem>>
      %dma_start3A_120 = tpu.memref_squeeze %dma_start3A_119 : memref<1x128xi32, #tpu.memory_space<vmem>> -> memref<128xi32, #tpu.memory_space<vmem>>
      %dma_start3A_121 = arith.constant 0 : i32
      %dma_start3A_122 = arith.constant 0 : i32
      %dma_start3A_123 = tpu.memref_slice %arg13[%dma_start3A_121, %dma_start3A_122] : memref<10112x16xf32, #tpu.memory_space<vmem_shared>> -> memref<10112x16xf32, #tpu.memory_space<vmem_shared>>
      tpu.enqueue_indirect_dma source(%arg11 : memref<128x16xf32, #tpu.memory_space<vmem>>) target(%dma_start3A_123 : memref<10112x16xf32, #tpu.memory_space<vmem_shared>>) offsets(%dma_start3A_120 : memref<128xi32, #tpu.memory_space<vmem>>) semaphore(%arg15 : memref<!tpu.dma_semaphore, #tpu.memory_space<semaphore_mem>>) {add = true}
    }
    %scan3A_70 = arith.constant 40 : i32
    %dma_wait3A_71 = arith.constant 38 : i32
    %dma_wait3A_72 = arith.constant 0 : i32
    %dma_wait3A_73 = tpu.memref_slice %arg9[%dma_wait3A_71, %dma_wait3A_72] : memref<40x128xi32, #tpu.memory_space<vmem>> -> memref<1x128xi32, #tpu.memory_space<vmem>>
    %dma_wait3A_74 = tpu.memref_squeeze %dma_wait3A_73 : memref<1x128xi32, #tpu.memory_space<vmem>> -> memref<128xi32, #tpu.memory_space<vmem>>
    %dma_wait3A_75 = arith.constant 0 : i32
    %dma_wait3A_76 = arith.constant 0 : i32
    %dma_wait3A_77 = tpu.memref_slice %arg12[%dma_wait3A_75, %dma_wait3A_76] : memref<10112x16xf32, #tpu.memory_space<vmem_shared>> -> memref<10112x16xf32, #tpu.memory_space<vmem_shared>>
    tpu.wait_indirect_dma semaphore(%arg14 : memref<!tpu.dma_semaphore, #tpu.memory_space<semaphore_mem>>) src(%arg11 : memref<128x16xf32, #tpu.memory_space<vmem>>) dst(%dma_wait3A_77 : memref<10112x16xf32, #tpu.memory_space<vmem_shared>>)
    %dma_wait3A_78 = arith.constant 38 : i32
    %dma_wait3A_79 = arith.constant 0 : i32
    %dma_wait3A_80 = tpu.memref_slice %arg10[%dma_wait3A_78, %dma_wait3A_79] : memref<40x128xi32, #tpu.memory_space<vmem>> -> memref<1x128xi32, #tpu.memory_space<vmem>>
    %dma_wait3A_81 = tpu.memref_squeeze %dma_wait3A_80 : memref<1x128xi32, #tpu.memory_space<vmem>> -> memref<128xi32, #tpu.memory_space<vmem>>
    %dma_wait3A_82 = arith.constant 0 : i32
    %dma_wait3A_83 = arith.constant 0 : i32
    %dma_wait3A_84 = tpu.memref_slice %arg13[%dma_wait3A_82, %dma_wait3A_83] : memref<10112x16xf32, #tpu.memory_space<vmem_shared>> -> memref<10112x16xf32, #tpu.memory_space<vmem_shared>>
    tpu.wait_indirect_dma semaphore(%arg15 : memref<!tpu.dma_semaphore, #tpu.memory_space<semaphore_mem>>) src(%arg11 : memref<128x16xf32, #tpu.memory_space<vmem>>) dst(%dma_wait3A_84 : memref<10112x16xf32, #tpu.memory_space<vmem_shared>>)
    %dma_wait3A_85 = arith.constant 39 : i32
    %dma_wait3A_86 = arith.constant 0 : i32
    %dma_wait3A_87 = tpu.memref_slice %arg9[%dma_wait3A_85, %dma_wait3A_86] : memref<40x128xi32, #tpu.memory_space<vmem>> -> memref<1x128xi32, #tpu.memory_space<vmem>>
    %dma_wait3A_88 = tpu.memref_squeeze %dma_wait3A_87 : memref<1x128xi32, #tpu.memory_space<vmem>> -> memref<128xi32, #tpu.memory_space<vmem>>
    %dma_wait3A_89 = arith.constant 0 : i32
    %dma_wait3A_90 = arith.constant 0 : i32
    %dma_wait3A_91 = tpu.memref_slice %arg12[%dma_wait3A_89, %dma_wait3A_90] : memref<10112x16xf32, #tpu.memory_space<vmem_shared>> -> memref<10112x16xf32, #tpu.memory_space<vmem_shared>>
    tpu.wait_indirect_dma semaphore(%arg14 : memref<!tpu.dma_semaphore, #tpu.memory_space<semaphore_mem>>) src(%arg11 : memref<128x16xf32, #tpu.memory_space<vmem>>) dst(%dma_wait3A_91 : memref<10112x16xf32, #tpu.memory_space<vmem_shared>>)
    %dma_wait3A_92 = arith.constant 39 : i32
    %dma_wait3A_93 = arith.constant 0 : i32
    %dma_wait3A_94 = tpu.memref_slice %arg10[%dma_wait3A_92, %dma_wait3A_93] : memref<40x128xi32, #tpu.memory_space<vmem>> -> memref<1x128xi32, #tpu.memory_space<vmem>>
    %dma_wait3A_95 = tpu.memref_squeeze %dma_wait3A_94 : memref<1x128xi32, #tpu.memory_space<vmem>> -> memref<128xi32, #tpu.memory_space<vmem>>
    %dma_wait3A_96 = arith.constant 0 : i32
    %dma_wait3A_97 = arith.constant 0 : i32
    %dma_wait3A_98 = tpu.memref_slice %arg13[%dma_wait3A_96, %dma_wait3A_97] : memref<10112x16xf32, #tpu.memory_space<vmem_shared>> -> memref<10112x16xf32, #tpu.memory_space<vmem_shared>>
    tpu.wait_indirect_dma semaphore(%arg15 : memref<!tpu.dma_semaphore, #tpu.memory_space<semaphore_mem>>) src(%arg11 : memref<128x16xf32, #tpu.memory_space<vmem>>) dst(%dma_wait3A_98 : memref<10112x16xf32, #tpu.memory_space<vmem_shared>>)
    %barrier3A_99 = arith.constant 0 : index
    tpu.barrier barrier_id(%barrier3A_99)
    %mul3A_100 = arith.constant 632 : i32
    %mul3A_101 = arith.muli %arg1, %mul3A_100 : i32
    %mul3A_102 = arith.constant 632 : i32
    %mul3A_103 = arith.muli %arg1, %mul3A_102 : i32
    "tpu.region"() ({
      %run_scoped3A = tpu.sem_alloc : memref<!tpu.dma_semaphore, #tpu.memory_space<semaphore_mem>>
      %dma_start3A = arith.constant 0 : i32
      %dma_start3A_108 = tpu.memref_slice %arg7[%arg0, %mul3A_103, %dma_start3A] : memref<2x10112x16xf32, #tpu.memory_space<hbm>> -> memref<1x632x16xf32, #tpu.memory_space<hbm>>
      %dma_start3A_109 = tpu.memref_squeeze %dma_start3A_108 : memref<1x632x16xf32, #tpu.memory_space<hbm>> -> memref<632x16xf32, #tpu.memory_space<hbm>>
      %dma_start3A_110 = arith.constant 0 : i32
      %dma_start3A_111 = tpu.memref_slice %arg12[%mul3A_101, %dma_start3A_110] : memref<10112x16xf32, #tpu.memory_space<vmem_shared>> -> memref<632x16xf32, #tpu.memory_space<vmem_shared>>
      tpu.enqueue_dma source(%dma_start3A_111 : memref<632x16xf32, #tpu.memory_space<vmem_shared>>) target(%dma_start3A_109 : memref<632x16xf32, #tpu.memory_space<hbm>>) target_semaphore(%run_scoped3A : memref<!tpu.dma_semaphore, #tpu.memory_space<semaphore_mem>>)
      %dma_wait3A_112 = arith.constant 0 : i32
      %dma_wait3A_113 = tpu.memref_slice %arg7[%arg0, %mul3A_103, %dma_wait3A_112] : memref<2x10112x16xf32, #tpu.memory_space<hbm>> -> memref<1x632x16xf32, #tpu.memory_space<hbm>>
      %dma_wait3A_114 = tpu.memref_squeeze %dma_wait3A_113 : memref<1x632x16xf32, #tpu.memory_space<hbm>> -> memref<632x16xf32, #tpu.memory_space<hbm>>
      %dma_wait3A_115 = arith.constant 0 : i32
      %dma_wait3A_116 = tpu.memref_slice %arg12[%mul3A_101, %dma_wait3A_115] : memref<10112x16xf32, #tpu.memory_space<vmem_shared>> -> memref<632x16xf32, #tpu.memory_space<vmem_shared>>
      tpu.wait_dma2 semaphore(%run_scoped3A : memref<!tpu.dma_semaphore, #tpu.memory_space<semaphore_mem>>) src(%dma_wait3A_116 : memref<632x16xf32, #tpu.memory_space<vmem_shared>>) dst(%dma_wait3A_114 : memref<632x16xf32, #tpu.memory_space<hbm>>)
      tpu.yield
    }) : () -> ()
    %mul3A_104 = arith.constant 632 : i32
    %mul3A_105 = arith.muli %arg1, %mul3A_104 : i32
    %mul3A_106 = arith.constant 632 : i32
    %mul3A_107 = arith.muli %arg1, %mul3A_106 : i32
    "tpu.region"() ({
      %run_scoped3A = tpu.sem_alloc : memref<!tpu.dma_semaphore, #tpu.memory_space<semaphore_mem>>
      %dma_start3A = arith.constant 0 : i32
      %dma_start3A_108 = tpu.memref_slice %arg8[%arg0, %mul3A_107, %dma_start3A] : memref<2x10112x16xf32, #tpu.memory_space<hbm>> -> memref<1x632x16xf32, #tpu.memory_space<hbm>>
      %dma_start3A_109 = tpu.memref_squeeze %dma_start3A_108 : memref<1x632x16xf32, #tpu.memory_space<hbm>> -> memref<632x16xf32, #tpu.memory_space<hbm>>
      %dma_start3A_110 = arith.constant 0 : i32
      %dma_start3A_111 = tpu.memref_slice %arg13[%mul3A_105, %dma_start3A_110] : memref<10112x16xf32, #tpu.memory_space<vmem_shared>> -> memref<632x16xf32, #tpu.memory_space<vmem_shared>>
      tpu.enqueue_dma source(%dma_start3A_111 : memref<632x16xf32, #tpu.memory_space<vmem_shared>>) target(%dma_start3A_109 : memref<632x16xf32, #tpu.memory_space<hbm>>) target_semaphore(%run_scoped3A : memref<!tpu.dma_semaphore, #tpu.memory_space<semaphore_mem>>)
      %dma_wait3A_112 = arith.constant 0 : i32
      %dma_wait3A_113 = tpu.memref_slice %arg8[%arg0, %mul3A_107, %dma_wait3A_112] : memref<2x10112x16xf32, #tpu.memory_space<hbm>> -> memref<1x632x16xf32, #tpu.memory_space<hbm>>
      %dma_wait3A_114 = tpu.memref_squeeze %dma_wait3A_113 : memref<1x632x16xf32, #tpu.memory_space<hbm>> -> memref<632x16xf32, #tpu.memory_space<hbm>>
      %dma_wait3A_115 = arith.constant 0 : i32
      %dma_wait3A_116 = tpu.memref_slice %arg13[%mul3A_105, %dma_wait3A_115] : memref<10112x16xf32, #tpu.memory_space<vmem_shared>> -> memref<632x16xf32, #tpu.memory_space<vmem_shared>>
      tpu.wait_dma2 semaphore(%run_scoped3A : memref<!tpu.dma_semaphore, #tpu.memory_space<semaphore_mem>>) src(%dma_wait3A_116 : memref<632x16xf32, #tpu.memory_space<vmem_shared>>) dst(%dma_wait3A_114 : memref<632x16xf32, #tpu.memory_space<hbm>>)
      tpu.yield
    }) : () -> ()
    return
  }
}

#map = affine_map<(d0, d1) -> (0, 0, 0)>
#map1 = affine_map<(d0, d1) -> (0, 0)>
module attributes {stable_mosaic.version = 14 : i64} {
  func.func @scat(%arg0: i32, %arg1: i32, %arg2: memref<2x2500x128xi32, #tpu.memory_space<hbm>>, %arg3: memref<80x128xi32, #tpu.memory_space<hbm>>, %arg4: memref<80x128xi32, #tpu.memory_space<hbm>>, %arg5: memref<10000x128xf32, #tpu.memory_space<hbm>>, %arg6: memref<10112x128xf32, #tpu.memory_space<hbm>>, %arg7: memref<2x10112x128xf32, #tpu.memory_space<hbm>>, %arg8: memref<40x128xi32, #tpu.memory_space<vmem>>, %arg9: memref<40x128xi32, #tpu.memory_space<vmem>>, %arg10: memref<128x128xf32, #tpu.memory_space<vmem>>, %arg11: memref<128x128xf32, #tpu.memory_space<vmem>>, %arg12: memref<10112x128xf32, #tpu.memory_space<vmem_shared>>, %arg13: memref<!tpu.dma_semaphore, #tpu.memory_space<semaphore_mem>>, %arg14: memref<!tpu.dma_semaphore, #tpu.memory_space<semaphore_mem>>, %arg15: memref<!tpu.dma_semaphore, #tpu.memory_space<semaphore_mem>>, %arg16: memref<!tpu.dma_semaphore, #tpu.memory_space<semaphore_mem>>) attributes {dimension_semantics = [#tpu.dimension_semantics<core_parallel>, #tpu.dimension_semantics<subcore_parallel>], iteration_bounds = array<i64: 2, 16>, scalar_prefetch = 0 : i64, scratch_operands = 9 : i64, tpu.core_type = #tpu.core_type<sc_vector_subcore>, window_params = [{transform_indices = #map}, {transform_indices = #map1}, {transform_indices = #map1}, {transform_indices = #map1}, {transform_indices = #map1}, {transform_indices = #map}]} {
    %mul3A = arith.constant 632 : i32
    %mul3A_0 = arith.muli %arg1, %mul3A : i32
    %mul3A_1 = arith.constant 632 : i32
    %mul3A_2 = arith.muli %arg1, %mul3A_1 : i32
    "tpu.region"() ({
      %run_scoped3A = tpu.sem_alloc : memref<!tpu.dma_semaphore, #tpu.memory_space<semaphore_mem>>
      %dma_start3A = arith.constant 0 : i32
      %dma_start3A_72 = tpu.memref_slice %arg12[%mul3A_2, %dma_start3A] : memref<10112x128xf32, #tpu.memory_space<vmem_shared>> -> memref<632x128xf32, #tpu.memory_space<vmem_shared>>
      %dma_start3A_73 = arith.constant 0 : i32
      %dma_start3A_74 = tpu.memref_slice %arg6[%mul3A_0, %dma_start3A_73] : memref<10112x128xf32, #tpu.memory_space<hbm>> -> memref<632x128xf32, #tpu.memory_space<hbm>>
      tpu.enqueue_dma source(%dma_start3A_74 : memref<632x128xf32, #tpu.memory_space<hbm>>) target(%dma_start3A_72 : memref<632x128xf32, #tpu.memory_space<vmem_shared>>) target_semaphore(%run_scoped3A : memref<!tpu.dma_semaphore, #tpu.memory_space<semaphore_mem>>)
      %dma_wait3A_75 = arith.constant 0 : i32
      %dma_wait3A_76 = tpu.memref_slice %arg12[%mul3A_2, %dma_wait3A_75] : memref<10112x128xf32, #tpu.memory_space<vmem_shared>> -> memref<632x128xf32, #tpu.memory_space<vmem_shared>>
      %dma_wait3A_77 = arith.constant 0 : i32
      %dma_wait3A_78 = tpu.memref_slice %arg6[%mul3A_0, %dma_wait3A_77] : memref<10112x128xf32, #tpu.memory_space<hbm>> -> memref<632x128xf32, #tpu.memory_space<hbm>>
      tpu.wait_dma2 semaphore(%run_scoped3A : memref<!tpu.dma_semaphore, #tpu.memory_space<semaphore_mem>>) src(%dma_wait3A_78 : memref<632x128xf32, #tpu.memory_space<hbm>>) dst(%dma_wait3A_76 : memref<632x128xf32, #tpu.memory_space<vmem_shared>>)
      tpu.yield
    }) : () -> ()
    %barrier3A = arith.constant 0 : index
    tpu.barrier barrier_id(%barrier3A)
    %mul3A_3 = arith.constant 16 : i32
    %mul3A_4 = arith.muli %arg0, %mul3A_3 : i32
    %add3A = arith.addi %mul3A_4, %arg1 : i32
    %mul3A_5 = arith.constant 80 : i32
    %mul3A_6 = arith.muli %add3A, %mul3A_5 : i32
    %add3A_7 = arith.constant 0 : i32
    %add3A_8 = arith.addi %mul3A_6, %add3A_7 : i32
    %lt3A = arith.constant 31 : i32
    %lt3A_9 = arith.cmpi slt, %add3A, %lt3A : i32
    %convert_element_type3A = arith.extui %lt3A_9 : i1 to i32
    %cond3A = arith.constant 0 : i32
    %cond3A_10 = arith.cmpi ne, %convert_element_type3A, %cond3A : i32
    scf.if %cond3A_10 {
      %run_scoped3A = arith.constant 0 : i32
      "tpu.region"() ({
        %run_scoped3A_73 = tpu.sem_alloc : memref<!tpu.dma_semaphore, #tpu.memory_space<semaphore_mem>>
        %dma_start3A = arith.constant 0 : i32
        %dma_start3A_74 = tpu.memref_slice %arg2[%run_scoped3A, %add3A_8, %dma_start3A] : memref<2x2500x128xi32, #tpu.memory_space<hbm>> -> memref<1x40x128xi32, #tpu.memory_space<hbm>>
        %dma_start3A_75 = tpu.memref_squeeze %dma_start3A_74 : memref<1x40x128xi32, #tpu.memory_space<hbm>> -> memref<40x128xi32, #tpu.memory_space<hbm>>
        %dma_start3A_76 = arith.constant 0 : i32
        %dma_start3A_77 = tpu.memref_slice %arg2[%run_scoped3A, %add3A_8, %dma_start3A_76] : memref<2x2500x128xi32, #tpu.memory_space<hbm>> -> memref<1x40x128xi32, #tpu.memory_space<hbm>>
        %dma_start3A_78 = tpu.memref_squeeze %dma_start3A_77 : memref<1x40x128xi32, #tpu.memory_space<hbm>> -> memref<40x128xi32, #tpu.memory_space<hbm>>
        tpu.enqueue_dma source(%dma_start3A_78 : memref<40x128xi32, #tpu.memory_space<hbm>>) target(%arg8 : memref<40x128xi32, #tpu.memory_space<vmem>>) target_semaphore(%run_scoped3A_73 : memref<!tpu.dma_semaphore, #tpu.memory_space<semaphore_mem>>)
        %dma_wait3A_79 = arith.constant 0 : i32
        %dma_wait3A_80 = tpu.memref_slice %arg2[%run_scoped3A, %add3A_8, %dma_wait3A_79] : memref<2x2500x128xi32, #tpu.memory_space<hbm>> -> memref<1x40x128xi32, #tpu.memory_space<hbm>>
        %dma_wait3A_81 = tpu.memref_squeeze %dma_wait3A_80 : memref<1x40x128xi32, #tpu.memory_space<hbm>> -> memref<40x128xi32, #tpu.memory_space<hbm>>
        %dma_wait3A_82 = arith.constant 0 : i32
        %dma_wait3A_83 = tpu.memref_slice %arg2[%run_scoped3A, %add3A_8, %dma_wait3A_82] : memref<2x2500x128xi32, #tpu.memory_space<hbm>> -> memref<1x40x128xi32, #tpu.memory_space<hbm>>
        %dma_wait3A_84 = tpu.memref_squeeze %dma_wait3A_83 : memref<1x40x128xi32, #tpu.memory_space<hbm>> -> memref<40x128xi32, #tpu.memory_space<hbm>>
        tpu.wait_dma2 semaphore(%run_scoped3A_73 : memref<!tpu.dma_semaphore, #tpu.memory_space<semaphore_mem>>) src(%dma_wait3A_84 : memref<40x128xi32, #tpu.memory_space<hbm>>) dst(%arg8 : memref<40x128xi32, #tpu.memory_space<vmem>>)
        tpu.yield
      }) : () -> ()
      %run_scoped3A_72 = arith.constant 1 : i32
      "tpu.region"() ({
        %run_scoped3A_73 = tpu.sem_alloc : memref<!tpu.dma_semaphore, #tpu.memory_space<semaphore_mem>>
        %dma_start3A = arith.constant 0 : i32
        %dma_start3A_74 = tpu.memref_slice %arg2[%run_scoped3A_72, %add3A_8, %dma_start3A] : memref<2x2500x128xi32, #tpu.memory_space<hbm>> -> memref<1x40x128xi32, #tpu.memory_space<hbm>>
        %dma_start3A_75 = tpu.memref_squeeze %dma_start3A_74 : memref<1x40x128xi32, #tpu.memory_space<hbm>> -> memref<40x128xi32, #tpu.memory_space<hbm>>
        %dma_start3A_76 = arith.constant 0 : i32
        %dma_start3A_77 = tpu.memref_slice %arg2[%run_scoped3A_72, %add3A_8, %dma_start3A_76] : memref<2x2500x128xi32, #tpu.memory_space<hbm>> -> memref<1x40x128xi32, #tpu.memory_space<hbm>>
        %dma_start3A_78 = tpu.memref_squeeze %dma_start3A_77 : memref<1x40x128xi32, #tpu.memory_space<hbm>> -> memref<40x128xi32, #tpu.memory_space<hbm>>
        tpu.enqueue_dma source(%dma_start3A_78 : memref<40x128xi32, #tpu.memory_space<hbm>>) target(%arg9 : memref<40x128xi32, #tpu.memory_space<vmem>>) target_semaphore(%run_scoped3A_73 : memref<!tpu.dma_semaphore, #tpu.memory_space<semaphore_mem>>)
        %dma_wait3A_79 = arith.constant 0 : i32
        %dma_wait3A_80 = tpu.memref_slice %arg2[%run_scoped3A_72, %add3A_8, %dma_wait3A_79] : memref<2x2500x128xi32, #tpu.memory_space<hbm>> -> memref<1x40x128xi32, #tpu.memory_space<hbm>>
        %dma_wait3A_81 = tpu.memref_squeeze %dma_wait3A_80 : memref<1x40x128xi32, #tpu.memory_space<hbm>> -> memref<40x128xi32, #tpu.memory_space<hbm>>
        %dma_wait3A_82 = arith.constant 0 : i32
        %dma_wait3A_83 = tpu.memref_slice %arg2[%run_scoped3A_72, %add3A_8, %dma_wait3A_82] : memref<2x2500x128xi32, #tpu.memory_space<hbm>> -> memref<1x40x128xi32, #tpu.memory_space<hbm>>
        %dma_wait3A_84 = tpu.memref_squeeze %dma_wait3A_83 : memref<1x40x128xi32, #tpu.memory_space<hbm>> -> memref<40x128xi32, #tpu.memory_space<hbm>>
        tpu.wait_dma2 semaphore(%run_scoped3A_73 : memref<!tpu.dma_semaphore, #tpu.memory_space<semaphore_mem>>) src(%dma_wait3A_84 : memref<40x128xi32, #tpu.memory_space<hbm>>) dst(%arg9 : memref<40x128xi32, #tpu.memory_space<vmem>>)
        tpu.yield
      }) : () -> ()
    } else {
    }
    %eq3A = arith.constant 31 : i32
    %eq3A_11 = arith.cmpi eq, %add3A, %eq3A : i32
    %convert_element_type3A_12 = arith.extui %eq3A_11 : i1 to i32
    %cond3A_13 = arith.constant 0 : i32
    %cond3A_14 = arith.cmpi ne, %convert_element_type3A_12, %cond3A_13 : i32
    scf.if %cond3A_14 {
      "tpu.region"() ({
        %run_scoped3A = tpu.sem_alloc : memref<!tpu.dma_semaphore, #tpu.memory_space<semaphore_mem>>
        %dma_start3A = arith.constant 0 : i32
        %dma_start3A_72 = arith.constant 0 : i32
        %dma_start3A_73 = tpu.memref_slice %arg3[%dma_start3A, %dma_start3A_72] : memref<80x128xi32, #tpu.memory_space<hbm>> -> memref<40x128xi32, #tpu.memory_space<hbm>>
        %dma_start3A_74 = arith.constant 0 : i32
        %dma_start3A_75 = arith.constant 0 : i32
        %dma_start3A_76 = tpu.memref_slice %arg3[%dma_start3A_74, %dma_start3A_75] : memref<80x128xi32, #tpu.memory_space<hbm>> -> memref<40x128xi32, #tpu.memory_space<hbm>>
        tpu.enqueue_dma source(%dma_start3A_76 : memref<40x128xi32, #tpu.memory_space<hbm>>) target(%arg8 : memref<40x128xi32, #tpu.memory_space<vmem>>) target_semaphore(%run_scoped3A : memref<!tpu.dma_semaphore, #tpu.memory_space<semaphore_mem>>)
        %dma_wait3A_77 = arith.constant 0 : i32
        %dma_wait3A_78 = arith.constant 0 : i32
        %dma_wait3A_79 = tpu.memref_slice %arg3[%dma_wait3A_77, %dma_wait3A_78] : memref<80x128xi32, #tpu.memory_space<hbm>> -> memref<40x128xi32, #tpu.memory_space<hbm>>
        %dma_wait3A_80 = arith.constant 0 : i32
        %dma_wait3A_81 = arith.constant 0 : i32
        %dma_wait3A_82 = tpu.memref_slice %arg3[%dma_wait3A_80, %dma_wait3A_81] : memref<80x128xi32, #tpu.memory_space<hbm>> -> memref<40x128xi32, #tpu.memory_space<hbm>>
        tpu.wait_dma2 semaphore(%run_scoped3A : memref<!tpu.dma_semaphore, #tpu.memory_space<semaphore_mem>>) src(%dma_wait3A_82 : memref<40x128xi32, #tpu.memory_space<hbm>>) dst(%arg8 : memref<40x128xi32, #tpu.memory_space<vmem>>)
        tpu.yield
      }) : () -> ()
      "tpu.region"() ({
        %run_scoped3A = tpu.sem_alloc : memref<!tpu.dma_semaphore, #tpu.memory_space<semaphore_mem>>
        %dma_start3A = arith.constant 0 : i32
        %dma_start3A_72 = arith.constant 0 : i32
        %dma_start3A_73 = tpu.memref_slice %arg4[%dma_start3A, %dma_start3A_72] : memref<80x128xi32, #tpu.memory_space<hbm>> -> memref<40x128xi32, #tpu.memory_space<hbm>>
        %dma_start3A_74 = arith.constant 0 : i32
        %dma_start3A_75 = arith.constant 0 : i32
        %dma_start3A_76 = tpu.memref_slice %arg4[%dma_start3A_74, %dma_start3A_75] : memref<80x128xi32, #tpu.memory_space<hbm>> -> memref<40x128xi32, #tpu.memory_space<hbm>>
        tpu.enqueue_dma source(%dma_start3A_76 : memref<40x128xi32, #tpu.memory_space<hbm>>) target(%arg9 : memref<40x128xi32, #tpu.memory_space<vmem>>) target_semaphore(%run_scoped3A : memref<!tpu.dma_semaphore, #tpu.memory_space<semaphore_mem>>)
        %dma_wait3A_77 = arith.constant 0 : i32
        %dma_wait3A_78 = arith.constant 0 : i32
        %dma_wait3A_79 = tpu.memref_slice %arg4[%dma_wait3A_77, %dma_wait3A_78] : memref<80x128xi32, #tpu.memory_space<hbm>> -> memref<40x128xi32, #tpu.memory_space<hbm>>
        %dma_wait3A_80 = arith.constant 0 : i32
        %dma_wait3A_81 = arith.constant 0 : i32
        %dma_wait3A_82 = tpu.memref_slice %arg4[%dma_wait3A_80, %dma_wait3A_81] : memref<80x128xi32, #tpu.memory_space<hbm>> -> memref<40x128xi32, #tpu.memory_space<hbm>>
        tpu.wait_dma2 semaphore(%run_scoped3A : memref<!tpu.dma_semaphore, #tpu.memory_space<semaphore_mem>>) src(%dma_wait3A_82 : memref<40x128xi32, #tpu.memory_space<hbm>>) dst(%arg9 : memref<40x128xi32, #tpu.memory_space<vmem>>)
        tpu.yield
      }) : () -> ()
    } else {
    }
    %scan3A = arith.constant 0 : i32
    %scan3A_15 = arith.constant 0 : i32
    %scan3A_16 = arith.constant 20 : i32
    %scan3A_17 = arith.addi %scan3A_15, %scan3A_16 : i32
    %scan3A_18 = arith.constant 1 : i32
    scf.for %scan3A_72 = %scan3A_15 to %scan3A_17 step %scan3A_18  : i32 {
      %mul3A_73 = arith.constant 2 : i32
      %mul3A_74 = arith.muli %mul3A_73, %scan3A_72 : i32
      %gt3A = arith.constant 0 : i32
      %gt3A_75 = arith.cmpi sgt, %scan3A_72, %gt3A : i32
      %convert_element_type3A_76 = arith.extui %gt3A_75 : i1 to i32
      %cond3A_77 = arith.constant 0 : i32
      %cond3A_78 = arith.cmpi ne, %convert_element_type3A_76, %cond3A_77 : i32
      scf.if %cond3A_78 {
        %sub3A = arith.constant 2 : i32
        %sub3A_118 = arith.subi %mul3A_74, %sub3A : i32
        %dma_wait3A_119 = arith.constant 0 : i32
        %dma_wait3A_120 = tpu.memref_slice %arg9[%sub3A_118, %dma_wait3A_119] : memref<40x128xi32, #tpu.memory_space<vmem>> -> memref<1x128xi32, #tpu.memory_space<vmem>>
        %dma_wait3A_121 = tpu.memref_squeeze %dma_wait3A_120 : memref<1x128xi32, #tpu.memory_space<vmem>> -> memref<128xi32, #tpu.memory_space<vmem>>
        %dma_wait3A_122 = arith.constant 0 : i32
        %dma_wait3A_123 = arith.constant 0 : i32
        %dma_wait3A_124 = tpu.memref_slice %arg12[%dma_wait3A_122, %dma_wait3A_123] : memref<10112x128xf32, #tpu.memory_space<vmem_shared>> -> memref<10112x128xf32, #tpu.memory_space<vmem_shared>>
        tpu.wait_indirect_dma semaphore(%arg15 : memref<!tpu.dma_semaphore, #tpu.memory_space<semaphore_mem>>) src(%arg10 : memref<128x128xf32, #tpu.memory_space<vmem>>) dst(%dma_wait3A_124 : memref<10112x128xf32, #tpu.memory_space<vmem_shared>>)
        %sub3A_125 = arith.constant 1 : i32
        %sub3A_126 = arith.subi %mul3A_74, %sub3A_125 : i32
        %dma_wait3A_127 = arith.constant 0 : i32
        %dma_wait3A_128 = tpu.memref_slice %arg9[%sub3A_126, %dma_wait3A_127] : memref<40x128xi32, #tpu.memory_space<vmem>> -> memref<1x128xi32, #tpu.memory_space<vmem>>
        %dma_wait3A_129 = tpu.memref_squeeze %dma_wait3A_128 : memref<1x128xi32, #tpu.memory_space<vmem>> -> memref<128xi32, #tpu.memory_space<vmem>>
        %dma_wait3A_130 = arith.constant 0 : i32
        %dma_wait3A_131 = arith.constant 0 : i32
        %dma_wait3A_132 = tpu.memref_slice %arg12[%dma_wait3A_130, %dma_wait3A_131] : memref<10112x128xf32, #tpu.memory_space<vmem_shared>> -> memref<10112x128xf32, #tpu.memory_space<vmem_shared>>
        tpu.wait_indirect_dma semaphore(%arg16 : memref<!tpu.dma_semaphore, #tpu.memory_space<semaphore_mem>>) src(%arg11 : memref<128x128xf32, #tpu.memory_space<vmem>>) dst(%dma_wait3A_132 : memref<10112x128xf32, #tpu.memory_space<vmem_shared>>)
      } else {
      }
      %dma_start3A = arith.constant 0 : i32
      %dma_start3A_79 = tpu.memref_slice %arg8[%mul3A_74, %dma_start3A] : memref<40x128xi32, #tpu.memory_space<vmem>> -> memref<1x128xi32, #tpu.memory_space<vmem>>
      %dma_start3A_80 = tpu.memref_squeeze %dma_start3A_79 : memref<1x128xi32, #tpu.memory_space<vmem>> -> memref<128xi32, #tpu.memory_space<vmem>>
      %dma_start3A_81 = arith.constant 0 : i32
      %dma_start3A_82 = arith.constant 0 : i32
      %dma_start3A_83 = tpu.memref_slice %arg5[%dma_start3A_81, %dma_start3A_82] : memref<10000x128xf32, #tpu.memory_space<hbm>> -> memref<10000x128xf32, #tpu.memory_space<hbm>>
      tpu.enqueue_indirect_dma source(%dma_start3A_83 : memref<10000x128xf32, #tpu.memory_space<hbm>>) target(%arg10 : memref<128x128xf32, #tpu.memory_space<vmem>>) offsets(%dma_start3A_80 : memref<128xi32, #tpu.memory_space<vmem>>) semaphore(%arg13 : memref<!tpu.dma_semaphore, #tpu.memory_space<semaphore_mem>>)
      %add3A_84 = arith.constant 1 : i32
      %add3A_85 = arith.addi %mul3A_74, %add3A_84 : i32
      %dma_start3A_86 = arith.constant 0 : i32
      %dma_start3A_87 = tpu.memref_slice %arg8[%add3A_85, %dma_start3A_86] : memref<40x128xi32, #tpu.memory_space<vmem>> -> memref<1x128xi32, #tpu.memory_space<vmem>>
      %dma_start3A_88 = tpu.memref_squeeze %dma_start3A_87 : memref<1x128xi32, #tpu.memory_space<vmem>> -> memref<128xi32, #tpu.memory_space<vmem>>
      %dma_start3A_89 = arith.constant 0 : i32
      %dma_start3A_90 = arith.constant 0 : i32
      %dma_start3A_91 = tpu.memref_slice %arg5[%dma_start3A_89, %dma_start3A_90] : memref<10000x128xf32, #tpu.memory_space<hbm>> -> memref<10000x128xf32, #tpu.memory_space<hbm>>
      tpu.enqueue_indirect_dma source(%dma_start3A_91 : memref<10000x128xf32, #tpu.memory_space<hbm>>) target(%arg11 : memref<128x128xf32, #tpu.memory_space<vmem>>) offsets(%dma_start3A_88 : memref<128xi32, #tpu.memory_space<vmem>>) semaphore(%arg14 : memref<!tpu.dma_semaphore, #tpu.memory_space<semaphore_mem>>)
      %dma_wait3A_92 = arith.constant 0 : i32
      %dma_wait3A_93 = tpu.memref_slice %arg8[%mul3A_74, %dma_wait3A_92] : memref<40x128xi32, #tpu.memory_space<vmem>> -> memref<1x128xi32, #tpu.memory_space<vmem>>
      %dma_wait3A_94 = tpu.memref_squeeze %dma_wait3A_93 : memref<1x128xi32, #tpu.memory_space<vmem>> -> memref<128xi32, #tpu.memory_space<vmem>>
      %dma_wait3A_95 = arith.constant 0 : i32
      %dma_wait3A_96 = arith.constant 0 : i32
      %dma_wait3A_97 = tpu.memref_slice %arg5[%dma_wait3A_95, %dma_wait3A_96] : memref<10000x128xf32, #tpu.memory_space<hbm>> -> memref<10000x128xf32, #tpu.memory_space<hbm>>
      tpu.wait_indirect_dma semaphore(%arg13 : memref<!tpu.dma_semaphore, #tpu.memory_space<semaphore_mem>>) src(%dma_wait3A_97 : memref<10000x128xf32, #tpu.memory_space<hbm>>) dst(%arg10 : memref<128x128xf32, #tpu.memory_space<vmem>>)
      %dma_start3A_98 = arith.constant 0 : i32
      %dma_start3A_99 = tpu.memref_slice %arg9[%mul3A_74, %dma_start3A_98] : memref<40x128xi32, #tpu.memory_space<vmem>> -> memref<1x128xi32, #tpu.memory_space<vmem>>
      %dma_start3A_100 = tpu.memref_squeeze %dma_start3A_99 : memref<1x128xi32, #tpu.memory_space<vmem>> -> memref<128xi32, #tpu.memory_space<vmem>>
      %dma_start3A_101 = arith.constant 0 : i32
      %dma_start3A_102 = arith.constant 0 : i32
      %dma_start3A_103 = tpu.memref_slice %arg12[%dma_start3A_101, %dma_start3A_102] : memref<10112x128xf32, #tpu.memory_space<vmem_shared>> -> memref<10112x128xf32, #tpu.memory_space<vmem_shared>>
      tpu.enqueue_indirect_dma source(%arg10 : memref<128x128xf32, #tpu.memory_space<vmem>>) target(%dma_start3A_103 : memref<10112x128xf32, #tpu.memory_space<vmem_shared>>) offsets(%dma_start3A_100 : memref<128xi32, #tpu.memory_space<vmem>>) semaphore(%arg15 : memref<!tpu.dma_semaphore, #tpu.memory_space<semaphore_mem>>) {add = true}
      %dma_wait3A_104 = arith.constant 0 : i32
      %dma_wait3A_105 = tpu.memref_slice %arg8[%add3A_85, %dma_wait3A_104] : memref<40x128xi32, #tpu.memory_space<vmem>> -> memref<1x128xi32, #tpu.memory_space<vmem>>
      %dma_wait3A_106 = tpu.memref_squeeze %dma_wait3A_105 : memref<1x128xi32, #tpu.memory_space<vmem>> -> memref<128xi32, #tpu.memory_space<vmem>>
      %dma_wait3A_107 = arith.constant 0 : i32
      %dma_wait3A_108 = arith.constant 0 : i32
      %dma_wait3A_109 = tpu.memref_slice %arg5[%dma_wait3A_107, %dma_wait3A_108] : memref<10000x128xf32, #tpu.memory_space<hbm>> -> memref<10000x128xf32, #tpu.memory_space<hbm>>
      tpu.wait_indirect_dma semaphore(%arg14 : memref<!tpu.dma_semaphore, #tpu.memory_space<semaphore_mem>>) src(%dma_wait3A_109 : memref<10000x128xf32, #tpu.memory_space<hbm>>) dst(%arg11 : memref<128x128xf32, #tpu.memory_space<vmem>>)
      %add3A_110 = arith.constant 1 : i32
      %add3A_111 = arith.addi %mul3A_74, %add3A_110 : i32
      %dma_start3A_112 = arith.constant 0 : i32
      %dma_start3A_113 = tpu.memref_slice %arg9[%add3A_111, %dma_start3A_112] : memref<40x128xi32, #tpu.memory_space<vmem>> -> memref<1x128xi32, #tpu.memory_space<vmem>>
      %dma_start3A_114 = tpu.memref_squeeze %dma_start3A_113 : memref<1x128xi32, #tpu.memory_space<vmem>> -> memref<128xi32, #tpu.memory_space<vmem>>
      %dma_start3A_115 = arith.constant 0 : i32
      %dma_start3A_116 = arith.constant 0 : i32
      %dma_start3A_117 = tpu.memref_slice %arg12[%dma_start3A_115, %dma_start3A_116] : memref<10112x128xf32, #tpu.memory_space<vmem_shared>> -> memref<10112x128xf32, #tpu.memory_space<vmem_shared>>
      tpu.enqueue_indirect_dma source(%arg11 : memref<128x128xf32, #tpu.memory_space<vmem>>) target(%dma_start3A_117 : memref<10112x128xf32, #tpu.memory_space<vmem_shared>>) offsets(%dma_start3A_114 : memref<128xi32, #tpu.memory_space<vmem>>) semaphore(%arg16 : memref<!tpu.dma_semaphore, #tpu.memory_space<semaphore_mem>>) {add = true}
    }
    %scan3A_19 = arith.constant 20 : i32
    %dma_wait3A = arith.constant 38 : i32
    %dma_wait3A_20 = arith.constant 0 : i32
    %dma_wait3A_21 = tpu.memref_slice %arg9[%dma_wait3A, %dma_wait3A_20] : memref<40x128xi32, #tpu.memory_space<vmem>> -> memref<1x128xi32, #tpu.memory_space<vmem>>
    %dma_wait3A_22 = tpu.memref_squeeze %dma_wait3A_21 : memref<1x128xi32, #tpu.memory_space<vmem>> -> memref<128xi32, #tpu.memory_space<vmem>>
    %dma_wait3A_23 = arith.constant 0 : i32
    %dma_wait3A_24 = arith.constant 0 : i32
    %dma_wait3A_25 = tpu.memref_slice %arg12[%dma_wait3A_23, %dma_wait3A_24] : memref<10112x128xf32, #tpu.memory_space<vmem_shared>> -> memref<10112x128xf32, #tpu.memory_space<vmem_shared>>
    tpu.wait_indirect_dma semaphore(%arg15 : memref<!tpu.dma_semaphore, #tpu.memory_space<semaphore_mem>>) src(%arg10 : memref<128x128xf32, #tpu.memory_space<vmem>>) dst(%dma_wait3A_25 : memref<10112x128xf32, #tpu.memory_space<vmem_shared>>)
    %dma_wait3A_26 = arith.constant 39 : i32
    %dma_wait3A_27 = arith.constant 0 : i32
    %dma_wait3A_28 = tpu.memref_slice %arg9[%dma_wait3A_26, %dma_wait3A_27] : memref<40x128xi32, #tpu.memory_space<vmem>> -> memref<1x128xi32, #tpu.memory_space<vmem>>
    %dma_wait3A_29 = tpu.memref_squeeze %dma_wait3A_28 : memref<1x128xi32, #tpu.memory_space<vmem>> -> memref<128xi32, #tpu.memory_space<vmem>>
    %dma_wait3A_30 = arith.constant 0 : i32
    %dma_wait3A_31 = arith.constant 0 : i32
    %dma_wait3A_32 = tpu.memref_slice %arg12[%dma_wait3A_30, %dma_wait3A_31] : memref<10112x128xf32, #tpu.memory_space<vmem_shared>> -> memref<10112x128xf32, #tpu.memory_space<vmem_shared>>
    tpu.wait_indirect_dma semaphore(%arg16 : memref<!tpu.dma_semaphore, #tpu.memory_space<semaphore_mem>>) src(%arg11 : memref<128x128xf32, #tpu.memory_space<vmem>>) dst(%dma_wait3A_32 : memref<10112x128xf32, #tpu.memory_space<vmem_shared>>)
    %mul3A_33 = arith.constant 80 : i32
    %mul3A_34 = arith.muli %add3A, %mul3A_33 : i32
    %add3A_35 = arith.constant 40 : i32
    %add3A_36 = arith.addi %mul3A_34, %add3A_35 : i32
    %lt3A_37 = arith.constant 31 : i32
    %lt3A_38 = arith.cmpi slt, %add3A, %lt3A_37 : i32
    %convert_element_type3A_39 = arith.extui %lt3A_38 : i1 to i32
    %cond3A_40 = arith.constant 0 : i32
    %cond3A_41 = arith.cmpi ne, %convert_element_type3A_39, %cond3A_40 : i32
    scf.if %cond3A_41 {
      %run_scoped3A = arith.constant 0 : i32
      "tpu.region"() ({
        %run_scoped3A_73 = tpu.sem_alloc : memref<!tpu.dma_semaphore, #tpu.memory_space<semaphore_mem>>
        %dma_start3A = arith.constant 0 : i32
        %dma_start3A_74 = tpu.memref_slice %arg2[%run_scoped3A, %add3A_36, %dma_start3A] : memref<2x2500x128xi32, #tpu.memory_space<hbm>> -> memref<1x40x128xi32, #tpu.memory_space<hbm>>
        %dma_start3A_75 = tpu.memref_squeeze %dma_start3A_74 : memref<1x40x128xi32, #tpu.memory_space<hbm>> -> memref<40x128xi32, #tpu.memory_space<hbm>>
        %dma_start3A_76 = arith.constant 0 : i32
        %dma_start3A_77 = tpu.memref_slice %arg2[%run_scoped3A, %add3A_36, %dma_start3A_76] : memref<2x2500x128xi32, #tpu.memory_space<hbm>> -> memref<1x40x128xi32, #tpu.memory_space<hbm>>
        %dma_start3A_78 = tpu.memref_squeeze %dma_start3A_77 : memref<1x40x128xi32, #tpu.memory_space<hbm>> -> memref<40x128xi32, #tpu.memory_space<hbm>>
        tpu.enqueue_dma source(%dma_start3A_78 : memref<40x128xi32, #tpu.memory_space<hbm>>) target(%arg8 : memref<40x128xi32, #tpu.memory_space<vmem>>) target_semaphore(%run_scoped3A_73 : memref<!tpu.dma_semaphore, #tpu.memory_space<semaphore_mem>>)
        %dma_wait3A_79 = arith.constant 0 : i32
        %dma_wait3A_80 = tpu.memref_slice %arg2[%run_scoped3A, %add3A_36, %dma_wait3A_79] : memref<2x2500x128xi32, #tpu.memory_space<hbm>> -> memref<1x40x128xi32, #tpu.memory_space<hbm>>
        %dma_wait3A_81 = tpu.memref_squeeze %dma_wait3A_80 : memref<1x40x128xi32, #tpu.memory_space<hbm>> -> memref<40x128xi32, #tpu.memory_space<hbm>>
        %dma_wait3A_82 = arith.constant 0 : i32
        %dma_wait3A_83 = tpu.memref_slice %arg2[%run_scoped3A, %add3A_36, %dma_wait3A_82] : memref<2x2500x128xi32, #tpu.memory_space<hbm>> -> memref<1x40x128xi32, #tpu.memory_space<hbm>>
        %dma_wait3A_84 = tpu.memref_squeeze %dma_wait3A_83 : memref<1x40x128xi32, #tpu.memory_space<hbm>> -> memref<40x128xi32, #tpu.memory_space<hbm>>
        tpu.wait_dma2 semaphore(%run_scoped3A_73 : memref<!tpu.dma_semaphore, #tpu.memory_space<semaphore_mem>>) src(%dma_wait3A_84 : memref<40x128xi32, #tpu.memory_space<hbm>>) dst(%arg8 : memref<40x128xi32, #tpu.memory_space<vmem>>)
        tpu.yield
      }) : () -> ()
      %run_scoped3A_72 = arith.constant 1 : i32
      "tpu.region"() ({
        %run_scoped3A_73 = tpu.sem_alloc : memref<!tpu.dma_semaphore, #tpu.memory_space<semaphore_mem>>
        %dma_start3A = arith.constant 0 : i32
        %dma_start3A_74 = tpu.memref_slice %arg2[%run_scoped3A_72, %add3A_36, %dma_start3A] : memref<2x2500x128xi32, #tpu.memory_space<hbm>> -> memref<1x40x128xi32, #tpu.memory_space<hbm>>
        %dma_start3A_75 = tpu.memref_squeeze %dma_start3A_74 : memref<1x40x128xi32, #tpu.memory_space<hbm>> -> memref<40x128xi32, #tpu.memory_space<hbm>>
        %dma_start3A_76 = arith.constant 0 : i32
        %dma_start3A_77 = tpu.memref_slice %arg2[%run_scoped3A_72, %add3A_36, %dma_start3A_76] : memref<2x2500x128xi32, #tpu.memory_space<hbm>> -> memref<1x40x128xi32, #tpu.memory_space<hbm>>
        %dma_start3A_78 = tpu.memref_squeeze %dma_start3A_77 : memref<1x40x128xi32, #tpu.memory_space<hbm>> -> memref<40x128xi32, #tpu.memory_space<hbm>>
        tpu.enqueue_dma source(%dma_start3A_78 : memref<40x128xi32, #tpu.memory_space<hbm>>) target(%arg9 : memref<40x128xi32, #tpu.memory_space<vmem>>) target_semaphore(%run_scoped3A_73 : memref<!tpu.dma_semaphore, #tpu.memory_space<semaphore_mem>>)
        %dma_wait3A_79 = arith.constant 0 : i32
        %dma_wait3A_80 = tpu.memref_slice %arg2[%run_scoped3A_72, %add3A_36, %dma_wait3A_79] : memref<2x2500x128xi32, #tpu.memory_space<hbm>> -> memref<1x40x128xi32, #tpu.memory_space<hbm>>
        %dma_wait3A_81 = tpu.memref_squeeze %dma_wait3A_80 : memref<1x40x128xi32, #tpu.memory_space<hbm>> -> memref<40x128xi32, #tpu.memory_space<hbm>>
        %dma_wait3A_82 = arith.constant 0 : i32
        %dma_wait3A_83 = tpu.memref_slice %arg2[%run_scoped3A_72, %add3A_36, %dma_wait3A_82] : memref<2x2500x128xi32, #tpu.memory_space<hbm>> -> memref<1x40x128xi32, #tpu.memory_space<hbm>>
        %dma_wait3A_84 = tpu.memref_squeeze %dma_wait3A_83 : memref<1x40x128xi32, #tpu.memory_space<hbm>> -> memref<40x128xi32, #tpu.memory_space<hbm>>
        tpu.wait_dma2 semaphore(%run_scoped3A_73 : memref<!tpu.dma_semaphore, #tpu.memory_space<semaphore_mem>>) src(%dma_wait3A_84 : memref<40x128xi32, #tpu.memory_space<hbm>>) dst(%arg9 : memref<40x128xi32, #tpu.memory_space<vmem>>)
        tpu.yield
      }) : () -> ()
    } else {
    }
    %eq3A_42 = arith.constant 31 : i32
    %eq3A_43 = arith.cmpi eq, %add3A, %eq3A_42 : i32
    %convert_element_type3A_44 = arith.extui %eq3A_43 : i1 to i32
    %cond3A_45 = arith.constant 0 : i32
    %cond3A_46 = arith.cmpi ne, %convert_element_type3A_44, %cond3A_45 : i32
    scf.if %cond3A_46 {
      "tpu.region"() ({
        %run_scoped3A = tpu.sem_alloc : memref<!tpu.dma_semaphore, #tpu.memory_space<semaphore_mem>>
        %dma_start3A = arith.constant 40 : i32
        %dma_start3A_72 = arith.constant 0 : i32
        %dma_start3A_73 = tpu.memref_slice %arg3[%dma_start3A, %dma_start3A_72] : memref<80x128xi32, #tpu.memory_space<hbm>> -> memref<40x128xi32, #tpu.memory_space<hbm>>
        %dma_start3A_74 = arith.constant 40 : i32
        %dma_start3A_75 = arith.constant 0 : i32
        %dma_start3A_76 = tpu.memref_slice %arg3[%dma_start3A_74, %dma_start3A_75] : memref<80x128xi32, #tpu.memory_space<hbm>> -> memref<40x128xi32, #tpu.memory_space<hbm>>
        tpu.enqueue_dma source(%dma_start3A_76 : memref<40x128xi32, #tpu.memory_space<hbm>>) target(%arg8 : memref<40x128xi32, #tpu.memory_space<vmem>>) target_semaphore(%run_scoped3A : memref<!tpu.dma_semaphore, #tpu.memory_space<semaphore_mem>>)
        %dma_wait3A_77 = arith.constant 40 : i32
        %dma_wait3A_78 = arith.constant 0 : i32
        %dma_wait3A_79 = tpu.memref_slice %arg3[%dma_wait3A_77, %dma_wait3A_78] : memref<80x128xi32, #tpu.memory_space<hbm>> -> memref<40x128xi32, #tpu.memory_space<hbm>>
        %dma_wait3A_80 = arith.constant 40 : i32
        %dma_wait3A_81 = arith.constant 0 : i32
        %dma_wait3A_82 = tpu.memref_slice %arg3[%dma_wait3A_80, %dma_wait3A_81] : memref<80x128xi32, #tpu.memory_space<hbm>> -> memref<40x128xi32, #tpu.memory_space<hbm>>
        tpu.wait_dma2 semaphore(%run_scoped3A : memref<!tpu.dma_semaphore, #tpu.memory_space<semaphore_mem>>) src(%dma_wait3A_82 : memref<40x128xi32, #tpu.memory_space<hbm>>) dst(%arg8 : memref<40x128xi32, #tpu.memory_space<vmem>>)
        tpu.yield
      }) : () -> ()
      "tpu.region"() ({
        %run_scoped3A = tpu.sem_alloc : memref<!tpu.dma_semaphore, #tpu.memory_space<semaphore_mem>>
        %dma_start3A = arith.constant 40 : i32
        %dma_start3A_72 = arith.constant 0 : i32
        %dma_start3A_73 = tpu.memref_slice %arg4[%dma_start3A, %dma_start3A_72] : memref<80x128xi32, #tpu.memory_space<hbm>> -> memref<40x128xi32, #tpu.memory_space<hbm>>
        %dma_start3A_74 = arith.constant 40 : i32
        %dma_start3A_75 = arith.constant 0 : i32
        %dma_start3A_76 = tpu.memref_slice %arg4[%dma_start3A_74, %dma_start3A_75] : memref<80x128xi32, #tpu.memory_space<hbm>> -> memref<40x128xi32, #tpu.memory_space<hbm>>
        tpu.enqueue_dma source(%dma_start3A_76 : memref<40x128xi32, #tpu.memory_space<hbm>>) target(%arg9 : memref<40x128xi32, #tpu.memory_space<vmem>>) target_semaphore(%run_scoped3A : memref<!tpu.dma_semaphore, #tpu.memory_space<semaphore_mem>>)
        %dma_wait3A_77 = arith.constant 40 : i32
        %dma_wait3A_78 = arith.constant 0 : i32
        %dma_wait3A_79 = tpu.memref_slice %arg4[%dma_wait3A_77, %dma_wait3A_78] : memref<80x128xi32, #tpu.memory_space<hbm>> -> memref<40x128xi32, #tpu.memory_space<hbm>>
        %dma_wait3A_80 = arith.constant 40 : i32
        %dma_wait3A_81 = arith.constant 0 : i32
        %dma_wait3A_82 = tpu.memref_slice %arg4[%dma_wait3A_80, %dma_wait3A_81] : memref<80x128xi32, #tpu.memory_space<hbm>> -> memref<40x128xi32, #tpu.memory_space<hbm>>
        tpu.wait_dma2 semaphore(%run_scoped3A : memref<!tpu.dma_semaphore, #tpu.memory_space<semaphore_mem>>) src(%dma_wait3A_82 : memref<40x128xi32, #tpu.memory_space<hbm>>) dst(%arg9 : memref<40x128xi32, #tpu.memory_space<vmem>>)
        tpu.yield
      }) : () -> ()
    } else {
    }
    %scan3A_47 = arith.constant 0 : i32
    %scan3A_48 = arith.constant 0 : i32
    %scan3A_49 = arith.constant 20 : i32
    %scan3A_50 = arith.addi %scan3A_48, %scan3A_49 : i32
    %scan3A_51 = arith.constant 1 : i32
    scf.for %scan3A_72 = %scan3A_48 to %scan3A_50 step %scan3A_51  : i32 {
      %mul3A_73 = arith.constant 2 : i32
      %mul3A_74 = arith.muli %mul3A_73, %scan3A_72 : i32
      %gt3A = arith.constant 0 : i32
      %gt3A_75 = arith.cmpi sgt, %scan3A_72, %gt3A : i32
      %convert_element_type3A_76 = arith.extui %gt3A_75 : i1 to i32
      %cond3A_77 = arith.constant 0 : i32
      %cond3A_78 = arith.cmpi ne, %convert_element_type3A_76, %cond3A_77 : i32
      scf.if %cond3A_78 {
        %sub3A = arith.constant 2 : i32
        %sub3A_118 = arith.subi %mul3A_74, %sub3A : i32
        %dma_wait3A_119 = arith.constant 0 : i32
        %dma_wait3A_120 = tpu.memref_slice %arg9[%sub3A_118, %dma_wait3A_119] : memref<40x128xi32, #tpu.memory_space<vmem>> -> memref<1x128xi32, #tpu.memory_space<vmem>>
        %dma_wait3A_121 = tpu.memref_squeeze %dma_wait3A_120 : memref<1x128xi32, #tpu.memory_space<vmem>> -> memref<128xi32, #tpu.memory_space<vmem>>
        %dma_wait3A_122 = arith.constant 0 : i32
        %dma_wait3A_123 = arith.constant 0 : i32
        %dma_wait3A_124 = tpu.memref_slice %arg12[%dma_wait3A_122, %dma_wait3A_123] : memref<10112x128xf32, #tpu.memory_space<vmem_shared>> -> memref<10112x128xf32, #tpu.memory_space<vmem_shared>>
        tpu.wait_indirect_dma semaphore(%arg15 : memref<!tpu.dma_semaphore, #tpu.memory_space<semaphore_mem>>) src(%arg10 : memref<128x128xf32, #tpu.memory_space<vmem>>) dst(%dma_wait3A_124 : memref<10112x128xf32, #tpu.memory_space<vmem_shared>>)
        %sub3A_125 = arith.constant 1 : i32
        %sub3A_126 = arith.subi %mul3A_74, %sub3A_125 : i32
        %dma_wait3A_127 = arith.constant 0 : i32
        %dma_wait3A_128 = tpu.memref_slice %arg9[%sub3A_126, %dma_wait3A_127] : memref<40x128xi32, #tpu.memory_space<vmem>> -> memref<1x128xi32, #tpu.memory_space<vmem>>
        %dma_wait3A_129 = tpu.memref_squeeze %dma_wait3A_128 : memref<1x128xi32, #tpu.memory_space<vmem>> -> memref<128xi32, #tpu.memory_space<vmem>>
        %dma_wait3A_130 = arith.constant 0 : i32
        %dma_wait3A_131 = arith.constant 0 : i32
        %dma_wait3A_132 = tpu.memref_slice %arg12[%dma_wait3A_130, %dma_wait3A_131] : memref<10112x128xf32, #tpu.memory_space<vmem_shared>> -> memref<10112x128xf32, #tpu.memory_space<vmem_shared>>
        tpu.wait_indirect_dma semaphore(%arg16 : memref<!tpu.dma_semaphore, #tpu.memory_space<semaphore_mem>>) src(%arg11 : memref<128x128xf32, #tpu.memory_space<vmem>>) dst(%dma_wait3A_132 : memref<10112x128xf32, #tpu.memory_space<vmem_shared>>)
      } else {
      }
      %dma_start3A = arith.constant 0 : i32
      %dma_start3A_79 = tpu.memref_slice %arg8[%mul3A_74, %dma_start3A] : memref<40x128xi32, #tpu.memory_space<vmem>> -> memref<1x128xi32, #tpu.memory_space<vmem>>
      %dma_start3A_80 = tpu.memref_squeeze %dma_start3A_79 : memref<1x128xi32, #tpu.memory_space<vmem>> -> memref<128xi32, #tpu.memory_space<vmem>>
      %dma_start3A_81 = arith.constant 0 : i32
      %dma_start3A_82 = arith.constant 0 : i32
      %dma_start3A_83 = tpu.memref_slice %arg5[%dma_start3A_81, %dma_start3A_82] : memref<10000x128xf32, #tpu.memory_space<hbm>> -> memref<10000x128xf32, #tpu.memory_space<hbm>>
      tpu.enqueue_indirect_dma source(%dma_start3A_83 : memref<10000x128xf32, #tpu.memory_space<hbm>>) target(%arg10 : memref<128x128xf32, #tpu.memory_space<vmem>>) offsets(%dma_start3A_80 : memref<128xi32, #tpu.memory_space<vmem>>) semaphore(%arg13 : memref<!tpu.dma_semaphore, #tpu.memory_space<semaphore_mem>>)
      %add3A_84 = arith.constant 1 : i32
      %add3A_85 = arith.addi %mul3A_74, %add3A_84 : i32
      %dma_start3A_86 = arith.constant 0 : i32
      %dma_start3A_87 = tpu.memref_slice %arg8[%add3A_85, %dma_start3A_86] : memref<40x128xi32, #tpu.memory_space<vmem>> -> memref<1x128xi32, #tpu.memory_space<vmem>>
      %dma_start3A_88 = tpu.memref_squeeze %dma_start3A_87 : memref<1x128xi32, #tpu.memory_space<vmem>> -> memref<128xi32, #tpu.memory_space<vmem>>
      %dma_start3A_89 = arith.constant 0 : i32
      %dma_start3A_90 = arith.constant 0 : i32
      %dma_start3A_91 = tpu.memref_slice %arg5[%dma_start3A_89, %dma_start3A_90] : memref<10000x128xf32, #tpu.memory_space<hbm>> -> memref<10000x128xf32, #tpu.memory_space<hbm>>
      tpu.enqueue_indirect_dma source(%dma_start3A_91 : memref<10000x128xf32, #tpu.memory_space<hbm>>) target(%arg11 : memref<128x128xf32, #tpu.memory_space<vmem>>) offsets(%dma_start3A_88 : memref<128xi32, #tpu.memory_space<vmem>>) semaphore(%arg14 : memref<!tpu.dma_semaphore, #tpu.memory_space<semaphore_mem>>)
      %dma_wait3A_92 = arith.constant 0 : i32
      %dma_wait3A_93 = tpu.memref_slice %arg8[%mul3A_74, %dma_wait3A_92] : memref<40x128xi32, #tpu.memory_space<vmem>> -> memref<1x128xi32, #tpu.memory_space<vmem>>
      %dma_wait3A_94 = tpu.memref_squeeze %dma_wait3A_93 : memref<1x128xi32, #tpu.memory_space<vmem>> -> memref<128xi32, #tpu.memory_space<vmem>>
      %dma_wait3A_95 = arith.constant 0 : i32
      %dma_wait3A_96 = arith.constant 0 : i32
      %dma_wait3A_97 = tpu.memref_slice %arg5[%dma_wait3A_95, %dma_wait3A_96] : memref<10000x128xf32, #tpu.memory_space<hbm>> -> memref<10000x128xf32, #tpu.memory_space<hbm>>
      tpu.wait_indirect_dma semaphore(%arg13 : memref<!tpu.dma_semaphore, #tpu.memory_space<semaphore_mem>>) src(%dma_wait3A_97 : memref<10000x128xf32, #tpu.memory_space<hbm>>) dst(%arg10 : memref<128x128xf32, #tpu.memory_space<vmem>>)
      %dma_start3A_98 = arith.constant 0 : i32
      %dma_start3A_99 = tpu.memref_slice %arg9[%mul3A_74, %dma_start3A_98] : memref<40x128xi32, #tpu.memory_space<vmem>> -> memref<1x128xi32, #tpu.memory_space<vmem>>
      %dma_start3A_100 = tpu.memref_squeeze %dma_start3A_99 : memref<1x128xi32, #tpu.memory_space<vmem>> -> memref<128xi32, #tpu.memory_space<vmem>>
      %dma_start3A_101 = arith.constant 0 : i32
      %dma_start3A_102 = arith.constant 0 : i32
      %dma_start3A_103 = tpu.memref_slice %arg12[%dma_start3A_101, %dma_start3A_102] : memref<10112x128xf32, #tpu.memory_space<vmem_shared>> -> memref<10112x128xf32, #tpu.memory_space<vmem_shared>>
      tpu.enqueue_indirect_dma source(%arg10 : memref<128x128xf32, #tpu.memory_space<vmem>>) target(%dma_start3A_103 : memref<10112x128xf32, #tpu.memory_space<vmem_shared>>) offsets(%dma_start3A_100 : memref<128xi32, #tpu.memory_space<vmem>>) semaphore(%arg15 : memref<!tpu.dma_semaphore, #tpu.memory_space<semaphore_mem>>) {add = true}
      %dma_wait3A_104 = arith.constant 0 : i32
      %dma_wait3A_105 = tpu.memref_slice %arg8[%add3A_85, %dma_wait3A_104] : memref<40x128xi32, #tpu.memory_space<vmem>> -> memref<1x128xi32, #tpu.memory_space<vmem>>
      %dma_wait3A_106 = tpu.memref_squeeze %dma_wait3A_105 : memref<1x128xi32, #tpu.memory_space<vmem>> -> memref<128xi32, #tpu.memory_space<vmem>>
      %dma_wait3A_107 = arith.constant 0 : i32
      %dma_wait3A_108 = arith.constant 0 : i32
      %dma_wait3A_109 = tpu.memref_slice %arg5[%dma_wait3A_107, %dma_wait3A_108] : memref<10000x128xf32, #tpu.memory_space<hbm>> -> memref<10000x128xf32, #tpu.memory_space<hbm>>
      tpu.wait_indirect_dma semaphore(%arg14 : memref<!tpu.dma_semaphore, #tpu.memory_space<semaphore_mem>>) src(%dma_wait3A_109 : memref<10000x128xf32, #tpu.memory_space<hbm>>) dst(%arg11 : memref<128x128xf32, #tpu.memory_space<vmem>>)
      %add3A_110 = arith.constant 1 : i32
      %add3A_111 = arith.addi %mul3A_74, %add3A_110 : i32
      %dma_start3A_112 = arith.constant 0 : i32
      %dma_start3A_113 = tpu.memref_slice %arg9[%add3A_111, %dma_start3A_112] : memref<40x128xi32, #tpu.memory_space<vmem>> -> memref<1x128xi32, #tpu.memory_space<vmem>>
      %dma_start3A_114 = tpu.memref_squeeze %dma_start3A_113 : memref<1x128xi32, #tpu.memory_space<vmem>> -> memref<128xi32, #tpu.memory_space<vmem>>
      %dma_start3A_115 = arith.constant 0 : i32
      %dma_start3A_116 = arith.constant 0 : i32
      %dma_start3A_117 = tpu.memref_slice %arg12[%dma_start3A_115, %dma_start3A_116] : memref<10112x128xf32, #tpu.memory_space<vmem_shared>> -> memref<10112x128xf32, #tpu.memory_space<vmem_shared>>
      tpu.enqueue_indirect_dma source(%arg11 : memref<128x128xf32, #tpu.memory_space<vmem>>) target(%dma_start3A_117 : memref<10112x128xf32, #tpu.memory_space<vmem_shared>>) offsets(%dma_start3A_114 : memref<128xi32, #tpu.memory_space<vmem>>) semaphore(%arg16 : memref<!tpu.dma_semaphore, #tpu.memory_space<semaphore_mem>>) {add = true}
    }
    %scan3A_52 = arith.constant 20 : i32
    %dma_wait3A_53 = arith.constant 38 : i32
    %dma_wait3A_54 = arith.constant 0 : i32
    %dma_wait3A_55 = tpu.memref_slice %arg9[%dma_wait3A_53, %dma_wait3A_54] : memref<40x128xi32, #tpu.memory_space<vmem>> -> memref<1x128xi32, #tpu.memory_space<vmem>>
    %dma_wait3A_56 = tpu.memref_squeeze %dma_wait3A_55 : memref<1x128xi32, #tpu.memory_space<vmem>> -> memref<128xi32, #tpu.memory_space<vmem>>
    %dma_wait3A_57 = arith.constant 0 : i32
    %dma_wait3A_58 = arith.constant 0 : i32
    %dma_wait3A_59 = tpu.memref_slice %arg12[%dma_wait3A_57, %dma_wait3A_58] : memref<10112x128xf32, #tpu.memory_space<vmem_shared>> -> memref<10112x128xf32, #tpu.memory_space<vmem_shared>>
    tpu.wait_indirect_dma semaphore(%arg15 : memref<!tpu.dma_semaphore, #tpu.memory_space<semaphore_mem>>) src(%arg10 : memref<128x128xf32, #tpu.memory_space<vmem>>) dst(%dma_wait3A_59 : memref<10112x128xf32, #tpu.memory_space<vmem_shared>>)
    %dma_wait3A_60 = arith.constant 39 : i32
    %dma_wait3A_61 = arith.constant 0 : i32
    %dma_wait3A_62 = tpu.memref_slice %arg9[%dma_wait3A_60, %dma_wait3A_61] : memref<40x128xi32, #tpu.memory_space<vmem>> -> memref<1x128xi32, #tpu.memory_space<vmem>>
    %dma_wait3A_63 = tpu.memref_squeeze %dma_wait3A_62 : memref<1x128xi32, #tpu.memory_space<vmem>> -> memref<128xi32, #tpu.memory_space<vmem>>
    %dma_wait3A_64 = arith.constant 0 : i32
    %dma_wait3A_65 = arith.constant 0 : i32
    %dma_wait3A_66 = tpu.memref_slice %arg12[%dma_wait3A_64, %dma_wait3A_65] : memref<10112x128xf32, #tpu.memory_space<vmem_shared>> -> memref<10112x128xf32, #tpu.memory_space<vmem_shared>>
    tpu.wait_indirect_dma semaphore(%arg16 : memref<!tpu.dma_semaphore, #tpu.memory_space<semaphore_mem>>) src(%arg11 : memref<128x128xf32, #tpu.memory_space<vmem>>) dst(%dma_wait3A_66 : memref<10112x128xf32, #tpu.memory_space<vmem_shared>>)
    %barrier3A_67 = arith.constant 0 : index
    tpu.barrier barrier_id(%barrier3A_67)
    %mul3A_68 = arith.constant 632 : i32
    %mul3A_69 = arith.muli %arg1, %mul3A_68 : i32
    %mul3A_70 = arith.constant 632 : i32
    %mul3A_71 = arith.muli %arg1, %mul3A_70 : i32
    "tpu.region"() ({
      %run_scoped3A = tpu.sem_alloc : memref<!tpu.dma_semaphore, #tpu.memory_space<semaphore_mem>>
      %dma_start3A = arith.constant 0 : i32
      %dma_start3A_72 = tpu.memref_slice %arg7[%arg0, %mul3A_71, %dma_start3A] : memref<2x10112x128xf32, #tpu.memory_space<hbm>> -> memref<1x632x128xf32, #tpu.memory_space<hbm>>
      %dma_start3A_73 = tpu.memref_squeeze %dma_start3A_72 : memref<1x632x128xf32, #tpu.memory_space<hbm>> -> memref<632x128xf32, #tpu.memory_space<hbm>>
      %dma_start3A_74 = arith.constant 0 : i32
      %dma_start3A_75 = tpu.memref_slice %arg12[%mul3A_69, %dma_start3A_74] : memref<10112x128xf32, #tpu.memory_space<vmem_shared>> -> memref<632x128xf32, #tpu.memory_space<vmem_shared>>
      tpu.enqueue_dma source(%dma_start3A_75 : memref<632x128xf32, #tpu.memory_space<vmem_shared>>) target(%dma_start3A_73 : memref<632x128xf32, #tpu.memory_space<hbm>>) target_semaphore(%run_scoped3A : memref<!tpu.dma_semaphore, #tpu.memory_space<semaphore_mem>>)
      %dma_wait3A_76 = arith.constant 0 : i32
      %dma_wait3A_77 = tpu.memref_slice %arg7[%arg0, %mul3A_71, %dma_wait3A_76] : memref<2x10112x128xf32, #tpu.memory_space<hbm>> -> memref<1x632x128xf32, #tpu.memory_space<hbm>>
      %dma_wait3A_78 = tpu.memref_squeeze %dma_wait3A_77 : memref<1x632x128xf32, #tpu.memory_space<hbm>> -> memref<632x128xf32, #tpu.memory_space<hbm>>
      %dma_wait3A_79 = arith.constant 0 : i32
      %dma_wait3A_80 = tpu.memref_slice %arg12[%mul3A_69, %dma_wait3A_79] : memref<10112x128xf32, #tpu.memory_space<vmem_shared>> -> memref<632x128xf32, #tpu.memory_space<vmem_shared>>
      tpu.wait_dma2 semaphore(%run_scoped3A : memref<!tpu.dma_semaphore, #tpu.memory_space<semaphore_mem>>) src(%dma_wait3A_80 : memref<632x128xf32, #tpu.memory_space<vmem_shared>>) dst(%dma_wait3A_78 : memref<632x128xf32, #tpu.memory_space<hbm>>)
      tpu.yield
    }) : () -> ()
    return
  }
}

#map = affine_map<(d0, d1) -> (0, 0, 0)>
#map1 = affine_map<(d0, d1) -> (0, 0)>
module attributes {stable_mosaic.version = 14 : i64} {
  func.func @scat(%arg0: i32, %arg1: i32, %arg2: memref<2x2500x128xi32, #tpu.memory_space<hbm>>, %arg3: memref<80x128xi32, #tpu.memory_space<hbm>>, %arg4: memref<80x128xi32, #tpu.memory_space<hbm>>, %arg5: memref<10000x128xf32, #tpu.memory_space<hbm>>, %arg6: memref<10112x128xf32, #tpu.memory_space<hbm>>, %arg7: memref<2x10112x128xf32, #tpu.memory_space<hbm>>, %arg8: memref<40x128xi32, #tpu.memory_space<vmem>>, %arg9: memref<40x128xi32, #tpu.memory_space<vmem>>, %arg10: memref<128x128xf32, #tpu.memory_space<vmem>>, %arg11: memref<128x128xf32, #tpu.memory_space<vmem>>, %arg12: memref<10112x128xf32, #tpu.memory_space<vmem_shared>>, %arg13: memref<!tpu.dma_semaphore, #tpu.memory_space<semaphore_mem>>, %arg14: memref<!tpu.dma_semaphore, #tpu.memory_space<semaphore_mem>>, %arg15: memref<!tpu.dma_semaphore, #tpu.memory_space<semaphore_mem>>, %arg16: memref<!tpu.dma_semaphore, #tpu.memory_space<semaphore_mem>>) attributes {dimension_semantics = [#tpu.dimension_semantics<core_parallel>, #tpu.dimension_semantics<subcore_parallel>], iteration_bounds = array<i64: 2, 16>, scalar_prefetch = 0 : i64, scratch_operands = 9 : i64, tpu.core_type = #tpu.core_type<sc_vector_subcore>, window_params = [{transform_indices = #map}, {transform_indices = #map1}, {transform_indices = #map1}, {transform_indices = #map1}, {transform_indices = #map1}, {transform_indices = #map}]} {
    %mul3A = arith.constant 632 : i32
    %mul3A_0 = arith.muli %arg1, %mul3A : i32
    %mul3A_1 = arith.constant 632 : i32
    %mul3A_2 = arith.muli %arg1, %mul3A_1 : i32
    "tpu.region"() ({
      %run_scoped3A = tpu.sem_alloc : memref<!tpu.dma_semaphore, #tpu.memory_space<semaphore_mem>>
      %dma_start3A = arith.constant 0 : i32
      %dma_start3A_72 = tpu.memref_slice %arg12[%mul3A_2, %dma_start3A] : memref<10112x128xf32, #tpu.memory_space<vmem_shared>> -> memref<632x128xf32, #tpu.memory_space<vmem_shared>>
      %dma_start3A_73 = arith.constant 0 : i32
      %dma_start3A_74 = tpu.memref_slice %arg6[%mul3A_0, %dma_start3A_73] : memref<10112x128xf32, #tpu.memory_space<hbm>> -> memref<632x128xf32, #tpu.memory_space<hbm>>
      tpu.enqueue_dma source(%dma_start3A_74 : memref<632x128xf32, #tpu.memory_space<hbm>>) target(%dma_start3A_72 : memref<632x128xf32, #tpu.memory_space<vmem_shared>>) target_semaphore(%run_scoped3A : memref<!tpu.dma_semaphore, #tpu.memory_space<semaphore_mem>>)
      %dma_wait3A_75 = arith.constant 0 : i32
      %dma_wait3A_76 = tpu.memref_slice %arg12[%mul3A_2, %dma_wait3A_75] : memref<10112x128xf32, #tpu.memory_space<vmem_shared>> -> memref<632x128xf32, #tpu.memory_space<vmem_shared>>
      %dma_wait3A_77 = arith.constant 0 : i32
      %dma_wait3A_78 = tpu.memref_slice %arg6[%mul3A_0, %dma_wait3A_77] : memref<10112x128xf32, #tpu.memory_space<hbm>> -> memref<632x128xf32, #tpu.memory_space<hbm>>
      tpu.wait_dma2 semaphore(%run_scoped3A : memref<!tpu.dma_semaphore, #tpu.memory_space<semaphore_mem>>) src(%dma_wait3A_78 : memref<632x128xf32, #tpu.memory_space<hbm>>) dst(%dma_wait3A_76 : memref<632x128xf32, #tpu.memory_space<vmem_shared>>)
      tpu.yield
    }) : () -> ()
    %barrier3A = arith.constant 0 : index
    tpu.barrier barrier_id(%barrier3A)
    %mul3A_3 = arith.constant 16 : i32
    %mul3A_4 = arith.muli %arg0, %mul3A_3 : i32
    %add3A = arith.addi %mul3A_4, %arg1 : i32
    %mul3A_5 = arith.constant 80 : i32
    %mul3A_6 = arith.muli %add3A, %mul3A_5 : i32
    %add3A_7 = arith.constant 0 : i32
    %add3A_8 = arith.addi %mul3A_6, %add3A_7 : i32
    %lt3A = arith.constant 31 : i32
    %lt3A_9 = arith.cmpi slt, %add3A, %lt3A : i32
    %convert_element_type3A = arith.extui %lt3A_9 : i1 to i32
    %cond3A = arith.constant 0 : i32
    %cond3A_10 = arith.cmpi ne, %convert_element_type3A, %cond3A : i32
    scf.if %cond3A_10 {
      %run_scoped3A = arith.constant 0 : i32
      "tpu.region"() ({
        %run_scoped3A_73 = tpu.sem_alloc : memref<!tpu.dma_semaphore, #tpu.memory_space<semaphore_mem>>
        %dma_start3A = arith.constant 0 : i32
        %dma_start3A_74 = tpu.memref_slice %arg2[%run_scoped3A, %add3A_8, %dma_start3A] : memref<2x2500x128xi32, #tpu.memory_space<hbm>> -> memref<1x40x128xi32, #tpu.memory_space<hbm>>
        %dma_start3A_75 = tpu.memref_squeeze %dma_start3A_74 : memref<1x40x128xi32, #tpu.memory_space<hbm>> -> memref<40x128xi32, #tpu.memory_space<hbm>>
        %dma_start3A_76 = arith.constant 0 : i32
        %dma_start3A_77 = tpu.memref_slice %arg2[%run_scoped3A, %add3A_8, %dma_start3A_76] : memref<2x2500x128xi32, #tpu.memory_space<hbm>> -> memref<1x40x128xi32, #tpu.memory_space<hbm>>
        %dma_start3A_78 = tpu.memref_squeeze %dma_start3A_77 : memref<1x40x128xi32, #tpu.memory_space<hbm>> -> memref<40x128xi32, #tpu.memory_space<hbm>>
        tpu.enqueue_dma source(%dma_start3A_78 : memref<40x128xi32, #tpu.memory_space<hbm>>) target(%arg8 : memref<40x128xi32, #tpu.memory_space<vmem>>) target_semaphore(%run_scoped3A_73 : memref<!tpu.dma_semaphore, #tpu.memory_space<semaphore_mem>>)
        %dma_wait3A_79 = arith.constant 0 : i32
        %dma_wait3A_80 = tpu.memref_slice %arg2[%run_scoped3A, %add3A_8, %dma_wait3A_79] : memref<2x2500x128xi32, #tpu.memory_space<hbm>> -> memref<1x40x128xi32, #tpu.memory_space<hbm>>
        %dma_wait3A_81 = tpu.memref_squeeze %dma_wait3A_80 : memref<1x40x128xi32, #tpu.memory_space<hbm>> -> memref<40x128xi32, #tpu.memory_space<hbm>>
        %dma_wait3A_82 = arith.constant 0 : i32
        %dma_wait3A_83 = tpu.memref_slice %arg2[%run_scoped3A, %add3A_8, %dma_wait3A_82] : memref<2x2500x128xi32, #tpu.memory_space<hbm>> -> memref<1x40x128xi32, #tpu.memory_space<hbm>>
        %dma_wait3A_84 = tpu.memref_squeeze %dma_wait3A_83 : memref<1x40x128xi32, #tpu.memory_space<hbm>> -> memref<40x128xi32, #tpu.memory_space<hbm>>
        tpu.wait_dma2 semaphore(%run_scoped3A_73 : memref<!tpu.dma_semaphore, #tpu.memory_space<semaphore_mem>>) src(%dma_wait3A_84 : memref<40x128xi32, #tpu.memory_space<hbm>>) dst(%arg8 : memref<40x128xi32, #tpu.memory_space<vmem>>)
        tpu.yield
      }) : () -> ()
      %run_scoped3A_72 = arith.constant 1 : i32
      "tpu.region"() ({
        %run_scoped3A_73 = tpu.sem_alloc : memref<!tpu.dma_semaphore, #tpu.memory_space<semaphore_mem>>
        %dma_start3A = arith.constant 0 : i32
        %dma_start3A_74 = tpu.memref_slice %arg2[%run_scoped3A_72, %add3A_8, %dma_start3A] : memref<2x2500x128xi32, #tpu.memory_space<hbm>> -> memref<1x40x128xi32, #tpu.memory_space<hbm>>
        %dma_start3A_75 = tpu.memref_squeeze %dma_start3A_74 : memref<1x40x128xi32, #tpu.memory_space<hbm>> -> memref<40x128xi32, #tpu.memory_space<hbm>>
        %dma_start3A_76 = arith.constant 0 : i32
        %dma_start3A_77 = tpu.memref_slice %arg2[%run_scoped3A_72, %add3A_8, %dma_start3A_76] : memref<2x2500x128xi32, #tpu.memory_space<hbm>> -> memref<1x40x128xi32, #tpu.memory_space<hbm>>
        %dma_start3A_78 = tpu.memref_squeeze %dma_start3A_77 : memref<1x40x128xi32, #tpu.memory_space<hbm>> -> memref<40x128xi32, #tpu.memory_space<hbm>>
        tpu.enqueue_dma source(%dma_start3A_78 : memref<40x128xi32, #tpu.memory_space<hbm>>) target(%arg9 : memref<40x128xi32, #tpu.memory_space<vmem>>) target_semaphore(%run_scoped3A_73 : memref<!tpu.dma_semaphore, #tpu.memory_space<semaphore_mem>>)
        %dma_wait3A_79 = arith.constant 0 : i32
        %dma_wait3A_80 = tpu.memref_slice %arg2[%run_scoped3A_72, %add3A_8, %dma_wait3A_79] : memref<2x2500x128xi32, #tpu.memory_space<hbm>> -> memref<1x40x128xi32, #tpu.memory_space<hbm>>
        %dma_wait3A_81 = tpu.memref_squeeze %dma_wait3A_80 : memref<1x40x128xi32, #tpu.memory_space<hbm>> -> memref<40x128xi32, #tpu.memory_space<hbm>>
        %dma_wait3A_82 = arith.constant 0 : i32
        %dma_wait3A_83 = tpu.memref_slice %arg2[%run_scoped3A_72, %add3A_8, %dma_wait3A_82] : memref<2x2500x128xi32, #tpu.memory_space<hbm>> -> memref<1x40x128xi32, #tpu.memory_space<hbm>>
        %dma_wait3A_84 = tpu.memref_squeeze %dma_wait3A_83 : memref<1x40x128xi32, #tpu.memory_space<hbm>> -> memref<40x128xi32, #tpu.memory_space<hbm>>
        tpu.wait_dma2 semaphore(%run_scoped3A_73 : memref<!tpu.dma_semaphore, #tpu.memory_space<semaphore_mem>>) src(%dma_wait3A_84 : memref<40x128xi32, #tpu.memory_space<hbm>>) dst(%arg9 : memref<40x128xi32, #tpu.memory_space<vmem>>)
        tpu.yield
      }) : () -> ()
    } else {
    }
    %eq3A = arith.constant 31 : i32
    %eq3A_11 = arith.cmpi eq, %add3A, %eq3A : i32
    %convert_element_type3A_12 = arith.extui %eq3A_11 : i1 to i32
    %cond3A_13 = arith.constant 0 : i32
    %cond3A_14 = arith.cmpi ne, %convert_element_type3A_12, %cond3A_13 : i32
    scf.if %cond3A_14 {
      "tpu.region"() ({
        %run_scoped3A = tpu.sem_alloc : memref<!tpu.dma_semaphore, #tpu.memory_space<semaphore_mem>>
        %dma_start3A = arith.constant 0 : i32
        %dma_start3A_72 = arith.constant 0 : i32
        %dma_start3A_73 = tpu.memref_slice %arg3[%dma_start3A, %dma_start3A_72] : memref<80x128xi32, #tpu.memory_space<hbm>> -> memref<40x128xi32, #tpu.memory_space<hbm>>
        %dma_start3A_74 = arith.constant 0 : i32
        %dma_start3A_75 = arith.constant 0 : i32
        %dma_start3A_76 = tpu.memref_slice %arg3[%dma_start3A_74, %dma_start3A_75] : memref<80x128xi32, #tpu.memory_space<hbm>> -> memref<40x128xi32, #tpu.memory_space<hbm>>
        tpu.enqueue_dma source(%dma_start3A_76 : memref<40x128xi32, #tpu.memory_space<hbm>>) target(%arg8 : memref<40x128xi32, #tpu.memory_space<vmem>>) target_semaphore(%run_scoped3A : memref<!tpu.dma_semaphore, #tpu.memory_space<semaphore_mem>>)
        %dma_wait3A_77 = arith.constant 0 : i32
        %dma_wait3A_78 = arith.constant 0 : i32
        %dma_wait3A_79 = tpu.memref_slice %arg3[%dma_wait3A_77, %dma_wait3A_78] : memref<80x128xi32, #tpu.memory_space<hbm>> -> memref<40x128xi32, #tpu.memory_space<hbm>>
        %dma_wait3A_80 = arith.constant 0 : i32
        %dma_wait3A_81 = arith.constant 0 : i32
        %dma_wait3A_82 = tpu.memref_slice %arg3[%dma_wait3A_80, %dma_wait3A_81] : memref<80x128xi32, #tpu.memory_space<hbm>> -> memref<40x128xi32, #tpu.memory_space<hbm>>
        tpu.wait_dma2 semaphore(%run_scoped3A : memref<!tpu.dma_semaphore, #tpu.memory_space<semaphore_mem>>) src(%dma_wait3A_82 : memref<40x128xi32, #tpu.memory_space<hbm>>) dst(%arg8 : memref<40x128xi32, #tpu.memory_space<vmem>>)
        tpu.yield
      }) : () -> ()
      "tpu.region"() ({
        %run_scoped3A = tpu.sem_alloc : memref<!tpu.dma_semaphore, #tpu.memory_space<semaphore_mem>>
        %dma_start3A = arith.constant 0 : i32
        %dma_start3A_72 = arith.constant 0 : i32
        %dma_start3A_73 = tpu.memref_slice %arg4[%dma_start3A, %dma_start3A_72] : memref<80x128xi32, #tpu.memory_space<hbm>> -> memref<40x128xi32, #tpu.memory_space<hbm>>
        %dma_start3A_74 = arith.constant 0 : i32
        %dma_start3A_75 = arith.constant 0 : i32
        %dma_start3A_76 = tpu.memref_slice %arg4[%dma_start3A_74, %dma_start3A_75] : memref<80x128xi32, #tpu.memory_space<hbm>> -> memref<40x128xi32, #tpu.memory_space<hbm>>
        tpu.enqueue_dma source(%dma_start3A_76 : memref<40x128xi32, #tpu.memory_space<hbm>>) target(%arg9 : memref<40x128xi32, #tpu.memory_space<vmem>>) target_semaphore(%run_scoped3A : memref<!tpu.dma_semaphore, #tpu.memory_space<semaphore_mem>>)
        %dma_wait3A_77 = arith.constant 0 : i32
        %dma_wait3A_78 = arith.constant 0 : i32
        %dma_wait3A_79 = tpu.memref_slice %arg4[%dma_wait3A_77, %dma_wait3A_78] : memref<80x128xi32, #tpu.memory_space<hbm>> -> memref<40x128xi32, #tpu.memory_space<hbm>>
        %dma_wait3A_80 = arith.constant 0 : i32
        %dma_wait3A_81 = arith.constant 0 : i32
        %dma_wait3A_82 = tpu.memref_slice %arg4[%dma_wait3A_80, %dma_wait3A_81] : memref<80x128xi32, #tpu.memory_space<hbm>> -> memref<40x128xi32, #tpu.memory_space<hbm>>
        tpu.wait_dma2 semaphore(%run_scoped3A : memref<!tpu.dma_semaphore, #tpu.memory_space<semaphore_mem>>) src(%dma_wait3A_82 : memref<40x128xi32, #tpu.memory_space<hbm>>) dst(%arg9 : memref<40x128xi32, #tpu.memory_space<vmem>>)
        tpu.yield
      }) : () -> ()
    } else {
    }
    %scan3A = arith.constant 0 : i32
    %scan3A_15 = arith.constant 0 : i32
    %scan3A_16 = arith.constant 20 : i32
    %scan3A_17 = arith.addi %scan3A_15, %scan3A_16 : i32
    %scan3A_18 = arith.constant 1 : i32
    scf.for %scan3A_72 = %scan3A_15 to %scan3A_17 step %scan3A_18  : i32 {
      %mul3A_73 = arith.constant 2 : i32
      %mul3A_74 = arith.muli %mul3A_73, %scan3A_72 : i32
      %gt3A = arith.constant 0 : i32
      %gt3A_75 = arith.cmpi sgt, %scan3A_72, %gt3A : i32
      %convert_element_type3A_76 = arith.extui %gt3A_75 : i1 to i32
      %cond3A_77 = arith.constant 0 : i32
      %cond3A_78 = arith.cmpi ne, %convert_element_type3A_76, %cond3A_77 : i32
      scf.if %cond3A_78 {
        %sub3A = arith.constant 2 : i32
        %sub3A_118 = arith.subi %mul3A_74, %sub3A : i32
        %dma_wait3A_119 = arith.constant 0 : i32
        %dma_wait3A_120 = tpu.memref_slice %arg9[%sub3A_118, %dma_wait3A_119] : memref<40x128xi32, #tpu.memory_space<vmem>> -> memref<1x128xi32, #tpu.memory_space<vmem>>
        %dma_wait3A_121 = tpu.memref_squeeze %dma_wait3A_120 : memref<1x128xi32, #tpu.memory_space<vmem>> -> memref<128xi32, #tpu.memory_space<vmem>>
        %dma_wait3A_122 = arith.constant 0 : i32
        %dma_wait3A_123 = arith.constant 0 : i32
        %dma_wait3A_124 = tpu.memref_slice %arg12[%dma_wait3A_122, %dma_wait3A_123] : memref<10112x128xf32, #tpu.memory_space<vmem_shared>> -> memref<10112x128xf32, #tpu.memory_space<vmem_shared>>
        tpu.wait_indirect_dma semaphore(%arg15 : memref<!tpu.dma_semaphore, #tpu.memory_space<semaphore_mem>>) src(%arg10 : memref<128x128xf32, #tpu.memory_space<vmem>>) dst(%dma_wait3A_124 : memref<10112x128xf32, #tpu.memory_space<vmem_shared>>)
        %sub3A_125 = arith.constant 1 : i32
        %sub3A_126 = arith.subi %mul3A_74, %sub3A_125 : i32
        %dma_wait3A_127 = arith.constant 0 : i32
        %dma_wait3A_128 = tpu.memref_slice %arg9[%sub3A_126, %dma_wait3A_127] : memref<40x128xi32, #tpu.memory_space<vmem>> -> memref<1x128xi32, #tpu.memory_space<vmem>>
        %dma_wait3A_129 = tpu.memref_squeeze %dma_wait3A_128 : memref<1x128xi32, #tpu.memory_space<vmem>> -> memref<128xi32, #tpu.memory_space<vmem>>
        %dma_wait3A_130 = arith.constant 0 : i32
        %dma_wait3A_131 = arith.constant 0 : i32
        %dma_wait3A_132 = tpu.memref_slice %arg12[%dma_wait3A_130, %dma_wait3A_131] : memref<10112x128xf32, #tpu.memory_space<vmem_shared>> -> memref<10112x128xf32, #tpu.memory_space<vmem_shared>>
        tpu.wait_indirect_dma semaphore(%arg16 : memref<!tpu.dma_semaphore, #tpu.memory_space<semaphore_mem>>) src(%arg11 : memref<128x128xf32, #tpu.memory_space<vmem>>) dst(%dma_wait3A_132 : memref<10112x128xf32, #tpu.memory_space<vmem_shared>>)
      } else {
      }
      %dma_start3A = arith.constant 0 : i32
      %dma_start3A_79 = tpu.memref_slice %arg8[%mul3A_74, %dma_start3A] : memref<40x128xi32, #tpu.memory_space<vmem>> -> memref<1x128xi32, #tpu.memory_space<vmem>>
      %dma_start3A_80 = tpu.memref_squeeze %dma_start3A_79 : memref<1x128xi32, #tpu.memory_space<vmem>> -> memref<128xi32, #tpu.memory_space<vmem>>
      %dma_start3A_81 = arith.constant 0 : i32
      %dma_start3A_82 = arith.constant 0 : i32
      %dma_start3A_83 = tpu.memref_slice %arg5[%dma_start3A_81, %dma_start3A_82] : memref<10000x128xf32, #tpu.memory_space<hbm>> -> memref<10000x128xf32, #tpu.memory_space<hbm>>
      tpu.enqueue_indirect_dma source(%dma_start3A_83 : memref<10000x128xf32, #tpu.memory_space<hbm>>) target(%arg10 : memref<128x128xf32, #tpu.memory_space<vmem>>) offsets(%dma_start3A_80 : memref<128xi32, #tpu.memory_space<vmem>>) semaphore(%arg13 : memref<!tpu.dma_semaphore, #tpu.memory_space<semaphore_mem>>)
      %add3A_84 = arith.constant 1 : i32
      %add3A_85 = arith.addi %mul3A_74, %add3A_84 : i32
      %dma_start3A_86 = arith.constant 0 : i32
      %dma_start3A_87 = tpu.memref_slice %arg8[%add3A_85, %dma_start3A_86] : memref<40x128xi32, #tpu.memory_space<vmem>> -> memref<1x128xi32, #tpu.memory_space<vmem>>
      %dma_start3A_88 = tpu.memref_squeeze %dma_start3A_87 : memref<1x128xi32, #tpu.memory_space<vmem>> -> memref<128xi32, #tpu.memory_space<vmem>>
      %dma_start3A_89 = arith.constant 0 : i32
      %dma_start3A_90 = arith.constant 0 : i32
      %dma_start3A_91 = tpu.memref_slice %arg5[%dma_start3A_89, %dma_start3A_90] : memref<10000x128xf32, #tpu.memory_space<hbm>> -> memref<10000x128xf32, #tpu.memory_space<hbm>>
      tpu.enqueue_indirect_dma source(%dma_start3A_91 : memref<10000x128xf32, #tpu.memory_space<hbm>>) target(%arg11 : memref<128x128xf32, #tpu.memory_space<vmem>>) offsets(%dma_start3A_88 : memref<128xi32, #tpu.memory_space<vmem>>) semaphore(%arg14 : memref<!tpu.dma_semaphore, #tpu.memory_space<semaphore_mem>>)
      %dma_wait3A_92 = arith.constant 0 : i32
      %dma_wait3A_93 = tpu.memref_slice %arg8[%mul3A_74, %dma_wait3A_92] : memref<40x128xi32, #tpu.memory_space<vmem>> -> memref<1x128xi32, #tpu.memory_space<vmem>>
      %dma_wait3A_94 = tpu.memref_squeeze %dma_wait3A_93 : memref<1x128xi32, #tpu.memory_space<vmem>> -> memref<128xi32, #tpu.memory_space<vmem>>
      %dma_wait3A_95 = arith.constant 0 : i32
      %dma_wait3A_96 = arith.constant 0 : i32
      %dma_wait3A_97 = tpu.memref_slice %arg5[%dma_wait3A_95, %dma_wait3A_96] : memref<10000x128xf32, #tpu.memory_space<hbm>> -> memref<10000x128xf32, #tpu.memory_space<hbm>>
      tpu.wait_indirect_dma semaphore(%arg13 : memref<!tpu.dma_semaphore, #tpu.memory_space<semaphore_mem>>) src(%dma_wait3A_97 : memref<10000x128xf32, #tpu.memory_space<hbm>>) dst(%arg10 : memref<128x128xf32, #tpu.memory_space<vmem>>)
      %dma_start3A_98 = arith.constant 0 : i32
      %dma_start3A_99 = tpu.memref_slice %arg9[%mul3A_74, %dma_start3A_98] : memref<40x128xi32, #tpu.memory_space<vmem>> -> memref<1x128xi32, #tpu.memory_space<vmem>>
      %dma_start3A_100 = tpu.memref_squeeze %dma_start3A_99 : memref<1x128xi32, #tpu.memory_space<vmem>> -> memref<128xi32, #tpu.memory_space<vmem>>
      %dma_start3A_101 = arith.constant 0 : i32
      %dma_start3A_102 = arith.constant 0 : i32
      %dma_start3A_103 = tpu.memref_slice %arg12[%dma_start3A_101, %dma_start3A_102] : memref<10112x128xf32, #tpu.memory_space<vmem_shared>> -> memref<10112x128xf32, #tpu.memory_space<vmem_shared>>
      tpu.enqueue_indirect_dma source(%arg10 : memref<128x128xf32, #tpu.memory_space<vmem>>) target(%dma_start3A_103 : memref<10112x128xf32, #tpu.memory_space<vmem_shared>>) offsets(%dma_start3A_100 : memref<128xi32, #tpu.memory_space<vmem>>) semaphore(%arg15 : memref<!tpu.dma_semaphore, #tpu.memory_space<semaphore_mem>>) {add = true}
      %dma_wait3A_104 = arith.constant 0 : i32
      %dma_wait3A_105 = tpu.memref_slice %arg8[%add3A_85, %dma_wait3A_104] : memref<40x128xi32, #tpu.memory_space<vmem>> -> memref<1x128xi32, #tpu.memory_space<vmem>>
      %dma_wait3A_106 = tpu.memref_squeeze %dma_wait3A_105 : memref<1x128xi32, #tpu.memory_space<vmem>> -> memref<128xi32, #tpu.memory_space<vmem>>
      %dma_wait3A_107 = arith.constant 0 : i32
      %dma_wait3A_108 = arith.constant 0 : i32
      %dma_wait3A_109 = tpu.memref_slice %arg5[%dma_wait3A_107, %dma_wait3A_108] : memref<10000x128xf32, #tpu.memory_space<hbm>> -> memref<10000x128xf32, #tpu.memory_space<hbm>>
      tpu.wait_indirect_dma semaphore(%arg14 : memref<!tpu.dma_semaphore, #tpu.memory_space<semaphore_mem>>) src(%dma_wait3A_109 : memref<10000x128xf32, #tpu.memory_space<hbm>>) dst(%arg11 : memref<128x128xf32, #tpu.memory_space<vmem>>)
      %add3A_110 = arith.constant 1 : i32
      %add3A_111 = arith.addi %mul3A_74, %add3A_110 : i32
      %dma_start3A_112 = arith.constant 0 : i32
      %dma_start3A_113 = tpu.memref_slice %arg9[%add3A_111, %dma_start3A_112] : memref<40x128xi32, #tpu.memory_space<vmem>> -> memref<1x128xi32, #tpu.memory_space<vmem>>
      %dma_start3A_114 = tpu.memref_squeeze %dma_start3A_113 : memref<1x128xi32, #tpu.memory_space<vmem>> -> memref<128xi32, #tpu.memory_space<vmem>>
      %dma_start3A_115 = arith.constant 0 : i32
      %dma_start3A_116 = arith.constant 0 : i32
      %dma_start3A_117 = tpu.memref_slice %arg12[%dma_start3A_115, %dma_start3A_116] : memref<10112x128xf32, #tpu.memory_space<vmem_shared>> -> memref<10112x128xf32, #tpu.memory_space<vmem_shared>>
      tpu.enqueue_indirect_dma source(%arg11 : memref<128x128xf32, #tpu.memory_space<vmem>>) target(%dma_start3A_117 : memref<10112x128xf32, #tpu.memory_space<vmem_shared>>) offsets(%dma_start3A_114 : memref<128xi32, #tpu.memory_space<vmem>>) semaphore(%arg16 : memref<!tpu.dma_semaphore, #tpu.memory_space<semaphore_mem>>) {add = true}
    }
    %scan3A_19 = arith.constant 20 : i32
    %dma_wait3A = arith.constant 38 : i32
    %dma_wait3A_20 = arith.constant 0 : i32
    %dma_wait3A_21 = tpu.memref_slice %arg9[%dma_wait3A, %dma_wait3A_20] : memref<40x128xi32, #tpu.memory_space<vmem>> -> memref<1x128xi32, #tpu.memory_space<vmem>>
    %dma_wait3A_22 = tpu.memref_squeeze %dma_wait3A_21 : memref<1x128xi32, #tpu.memory_space<vmem>> -> memref<128xi32, #tpu.memory_space<vmem>>
    %dma_wait3A_23 = arith.constant 0 : i32
    %dma_wait3A_24 = arith.constant 0 : i32
    %dma_wait3A_25 = tpu.memref_slice %arg12[%dma_wait3A_23, %dma_wait3A_24] : memref<10112x128xf32, #tpu.memory_space<vmem_shared>> -> memref<10112x128xf32, #tpu.memory_space<vmem_shared>>
    tpu.wait_indirect_dma semaphore(%arg15 : memref<!tpu.dma_semaphore, #tpu.memory_space<semaphore_mem>>) src(%arg10 : memref<128x128xf32, #tpu.memory_space<vmem>>) dst(%dma_wait3A_25 : memref<10112x128xf32, #tpu.memory_space<vmem_shared>>)
    %dma_wait3A_26 = arith.constant 39 : i32
    %dma_wait3A_27 = arith.constant 0 : i32
    %dma_wait3A_28 = tpu.memref_slice %arg9[%dma_wait3A_26, %dma_wait3A_27] : memref<40x128xi32, #tpu.memory_space<vmem>> -> memref<1x128xi32, #tpu.memory_space<vmem>>
    %dma_wait3A_29 = tpu.memref_squeeze %dma_wait3A_28 : memref<1x128xi32, #tpu.memory_space<vmem>> -> memref<128xi32, #tpu.memory_space<vmem>>
    %dma_wait3A_30 = arith.constant 0 : i32
    %dma_wait3A_31 = arith.constant 0 : i32
    %dma_wait3A_32 = tpu.memref_slice %arg12[%dma_wait3A_30, %dma_wait3A_31] : memref<10112x128xf32, #tpu.memory_space<vmem_shared>> -> memref<10112x128xf32, #tpu.memory_space<vmem_shared>>
    tpu.wait_indirect_dma semaphore(%arg16 : memref<!tpu.dma_semaphore, #tpu.memory_space<semaphore_mem>>) src(%arg11 : memref<128x128xf32, #tpu.memory_space<vmem>>) dst(%dma_wait3A_32 : memref<10112x128xf32, #tpu.memory_space<vmem_shared>>)
    %mul3A_33 = arith.constant 80 : i32
    %mul3A_34 = arith.muli %add3A, %mul3A_33 : i32
    %add3A_35 = arith.constant 40 : i32
    %add3A_36 = arith.addi %mul3A_34, %add3A_35 : i32
    %lt3A_37 = arith.constant 31 : i32
    %lt3A_38 = arith.cmpi slt, %add3A, %lt3A_37 : i32
    %convert_element_type3A_39 = arith.extui %lt3A_38 : i1 to i32
    %cond3A_40 = arith.constant 0 : i32
    %cond3A_41 = arith.cmpi ne, %convert_element_type3A_39, %cond3A_40 : i32
    scf.if %cond3A_41 {
      %run_scoped3A = arith.constant 0 : i32
      "tpu.region"() ({
        %run_scoped3A_73 = tpu.sem_alloc : memref<!tpu.dma_semaphore, #tpu.memory_space<semaphore_mem>>
        %dma_start3A = arith.constant 0 : i32
        %dma_start3A_74 = tpu.memref_slice %arg2[%run_scoped3A, %add3A_36, %dma_start3A] : memref<2x2500x128xi32, #tpu.memory_space<hbm>> -> memref<1x40x128xi32, #tpu.memory_space<hbm>>
        %dma_start3A_75 = tpu.memref_squeeze %dma_start3A_74 : memref<1x40x128xi32, #tpu.memory_space<hbm>> -> memref<40x128xi32, #tpu.memory_space<hbm>>
        %dma_start3A_76 = arith.constant 0 : i32
        %dma_start3A_77 = tpu.memref_slice %arg2[%run_scoped3A, %add3A_36, %dma_start3A_76] : memref<2x2500x128xi32, #tpu.memory_space<hbm>> -> memref<1x40x128xi32, #tpu.memory_space<hbm>>
        %dma_start3A_78 = tpu.memref_squeeze %dma_start3A_77 : memref<1x40x128xi32, #tpu.memory_space<hbm>> -> memref<40x128xi32, #tpu.memory_space<hbm>>
        tpu.enqueue_dma source(%dma_start3A_78 : memref<40x128xi32, #tpu.memory_space<hbm>>) target(%arg8 : memref<40x128xi32, #tpu.memory_space<vmem>>) target_semaphore(%run_scoped3A_73 : memref<!tpu.dma_semaphore, #tpu.memory_space<semaphore_mem>>)
        %dma_wait3A_79 = arith.constant 0 : i32
        %dma_wait3A_80 = tpu.memref_slice %arg2[%run_scoped3A, %add3A_36, %dma_wait3A_79] : memref<2x2500x128xi32, #tpu.memory_space<hbm>> -> memref<1x40x128xi32, #tpu.memory_space<hbm>>
        %dma_wait3A_81 = tpu.memref_squeeze %dma_wait3A_80 : memref<1x40x128xi32, #tpu.memory_space<hbm>> -> memref<40x128xi32, #tpu.memory_space<hbm>>
        %dma_wait3A_82 = arith.constant 0 : i32
        %dma_wait3A_83 = tpu.memref_slice %arg2[%run_scoped3A, %add3A_36, %dma_wait3A_82] : memref<2x2500x128xi32, #tpu.memory_space<hbm>> -> memref<1x40x128xi32, #tpu.memory_space<hbm>>
        %dma_wait3A_84 = tpu.memref_squeeze %dma_wait3A_83 : memref<1x40x128xi32, #tpu.memory_space<hbm>> -> memref<40x128xi32, #tpu.memory_space<hbm>>
        tpu.wait_dma2 semaphore(%run_scoped3A_73 : memref<!tpu.dma_semaphore, #tpu.memory_space<semaphore_mem>>) src(%dma_wait3A_84 : memref<40x128xi32, #tpu.memory_space<hbm>>) dst(%arg8 : memref<40x128xi32, #tpu.memory_space<vmem>>)
        tpu.yield
      }) : () -> ()
      %run_scoped3A_72 = arith.constant 1 : i32
      "tpu.region"() ({
        %run_scoped3A_73 = tpu.sem_alloc : memref<!tpu.dma_semaphore, #tpu.memory_space<semaphore_mem>>
        %dma_start3A = arith.constant 0 : i32
        %dma_start3A_74 = tpu.memref_slice %arg2[%run_scoped3A_72, %add3A_36, %dma_start3A] : memref<2x2500x128xi32, #tpu.memory_space<hbm>> -> memref<1x40x128xi32, #tpu.memory_space<hbm>>
        %dma_start3A_75 = tpu.memref_squeeze %dma_start3A_74 : memref<1x40x128xi32, #tpu.memory_space<hbm>> -> memref<40x128xi32, #tpu.memory_space<hbm>>
        %dma_start3A_76 = arith.constant 0 : i32
        %dma_start3A_77 = tpu.memref_slice %arg2[%run_scoped3A_72, %add3A_36, %dma_start3A_76] : memref<2x2500x128xi32, #tpu.memory_space<hbm>> -> memref<1x40x128xi32, #tpu.memory_space<hbm>>
        %dma_start3A_78 = tpu.memref_squeeze %dma_start3A_77 : memref<1x40x128xi32, #tpu.memory_space<hbm>> -> memref<40x128xi32, #tpu.memory_space<hbm>>
        tpu.enqueue_dma source(%dma_start3A_78 : memref<40x128xi32, #tpu.memory_space<hbm>>) target(%arg9 : memref<40x128xi32, #tpu.memory_space<vmem>>) target_semaphore(%run_scoped3A_73 : memref<!tpu.dma_semaphore, #tpu.memory_space<semaphore_mem>>)
        %dma_wait3A_79 = arith.constant 0 : i32
        %dma_wait3A_80 = tpu.memref_slice %arg2[%run_scoped3A_72, %add3A_36, %dma_wait3A_79] : memref<2x2500x128xi32, #tpu.memory_space<hbm>> -> memref<1x40x128xi32, #tpu.memory_space<hbm>>
        %dma_wait3A_81 = tpu.memref_squeeze %dma_wait3A_80 : memref<1x40x128xi32, #tpu.memory_space<hbm>> -> memref<40x128xi32, #tpu.memory_space<hbm>>
        %dma_wait3A_82 = arith.constant 0 : i32
        %dma_wait3A_83 = tpu.memref_slice %arg2[%run_scoped3A_72, %add3A_36, %dma_wait3A_82] : memref<2x2500x128xi32, #tpu.memory_space<hbm>> -> memref<1x40x128xi32, #tpu.memory_space<hbm>>
        %dma_wait3A_84 = tpu.memref_squeeze %dma_wait3A_83 : memref<1x40x128xi32, #tpu.memory_space<hbm>> -> memref<40x128xi32, #tpu.memory_space<hbm>>
        tpu.wait_dma2 semaphore(%run_scoped3A_73 : memref<!tpu.dma_semaphore, #tpu.memory_space<semaphore_mem>>) src(%dma_wait3A_84 : memref<40x128xi32, #tpu.memory_space<hbm>>) dst(%arg9 : memref<40x128xi32, #tpu.memory_space<vmem>>)
        tpu.yield
      }) : () -> ()
    } else {
    }
    %eq3A_42 = arith.constant 31 : i32
    %eq3A_43 = arith.cmpi eq, %add3A, %eq3A_42 : i32
    %convert_element_type3A_44 = arith.extui %eq3A_43 : i1 to i32
    %cond3A_45 = arith.constant 0 : i32
    %cond3A_46 = arith.cmpi ne, %convert_element_type3A_44, %cond3A_45 : i32
    scf.if %cond3A_46 {
      "tpu.region"() ({
        %run_scoped3A = tpu.sem_alloc : memref<!tpu.dma_semaphore, #tpu.memory_space<semaphore_mem>>
        %dma_start3A = arith.constant 40 : i32
        %dma_start3A_72 = arith.constant 0 : i32
        %dma_start3A_73 = tpu.memref_slice %arg3[%dma_start3A, %dma_start3A_72] : memref<80x128xi32, #tpu.memory_space<hbm>> -> memref<40x128xi32, #tpu.memory_space<hbm>>
        %dma_start3A_74 = arith.constant 40 : i32
        %dma_start3A_75 = arith.constant 0 : i32
        %dma_start3A_76 = tpu.memref_slice %arg3[%dma_start3A_74, %dma_start3A_75] : memref<80x128xi32, #tpu.memory_space<hbm>> -> memref<40x128xi32, #tpu.memory_space<hbm>>
        tpu.enqueue_dma source(%dma_start3A_76 : memref<40x128xi32, #tpu.memory_space<hbm>>) target(%arg8 : memref<40x128xi32, #tpu.memory_space<vmem>>) target_semaphore(%run_scoped3A : memref<!tpu.dma_semaphore, #tpu.memory_space<semaphore_mem>>)
        %dma_wait3A_77 = arith.constant 40 : i32
        %dma_wait3A_78 = arith.constant 0 : i32
        %dma_wait3A_79 = tpu.memref_slice %arg3[%dma_wait3A_77, %dma_wait3A_78] : memref<80x128xi32, #tpu.memory_space<hbm>> -> memref<40x128xi32, #tpu.memory_space<hbm>>
        %dma_wait3A_80 = arith.constant 40 : i32
        %dma_wait3A_81 = arith.constant 0 : i32
        %dma_wait3A_82 = tpu.memref_slice %arg3[%dma_wait3A_80, %dma_wait3A_81] : memref<80x128xi32, #tpu.memory_space<hbm>> -> memref<40x128xi32, #tpu.memory_space<hbm>>
        tpu.wait_dma2 semaphore(%run_scoped3A : memref<!tpu.dma_semaphore, #tpu.memory_space<semaphore_mem>>) src(%dma_wait3A_82 : memref<40x128xi32, #tpu.memory_space<hbm>>) dst(%arg8 : memref<40x128xi32, #tpu.memory_space<vmem>>)
        tpu.yield
      }) : () -> ()
      "tpu.region"() ({
        %run_scoped3A = tpu.sem_alloc : memref<!tpu.dma_semaphore, #tpu.memory_space<semaphore_mem>>
        %dma_start3A = arith.constant 40 : i32
        %dma_start3A_72 = arith.constant 0 : i32
        %dma_start3A_73 = tpu.memref_slice %arg4[%dma_start3A, %dma_start3A_72] : memref<80x128xi32, #tpu.memory_space<hbm>> -> memref<40x128xi32, #tpu.memory_space<hbm>>
        %dma_start3A_74 = arith.constant 40 : i32
        %dma_start3A_75 = arith.constant 0 : i32
        %dma_start3A_76 = tpu.memref_slice %arg4[%dma_start3A_74, %dma_start3A_75] : memref<80x128xi32, #tpu.memory_space<hbm>> -> memref<40x128xi32, #tpu.memory_space<hbm>>
        tpu.enqueue_dma source(%dma_start3A_76 : memref<40x128xi32, #tpu.memory_space<hbm>>) target(%arg9 : memref<40x128xi32, #tpu.memory_space<vmem>>) target_semaphore(%run_scoped3A : memref<!tpu.dma_semaphore, #tpu.memory_space<semaphore_mem>>)
        %dma_wait3A_77 = arith.constant 40 : i32
        %dma_wait3A_78 = arith.constant 0 : i32
        %dma_wait3A_79 = tpu.memref_slice %arg4[%dma_wait3A_77, %dma_wait3A_78] : memref<80x128xi32, #tpu.memory_space<hbm>> -> memref<40x128xi32, #tpu.memory_space<hbm>>
        %dma_wait3A_80 = arith.constant 40 : i32
        %dma_wait3A_81 = arith.constant 0 : i32
        %dma_wait3A_82 = tpu.memref_slice %arg4[%dma_wait3A_80, %dma_wait3A_81] : memref<80x128xi32, #tpu.memory_space<hbm>> -> memref<40x128xi32, #tpu.memory_space<hbm>>
        tpu.wait_dma2 semaphore(%run_scoped3A : memref<!tpu.dma_semaphore, #tpu.memory_space<semaphore_mem>>) src(%dma_wait3A_82 : memref<40x128xi32, #tpu.memory_space<hbm>>) dst(%arg9 : memref<40x128xi32, #tpu.memory_space<vmem>>)
        tpu.yield
      }) : () -> ()
    } else {
    }
    %scan3A_47 = arith.constant 0 : i32
    %scan3A_48 = arith.constant 0 : i32
    %scan3A_49 = arith.constant 20 : i32
    %scan3A_50 = arith.addi %scan3A_48, %scan3A_49 : i32
    %scan3A_51 = arith.constant 1 : i32
    scf.for %scan3A_72 = %scan3A_48 to %scan3A_50 step %scan3A_51  : i32 {
      %mul3A_73 = arith.constant 2 : i32
      %mul3A_74 = arith.muli %mul3A_73, %scan3A_72 : i32
      %gt3A = arith.constant 0 : i32
      %gt3A_75 = arith.cmpi sgt, %scan3A_72, %gt3A : i32
      %convert_element_type3A_76 = arith.extui %gt3A_75 : i1 to i32
      %cond3A_77 = arith.constant 0 : i32
      %cond3A_78 = arith.cmpi ne, %convert_element_type3A_76, %cond3A_77 : i32
      scf.if %cond3A_78 {
        %sub3A = arith.constant 2 : i32
        %sub3A_118 = arith.subi %mul3A_74, %sub3A : i32
        %dma_wait3A_119 = arith.constant 0 : i32
        %dma_wait3A_120 = tpu.memref_slice %arg9[%sub3A_118, %dma_wait3A_119] : memref<40x128xi32, #tpu.memory_space<vmem>> -> memref<1x128xi32, #tpu.memory_space<vmem>>
        %dma_wait3A_121 = tpu.memref_squeeze %dma_wait3A_120 : memref<1x128xi32, #tpu.memory_space<vmem>> -> memref<128xi32, #tpu.memory_space<vmem>>
        %dma_wait3A_122 = arith.constant 0 : i32
        %dma_wait3A_123 = arith.constant 0 : i32
        %dma_wait3A_124 = tpu.memref_slice %arg12[%dma_wait3A_122, %dma_wait3A_123] : memref<10112x128xf32, #tpu.memory_space<vmem_shared>> -> memref<10112x128xf32, #tpu.memory_space<vmem_shared>>
        tpu.wait_indirect_dma semaphore(%arg15 : memref<!tpu.dma_semaphore, #tpu.memory_space<semaphore_mem>>) src(%arg10 : memref<128x128xf32, #tpu.memory_space<vmem>>) dst(%dma_wait3A_124 : memref<10112x128xf32, #tpu.memory_space<vmem_shared>>)
        %sub3A_125 = arith.constant 1 : i32
        %sub3A_126 = arith.subi %mul3A_74, %sub3A_125 : i32
        %dma_wait3A_127 = arith.constant 0 : i32
        %dma_wait3A_128 = tpu.memref_slice %arg9[%sub3A_126, %dma_wait3A_127] : memref<40x128xi32, #tpu.memory_space<vmem>> -> memref<1x128xi32, #tpu.memory_space<vmem>>
        %dma_wait3A_129 = tpu.memref_squeeze %dma_wait3A_128 : memref<1x128xi32, #tpu.memory_space<vmem>> -> memref<128xi32, #tpu.memory_space<vmem>>
        %dma_wait3A_130 = arith.constant 0 : i32
        %dma_wait3A_131 = arith.constant 0 : i32
        %dma_wait3A_132 = tpu.memref_slice %arg12[%dma_wait3A_130, %dma_wait3A_131] : memref<10112x128xf32, #tpu.memory_space<vmem_shared>> -> memref<10112x128xf32, #tpu.memory_space<vmem_shared>>
        tpu.wait_indirect_dma semaphore(%arg16 : memref<!tpu.dma_semaphore, #tpu.memory_space<semaphore_mem>>) src(%arg11 : memref<128x128xf32, #tpu.memory_space<vmem>>) dst(%dma_wait3A_132 : memref<10112x128xf32, #tpu.memory_space<vmem_shared>>)
      } else {
      }
      %dma_start3A = arith.constant 0 : i32
      %dma_start3A_79 = tpu.memref_slice %arg8[%mul3A_74, %dma_start3A] : memref<40x128xi32, #tpu.memory_space<vmem>> -> memref<1x128xi32, #tpu.memory_space<vmem>>
      %dma_start3A_80 = tpu.memref_squeeze %dma_start3A_79 : memref<1x128xi32, #tpu.memory_space<vmem>> -> memref<128xi32, #tpu.memory_space<vmem>>
      %dma_start3A_81 = arith.constant 0 : i32
      %dma_start3A_82 = arith.constant 0 : i32
      %dma_start3A_83 = tpu.memref_slice %arg5[%dma_start3A_81, %dma_start3A_82] : memref<10000x128xf32, #tpu.memory_space<hbm>> -> memref<10000x128xf32, #tpu.memory_space<hbm>>
      tpu.enqueue_indirect_dma source(%dma_start3A_83 : memref<10000x128xf32, #tpu.memory_space<hbm>>) target(%arg10 : memref<128x128xf32, #tpu.memory_space<vmem>>) offsets(%dma_start3A_80 : memref<128xi32, #tpu.memory_space<vmem>>) semaphore(%arg13 : memref<!tpu.dma_semaphore, #tpu.memory_space<semaphore_mem>>)
      %add3A_84 = arith.constant 1 : i32
      %add3A_85 = arith.addi %mul3A_74, %add3A_84 : i32
      %dma_start3A_86 = arith.constant 0 : i32
      %dma_start3A_87 = tpu.memref_slice %arg8[%add3A_85, %dma_start3A_86] : memref<40x128xi32, #tpu.memory_space<vmem>> -> memref<1x128xi32, #tpu.memory_space<vmem>>
      %dma_start3A_88 = tpu.memref_squeeze %dma_start3A_87 : memref<1x128xi32, #tpu.memory_space<vmem>> -> memref<128xi32, #tpu.memory_space<vmem>>
      %dma_start3A_89 = arith.constant 0 : i32
      %dma_start3A_90 = arith.constant 0 : i32
      %dma_start3A_91 = tpu.memref_slice %arg5[%dma_start3A_89, %dma_start3A_90] : memref<10000x128xf32, #tpu.memory_space<hbm>> -> memref<10000x128xf32, #tpu.memory_space<hbm>>
      tpu.enqueue_indirect_dma source(%dma_start3A_91 : memref<10000x128xf32, #tpu.memory_space<hbm>>) target(%arg11 : memref<128x128xf32, #tpu.memory_space<vmem>>) offsets(%dma_start3A_88 : memref<128xi32, #tpu.memory_space<vmem>>) semaphore(%arg14 : memref<!tpu.dma_semaphore, #tpu.memory_space<semaphore_mem>>)
      %dma_wait3A_92 = arith.constant 0 : i32
      %dma_wait3A_93 = tpu.memref_slice %arg8[%mul3A_74, %dma_wait3A_92] : memref<40x128xi32, #tpu.memory_space<vmem>> -> memref<1x128xi32, #tpu.memory_space<vmem>>
      %dma_wait3A_94 = tpu.memref_squeeze %dma_wait3A_93 : memref<1x128xi32, #tpu.memory_space<vmem>> -> memref<128xi32, #tpu.memory_space<vmem>>
      %dma_wait3A_95 = arith.constant 0 : i32
      %dma_wait3A_96 = arith.constant 0 : i32
      %dma_wait3A_97 = tpu.memref_slice %arg5[%dma_wait3A_95, %dma_wait3A_96] : memref<10000x128xf32, #tpu.memory_space<hbm>> -> memref<10000x128xf32, #tpu.memory_space<hbm>>
      tpu.wait_indirect_dma semaphore(%arg13 : memref<!tpu.dma_semaphore, #tpu.memory_space<semaphore_mem>>) src(%dma_wait3A_97 : memref<10000x128xf32, #tpu.memory_space<hbm>>) dst(%arg10 : memref<128x128xf32, #tpu.memory_space<vmem>>)
      %dma_start3A_98 = arith.constant 0 : i32
      %dma_start3A_99 = tpu.memref_slice %arg9[%mul3A_74, %dma_start3A_98] : memref<40x128xi32, #tpu.memory_space<vmem>> -> memref<1x128xi32, #tpu.memory_space<vmem>>
      %dma_start3A_100 = tpu.memref_squeeze %dma_start3A_99 : memref<1x128xi32, #tpu.memory_space<vmem>> -> memref<128xi32, #tpu.memory_space<vmem>>
      %dma_start3A_101 = arith.constant 0 : i32
      %dma_start3A_102 = arith.constant 0 : i32
      %dma_start3A_103 = tpu.memref_slice %arg12[%dma_start3A_101, %dma_start3A_102] : memref<10112x128xf32, #tpu.memory_space<vmem_shared>> -> memref<10112x128xf32, #tpu.memory_space<vmem_shared>>
      tpu.enqueue_indirect_dma source(%arg10 : memref<128x128xf32, #tpu.memory_space<vmem>>) target(%dma_start3A_103 : memref<10112x128xf32, #tpu.memory_space<vmem_shared>>) offsets(%dma_start3A_100 : memref<128xi32, #tpu.memory_space<vmem>>) semaphore(%arg15 : memref<!tpu.dma_semaphore, #tpu.memory_space<semaphore_mem>>) {add = true}
      %dma_wait3A_104 = arith.constant 0 : i32
      %dma_wait3A_105 = tpu.memref_slice %arg8[%add3A_85, %dma_wait3A_104] : memref<40x128xi32, #tpu.memory_space<vmem>> -> memref<1x128xi32, #tpu.memory_space<vmem>>
      %dma_wait3A_106 = tpu.memref_squeeze %dma_wait3A_105 : memref<1x128xi32, #tpu.memory_space<vmem>> -> memref<128xi32, #tpu.memory_space<vmem>>
      %dma_wait3A_107 = arith.constant 0 : i32
      %dma_wait3A_108 = arith.constant 0 : i32
      %dma_wait3A_109 = tpu.memref_slice %arg5[%dma_wait3A_107, %dma_wait3A_108] : memref<10000x128xf32, #tpu.memory_space<hbm>> -> memref<10000x128xf32, #tpu.memory_space<hbm>>
      tpu.wait_indirect_dma semaphore(%arg14 : memref<!tpu.dma_semaphore, #tpu.memory_space<semaphore_mem>>) src(%dma_wait3A_109 : memref<10000x128xf32, #tpu.memory_space<hbm>>) dst(%arg11 : memref<128x128xf32, #tpu.memory_space<vmem>>)
      %add3A_110 = arith.constant 1 : i32
      %add3A_111 = arith.addi %mul3A_74, %add3A_110 : i32
      %dma_start3A_112 = arith.constant 0 : i32
      %dma_start3A_113 = tpu.memref_slice %arg9[%add3A_111, %dma_start3A_112] : memref<40x128xi32, #tpu.memory_space<vmem>> -> memref<1x128xi32, #tpu.memory_space<vmem>>
      %dma_start3A_114 = tpu.memref_squeeze %dma_start3A_113 : memref<1x128xi32, #tpu.memory_space<vmem>> -> memref<128xi32, #tpu.memory_space<vmem>>
      %dma_start3A_115 = arith.constant 0 : i32
      %dma_start3A_116 = arith.constant 0 : i32
      %dma_start3A_117 = tpu.memref_slice %arg12[%dma_start3A_115, %dma_start3A_116] : memref<10112x128xf32, #tpu.memory_space<vmem_shared>> -> memref<10112x128xf32, #tpu.memory_space<vmem_shared>>
      tpu.enqueue_indirect_dma source(%arg11 : memref<128x128xf32, #tpu.memory_space<vmem>>) target(%dma_start3A_117 : memref<10112x128xf32, #tpu.memory_space<vmem_shared>>) offsets(%dma_start3A_114 : memref<128xi32, #tpu.memory_space<vmem>>) semaphore(%arg16 : memref<!tpu.dma_semaphore, #tpu.memory_space<semaphore_mem>>) {add = true}
    }
    %scan3A_52 = arith.constant 20 : i32
    %dma_wait3A_53 = arith.constant 38 : i32
    %dma_wait3A_54 = arith.constant 0 : i32
    %dma_wait3A_55 = tpu.memref_slice %arg9[%dma_wait3A_53, %dma_wait3A_54] : memref<40x128xi32, #tpu.memory_space<vmem>> -> memref<1x128xi32, #tpu.memory_space<vmem>>
    %dma_wait3A_56 = tpu.memref_squeeze %dma_wait3A_55 : memref<1x128xi32, #tpu.memory_space<vmem>> -> memref<128xi32, #tpu.memory_space<vmem>>
    %dma_wait3A_57 = arith.constant 0 : i32
    %dma_wait3A_58 = arith.constant 0 : i32
    %dma_wait3A_59 = tpu.memref_slice %arg12[%dma_wait3A_57, %dma_wait3A_58] : memref<10112x128xf32, #tpu.memory_space<vmem_shared>> -> memref<10112x128xf32, #tpu.memory_space<vmem_shared>>
    tpu.wait_indirect_dma semaphore(%arg15 : memref<!tpu.dma_semaphore, #tpu.memory_space<semaphore_mem>>) src(%arg10 : memref<128x128xf32, #tpu.memory_space<vmem>>) dst(%dma_wait3A_59 : memref<10112x128xf32, #tpu.memory_space<vmem_shared>>)
    %dma_wait3A_60 = arith.constant 39 : i32
    %dma_wait3A_61 = arith.constant 0 : i32
    %dma_wait3A_62 = tpu.memref_slice %arg9[%dma_wait3A_60, %dma_wait3A_61] : memref<40x128xi32, #tpu.memory_space<vmem>> -> memref<1x128xi32, #tpu.memory_space<vmem>>
    %dma_wait3A_63 = tpu.memref_squeeze %dma_wait3A_62 : memref<1x128xi32, #tpu.memory_space<vmem>> -> memref<128xi32, #tpu.memory_space<vmem>>
    %dma_wait3A_64 = arith.constant 0 : i32
    %dma_wait3A_65 = arith.constant 0 : i32
    %dma_wait3A_66 = tpu.memref_slice %arg12[%dma_wait3A_64, %dma_wait3A_65] : memref<10112x128xf32, #tpu.memory_space<vmem_shared>> -> memref<10112x128xf32, #tpu.memory_space<vmem_shared>>
    tpu.wait_indirect_dma semaphore(%arg16 : memref<!tpu.dma_semaphore, #tpu.memory_space<semaphore_mem>>) src(%arg11 : memref<128x128xf32, #tpu.memory_space<vmem>>) dst(%dma_wait3A_66 : memref<10112x128xf32, #tpu.memory_space<vmem_shared>>)
    %barrier3A_67 = arith.constant 0 : index
    tpu.barrier barrier_id(%barrier3A_67)
    %mul3A_68 = arith.constant 632 : i32
    %mul3A_69 = arith.muli %arg1, %mul3A_68 : i32
    %mul3A_70 = arith.constant 632 : i32
    %mul3A_71 = arith.muli %arg1, %mul3A_70 : i32
    "tpu.region"() ({
      %run_scoped3A = tpu.sem_alloc : memref<!tpu.dma_semaphore, #tpu.memory_space<semaphore_mem>>
      %dma_start3A = arith.constant 0 : i32
      %dma_start3A_72 = tpu.memref_slice %arg7[%arg0, %mul3A_71, %dma_start3A] : memref<2x10112x128xf32, #tpu.memory_space<hbm>> -> memref<1x632x128xf32, #tpu.memory_space<hbm>>
      %dma_start3A_73 = tpu.memref_squeeze %dma_start3A_72 : memref<1x632x128xf32, #tpu.memory_space<hbm>> -> memref<632x128xf32, #tpu.memory_space<hbm>>
      %dma_start3A_74 = arith.constant 0 : i32
      %dma_start3A_75 = tpu.memref_slice %arg12[%mul3A_69, %dma_start3A_74] : memref<10112x128xf32, #tpu.memory_space<vmem_shared>> -> memref<632x128xf32, #tpu.memory_space<vmem_shared>>
      tpu.enqueue_dma source(%dma_start3A_75 : memref<632x128xf32, #tpu.memory_space<vmem_shared>>) target(%dma_start3A_73 : memref<632x128xf32, #tpu.memory_space<hbm>>) target_semaphore(%run_scoped3A : memref<!tpu.dma_semaphore, #tpu.memory_space<semaphore_mem>>)
      %dma_wait3A_76 = arith.constant 0 : i32
      %dma_wait3A_77 = tpu.memref_slice %arg7[%arg0, %mul3A_71, %dma_wait3A_76] : memref<2x10112x128xf32, #tpu.memory_space<hbm>> -> memref<1x632x128xf32, #tpu.memory_space<hbm>>
      %dma_wait3A_78 = tpu.memref_squeeze %dma_wait3A_77 : memref<1x632x128xf32, #tpu.memory_space<hbm>> -> memref<632x128xf32, #tpu.memory_space<hbm>>
      %dma_wait3A_79 = arith.constant 0 : i32
      %dma_wait3A_80 = tpu.memref_slice %arg12[%mul3A_69, %dma_wait3A_79] : memref<10112x128xf32, #tpu.memory_space<vmem_shared>> -> memref<632x128xf32, #tpu.memory_space<vmem_shared>>
      tpu.wait_dma2 semaphore(%run_scoped3A : memref<!tpu.dma_semaphore, #tpu.memory_space<semaphore_mem>>) src(%dma_wait3A_80 : memref<632x128xf32, #tpu.memory_space<vmem_shared>>) dst(%dma_wait3A_78 : memref<632x128xf32, #tpu.memory_space<hbm>>)
      tpu.yield
    }) : () -> ()
    return
  }
}

module attributes {stable_mosaic.version = 14 : i64} {
  func.func @_tc_a_body(%arg0: i32, %arg1: memref<1000x128xf32, #tpu.memory_space<vmem>>, %arg2: memref<128x128xf32, #tpu.memory_space<vmem>>, %arg3: memref<1x128xf32, #tpu.memory_space<vmem>>, %arg4: memref<128x128xf32, #tpu.memory_space<vmem>>, %arg5: memref<2x1000x16xf32, #tpu.memory_space<vmem>>, %arg6: memref<2x1000x16xf32, #tpu.memory_space<vmem>>, %arg7: memref<1000x128xf32, #tpu.memory_space<vmem>>, %arg8: memref<1000x128xf32, #tpu.memory_space<vmem>>) attributes {dimension_semantics = [#tpu.dimension_semantics<arbitrary>], iteration_bounds = array<i64: 10>, scalar_prefetch = 0 : i64, scratch_operands = 0 : i64, tpu.core_type = #tpu.core_type<tc>, window_params = [{transform_indices = @transform_0, window_bounds = array<i64: 1000, 128>}, {pipeline_mode = #tpu.pipeline_mode<synchronous>, transform_indices = @transform_1, window_bounds = array<i64: 128, 128>}, {pipeline_mode = #tpu.pipeline_mode<synchronous>, transform_indices = @transform_2, window_bounds = array<i64: 1, 128>}, {pipeline_mode = #tpu.pipeline_mode<synchronous>, transform_indices = @transform_3, window_bounds = array<i64: 128, 128>}, {transform_indices = @transform_4, window_bounds = array<i64: 2, 1000, 16>}, {transform_indices = @transform_5, window_bounds = array<i64: 2, 1000, 16>}, {transform_indices = @transform_6, window_bounds = array<i64: 1000, 128>}, {transform_indices = @transform_7, window_bounds = array<i64: 1000, 128>}]} {
    %get3A = arith.constant 0 : index
    %get3A_0 = arith.constant 0 : index
    %get3A_1 = vector.load %arg1[%get3A, %get3A_0] : memref<1000x128xf32, #tpu.memory_space<vmem>>, vector<1000x128xf32>
    %get3A_2 = arith.constant 0 : index
    %get3A_3 = arith.constant 0 : index
    %get3A_4 = arith.constant 0 : index
    %get3A_5 = vector.load %arg5[%get3A_2, %get3A_3, %get3A_4] : memref<2x1000x16xf32, #tpu.memory_space<vmem>>, vector<2x1000x16xf32>
    %slice3A = vector.extract_strided_slice %get3A_5 {offsets = [0, 0, 0], sizes = [1, 1000, 16], strides = [1, 1, 1]} : vector<2x1000x16xf32> to vector<1x1000x16xf32>
    %squeeze3A = vector.shape_cast %slice3A : vector<1x1000x16xf32> to vector<1000x16xf32>
    %slice3A_6 = vector.extract_strided_slice %get3A_5 {offsets = [1, 0, 0], sizes = [1, 1000, 16], strides = [1, 1, 1]} : vector<2x1000x16xf32> to vector<1x1000x16xf32>
    %squeeze3A_7 = vector.shape_cast %slice3A_6 : vector<1x1000x16xf32> to vector<1000x16xf32>
    %add3A = arith.addf %squeeze3A, %squeeze3A_7 : vector<1000x16xf32>
    %slice3A_8 = vector.extract_strided_slice %add3A {offsets = [0, 0], sizes = [1000, 1], strides = [1, 1]} : vector<1000x16xf32> to vector<1000x1xf32>
    %rsqrt3A = math.rsqrt %slice3A_8 : vector<1000x1xf32>
    %get3A_9 = arith.constant 0 : index
    %get3A_10 = arith.constant 0 : index
    %get3A_11 = vector.load %arg2[%get3A_9, %get3A_10] : memref<128x128xf32, #tpu.memory_space<vmem>>, vector<128x128xf32>
    %dot_general3A = arith.constant dense<0.000000e+00> : vector<1000x128xf32>
    %dot_general3A_12 = tpu.matmul %get3A_1, %get3A_11, %dot_general3A {dimension_numbers = #tpu.dot_dimension_numbers<[1], [0], [0], [1], [0, 0, 1, 1], [], []>, transpose_lhs_hint = false} : vector<1000x128xf32>, vector<128x128xf32>, vector<1000x128xf32> -> vector<1000x128xf32>
    %get3A_13 = arith.constant 0 : index
    %get3A_14 = arith.constant 0 : index
    %get3A_15 = vector.load %arg3[%get3A_13, %get3A_14] : memref<1x128xf32, #tpu.memory_space<vmem>>, vector<1x128xf32>
    %add3A_16 = vector.broadcast %get3A_15 : vector<1x128xf32> to vector<1000x128xf32>
    %add3A_17 = arith.addf %dot_general3A_12, %add3A_16 : vector<1000x128xf32>
    %max3A = arith.constant 0.000000e+00 : f32
    %max3A_18 = vector.broadcast %max3A : f32 to vector<1000x128xf32>
    %max3A_19 = arith.maximumf %add3A_17, %max3A_18 : vector<1000x128xf32>
    %mul3A = vector.broadcast %rsqrt3A : vector<1000x1xf32> to vector<1000x128xf32>
    %mul3A_20 = arith.mulf %max3A_19, %mul3A : vector<1000x128xf32>
    %swap3A = arith.constant 0 : index
    %swap3A_21 = arith.constant 0 : index
    %swap3A_22 = vector.load %arg7[%swap3A, %swap3A_21] : memref<1000x128xf32, #tpu.memory_space<vmem>>, vector<1000x128xf32>
    tpu.vector_store %arg7[%swap3A, %swap3A_21], %mul3A_20 {strides = array<i32>} : memref<1000x128xf32, #tpu.memory_space<vmem>>, vector<1000x128xf32>,
    %get3A_23 = arith.constant 0 : index
    %get3A_24 = arith.constant 0 : index
    %get3A_25 = vector.load %arg4[%get3A_23, %get3A_24] : memref<128x128xf32, #tpu.memory_space<vmem>>, vector<128x128xf32>
    %dot_general3A_26 = arith.constant dense<0.000000e+00> : vector<1000x128xf32>
    %dot_general3A_27 = tpu.matmul %get3A_1, %get3A_25, %dot_general3A_26 {dimension_numbers = #tpu.dot_dimension_numbers<[1], [0], [0], [1], [0, 0, 1, 1], [], []>, transpose_lhs_hint = false} : vector<1000x128xf32>, vector<128x128xf32>, vector<1000x128xf32> -> vector<1000x128xf32>
    %swap3A_28 = arith.constant 0 : index
    %swap3A_29 = arith.constant 0 : index
    %swap3A_30 = vector.load %arg8[%swap3A_28, %swap3A_29] : memref<1000x128xf32, #tpu.memory_space<vmem>>, vector<1000x128xf32>
    tpu.vector_store %arg8[%swap3A_28, %swap3A_29], %dot_general3A_27 {strides = array<i32>} : memref<1000x128xf32, #tpu.memory_space<vmem>>, vector<1000x128xf32>,
    return
  }
  func.func @transform_0(%arg0: i32) -> (i32, i32) {
    %c0_i32 = arith.constant 0 : i32
    %c0_i32_0 = arith.constant 0 : i32
    return %arg0, %c0_i32 : i32, i32
  }
  func.func @transform_1(%arg0: i32) -> (i32, i32) {
    %c0_i32 = arith.constant 0 : i32
    %c0_i32_0 = arith.constant 0 : i32
    %c0_i32_1 = arith.constant 0 : i32
    return %c0_i32, %c0_i32_0 : i32, i32
  }
  func.func @transform_2(%arg0: i32) -> (i32, i32) {
    %c0_i32 = arith.constant 0 : i32
    %c0_i32_0 = arith.constant 0 : i32
    %c0_i32_1 = arith.constant 0 : i32
    return %c0_i32, %c0_i32_0 : i32, i32
  }
  func.func @transform_3(%arg0: i32) -> (i32, i32) {
    %c0_i32 = arith.constant 0 : i32
    %c0_i32_0 = arith.constant 0 : i32
    %c0_i32_1 = arith.constant 0 : i32
    return %c0_i32, %c0_i32_0 : i32, i32
  }
  func.func @transform_4(%arg0: i32) -> (i32, i32, i32) {
    %c0_i32 = arith.constant 0 : i32
    %c0_i32_0 = arith.constant 0 : i32
    %c0_i32_1 = arith.constant 0 : i32
    return %c0_i32, %arg0, %c0_i32_0 : i32, i32, i32
  }
  func.func @transform_5(%arg0: i32) -> (i32, i32, i32) {
    %c0_i32 = arith.constant 0 : i32
    %c0_i32_0 = arith.constant 0 : i32
    %c0_i32_1 = arith.constant 0 : i32
    return %c0_i32, %arg0, %c0_i32_0 : i32, i32, i32
  }
  func.func @transform_6(%arg0: i32) -> (i32, i32) {
    %c0_i32 = arith.constant 0 : i32
    %c0_i32_0 = arith.constant 0 : i32
    return %arg0, %c0_i32 : i32, i32
  }
  func.func @transform_7(%arg0: i32) -> (i32, i32) {
    %c0_i32 = arith.constant 0 : i32
    %c0_i32_0 = arith.constant 0 : i32
    return %arg0, %c0_i32 : i32, i32
  }
}

module attributes {stable_mosaic.version = 14 : i64} {
  func.func @_tc_b_body(%arg0: i32, %arg1: memref<2x1000x128xf32, #tpu.memory_space<vmem>>, %arg2: memref<1000x128xf32, #tpu.memory_space<vmem>>, %arg3: memref<1000x128xf32, #tpu.memory_space<vmem>>, %arg4: memref<2x1000x16xf32, #tpu.memory_space<vmem>>, %arg5: memref<2x1000x16xf32, #tpu.memory_space<vmem>>, %arg6: memref<128x128xf32, #tpu.memory_space<vmem>>, %arg7: memref<1x128xf32, #tpu.memory_space<vmem>>, %arg8: memref<128x128xf32, #tpu.memory_space<vmem>>, %arg9: memref<1000x128xf32, #tpu.memory_space<vmem>>, %arg10: memref<1000x128xf32, #tpu.memory_space<vmem>>) attributes {dimension_semantics = [#tpu.dimension_semantics<arbitrary>], iteration_bounds = array<i64: 10>, scalar_prefetch = 0 : i64, scratch_operands = 0 : i64, tpu.core_type = #tpu.core_type<tc>, window_params = [{transform_indices = @transform_0, window_bounds = array<i64: 2, 1000, 128>}, {transform_indices = @transform_1, window_bounds = array<i64: 1000, 128>}, {transform_indices = @transform_2, window_bounds = array<i64: 1000, 128>}, {transform_indices = @transform_3, window_bounds = array<i64: 2, 1000, 16>}, {transform_indices = @transform_4, window_bounds = array<i64: 2, 1000, 16>}, {pipeline_mode = #tpu.pipeline_mode<synchronous>, transform_indices = @transform_5, window_bounds = array<i64: 128, 128>}, {pipeline_mode = #tpu.pipeline_mode<synchronous>, transform_indices = @transform_6, window_bounds = array<i64: 1, 128>}, {pipeline_mode = #tpu.pipeline_mode<synchronous>, transform_indices = @transform_7, window_bounds = array<i64: 128, 128>}, {transform_indices = @transform_8, window_bounds = array<i64: 1000, 128>}, {transform_indices = @transform_9, window_bounds = array<i64: 1000, 128>}]} {
    %get3A = arith.constant 0 : index
    %get3A_0 = arith.constant 0 : index
    %get3A_1 = arith.constant 0 : index
    %get3A_2 = vector.load %arg4[%get3A, %get3A_0, %get3A_1] : memref<2x1000x16xf32, #tpu.memory_space<vmem>>, vector<2x1000x16xf32>
    %get3A_3 = arith.constant 0 : index
    %get3A_4 = arith.constant 0 : index
    %get3A_5 = arith.constant 0 : index
    %get3A_6 = vector.load %arg5[%get3A_3, %get3A_4, %get3A_5] : memref<2x1000x16xf32, #tpu.memory_space<vmem>>, vector<2x1000x16xf32>
    %slice3A = vector.extract_strided_slice %get3A_2 {offsets = [0, 0, 0], sizes = [1, 1000, 16], strides = [1, 1, 1]} : vector<2x1000x16xf32> to vector<1x1000x16xf32>
    %squeeze3A = vector.shape_cast %slice3A : vector<1x1000x16xf32> to vector<1000x16xf32>
    %slice3A_7 = vector.extract_strided_slice %get3A_2 {offsets = [1, 0, 0], sizes = [1, 1000, 16], strides = [1, 1, 1]} : vector<2x1000x16xf32> to vector<1x1000x16xf32>
    %squeeze3A_8 = vector.shape_cast %slice3A_7 : vector<1x1000x16xf32> to vector<1000x16xf32>
    %add3A = arith.addf %squeeze3A, %squeeze3A_8 : vector<1000x16xf32>
    %slice3A_9 = vector.extract_strided_slice %add3A {offsets = [0, 0], sizes = [1000, 1], strides = [1, 1]} : vector<1000x16xf32> to vector<1000x1xf32>
    %slice3A_10 = vector.extract_strided_slice %get3A_6 {offsets = [0, 0, 0], sizes = [1, 1000, 16], strides = [1, 1, 1]} : vector<2x1000x16xf32> to vector<1x1000x16xf32>
    %squeeze3A_11 = vector.shape_cast %slice3A_10 : vector<1x1000x16xf32> to vector<1000x16xf32>
    %slice3A_12 = vector.extract_strided_slice %get3A_6 {offsets = [1, 0, 0], sizes = [1, 1000, 16], strides = [1, 1, 1]} : vector<2x1000x16xf32> to vector<1x1000x16xf32>
    %squeeze3A_13 = vector.shape_cast %slice3A_12 : vector<1x1000x16xf32> to vector<1000x16xf32>
    %add3A_14 = arith.addf %squeeze3A_11, %squeeze3A_13 : vector<1000x16xf32>
    %slice3A_15 = vector.extract_strided_slice %add3A_14 {offsets = [0, 0], sizes = [1000, 1], strides = [1, 1]} : vector<1000x16xf32> to vector<1000x1xf32>
    %rsqrt3A = math.rsqrt %slice3A_9 : vector<1000x1xf32>
    %div3A = arith.constant 1.000000e+00 : f32
    %div3A_16 = vector.broadcast %div3A : f32 to vector<1000x1xf32>
    %div3A_17 = arith.divf %div3A_16, %slice3A_15 : vector<1000x1xf32>
    %get3A_18 = arith.constant 0 : index
    %get3A_19 = arith.constant 0 : index
    %get3A_20 = arith.constant 0 : index
    %get3A_21 = vector.load %arg1[%get3A_18, %get3A_19, %get3A_20] : memref<2x1000x128xf32, #tpu.memory_space<vmem>>, vector<2x1000x128xf32>
    %get3A_22 = arith.constant 0 : index
    %get3A_23 = arith.constant 0 : index
    %get3A_24 = vector.load %arg2[%get3A_22, %get3A_23] : memref<1000x128xf32, #tpu.memory_space<vmem>>, vector<1000x128xf32>
    %get3A_25 = arith.constant 0 : index
    %get3A_26 = arith.constant 0 : index
    %get3A_27 = vector.load %arg3[%get3A_25, %get3A_26] : memref<1000x128xf32, #tpu.memory_space<vmem>>, vector<1000x128xf32>
    %slice3A_28 = vector.extract_strided_slice %get3A_21 {offsets = [0, 0, 0], sizes = [1, 1000, 128], strides = [1, 1, 1]} : vector<2x1000x128xf32> to vector<1x1000x128xf32>
    %squeeze3A_29 = vector.shape_cast %slice3A_28 : vector<1x1000x128xf32> to vector<1000x128xf32>
    %slice3A_30 = vector.extract_strided_slice %get3A_21 {offsets = [1, 0, 0], sizes = [1, 1000, 128], strides = [1, 1, 1]} : vector<2x1000x128xf32> to vector<1x1000x128xf32>
    %squeeze3A_31 = vector.shape_cast %slice3A_30 : vector<1x1000x128xf32> to vector<1000x128xf32>
    %add3A_32 = arith.addf %squeeze3A_29, %squeeze3A_31 : vector<1000x128xf32>
    %add3A_33 = arith.addf %add3A_32, %get3A_24 : vector<1000x128xf32>
    %mul3A = vector.broadcast %rsqrt3A : vector<1000x1xf32> to vector<1000x128xf32>
    %mul3A_34 = arith.mulf %mul3A, %add3A_33 : vector<1000x128xf32>
    %mul3A_35 = vector.broadcast %div3A_17 : vector<1000x1xf32> to vector<1000x128xf32>
    %mul3A_36 = arith.mulf %mul3A_34, %mul3A_35 : vector<1000x128xf32>
    %add3A_37 = arith.addf %mul3A_36, %get3A_27 : vector<1000x128xf32>
    %max3A = arith.constant 0.000000e+00 : f32
    %max3A_38 = vector.broadcast %max3A : f32 to vector<1000x128xf32>
    %max3A_39 = arith.maximumf %add3A_37, %max3A_38 : vector<1000x128xf32>
    %mul3A_40 = arith.mulf %max3A_39, %max3A_39 : vector<1000x128xf32>
    %reduce_sum3A = arith.constant dense<0.000000e+00> : vector<1000xf32>
    %reduce_sum3A_41 = vector.multi_reduction <add>, %mul3A_40, %reduce_sum3A [1] : vector<1000x128xf32> to vector<1000xf32>
    %broadcast_in_dim3A = vector.shape_cast %reduce_sum3A_41 : vector<1000xf32> to vector<1000x1xf32>
    %sqrt3A = math.sqrt %broadcast_in_dim3A : vector<1000x1xf32>
    %max3A_42 = arith.constant 9.99999996E-13 : f32
    %max3A_43 = vector.broadcast %max3A_42 : f32 to vector<1000x1xf32>
    %max3A_44 = arith.maximumf %sqrt3A, %max3A_43 : vector<1000x1xf32>
    %div3A_45 = vector.broadcast %max3A_44 : vector<1000x1xf32> to vector<1000x128xf32>
    %div3A_46 = arith.divf %max3A_39, %div3A_45 : vector<1000x128xf32>
    %get3A_47 = arith.constant 0 : index
    %get3A_48 = arith.constant 0 : index
    %get3A_49 = vector.load %arg6[%get3A_47, %get3A_48] : memref<128x128xf32, #tpu.memory_space<vmem>>, vector<128x128xf32>
    %dot_general3A = arith.constant dense<0.000000e+00> : vector<1000x128xf32>
    %dot_general3A_50 = tpu.matmul %div3A_46, %get3A_49, %dot_general3A {dimension_numbers = #tpu.dot_dimension_numbers<[1], [0], [0], [1], [0, 0, 1, 1], [], []>, transpose_lhs_hint = false} : vector<1000x128xf32>, vector<128x128xf32>, vector<1000x128xf32> -> vector<1000x128xf32>
    %get3A_51 = arith.constant 0 : index
    %get3A_52 = arith.constant 0 : index
    %get3A_53 = vector.load %arg7[%get3A_51, %get3A_52] : memref<1x128xf32, #tpu.memory_space<vmem>>, vector<1x128xf32>
    %add3A_54 = vector.broadcast %get3A_53 : vector<1x128xf32> to vector<1000x128xf32>
    %add3A_55 = arith.addf %dot_general3A_50, %add3A_54 : vector<1000x128xf32>
    %max3A_56 = arith.constant 0.000000e+00 : f32
    %max3A_57 = vector.broadcast %max3A_56 : f32 to vector<1000x128xf32>
    %max3A_58 = arith.maximumf %add3A_55, %max3A_57 : vector<1000x128xf32>
    %mul3A_59 = vector.broadcast %rsqrt3A : vector<1000x1xf32> to vector<1000x128xf32>
    %mul3A_60 = arith.mulf %max3A_58, %mul3A_59 : vector<1000x128xf32>
    %swap3A = arith.constant 0 : index
    %swap3A_61 = arith.constant 0 : index
    %swap3A_62 = vector.load %arg9[%swap3A, %swap3A_61] : memref<1000x128xf32, #tpu.memory_space<vmem>>, vector<1000x128xf32>
    tpu.vector_store %arg9[%swap3A, %swap3A_61], %mul3A_60 {strides = array<i32>} : memref<1000x128xf32, #tpu.memory_space<vmem>>, vector<1000x128xf32>,
    %get3A_63 = arith.constant 0 : index
    %get3A_64 = arith.constant 0 : index
    %get3A_65 = vector.load %arg8[%get3A_63, %get3A_64] : memref<128x128xf32, #tpu.memory_space<vmem>>, vector<128x128xf32>
    %dot_general3A_66 = arith.constant dense<0.000000e+00> : vector<1000x128xf32>
    %dot_general3A_67 = tpu.matmul %div3A_46, %get3A_65, %dot_general3A_66 {dimension_numbers = #tpu.dot_dimension_numbers<[1], [0], [0], [1], [0, 0, 1, 1], [], []>, transpose_lhs_hint = false} : vector<1000x128xf32>, vector<128x128xf32>, vector<1000x128xf32> -> vector<1000x128xf32>
    %swap3A_68 = arith.constant 0 : index
    %swap3A_69 = arith.constant 0 : index
    %swap3A_70 = vector.load %arg10[%swap3A_68, %swap3A_69] : memref<1000x128xf32, #tpu.memory_space<vmem>>, vector<1000x128xf32>
    tpu.vector_store %arg10[%swap3A_68, %swap3A_69], %dot_general3A_67 {strides = array<i32>} : memref<1000x128xf32, #tpu.memory_space<vmem>>, vector<1000x128xf32>,
    return
  }
  func.func @transform_0(%arg0: i32) -> (i32, i32, i32) {
    %c0_i32 = arith.constant 0 : i32
    %c0_i32_0 = arith.constant 0 : i32
    %c0_i32_1 = arith.constant 0 : i32
    return %c0_i32, %arg0, %c0_i32_0 : i32, i32, i32
  }
  func.func @transform_1(%arg0: i32) -> (i32, i32) {
    %c0_i32 = arith.constant 0 : i32
    %c0_i32_0 = arith.constant 0 : i32
    return %arg0, %c0_i32 : i32, i32
  }
  func.func @transform_2(%arg0: i32) -> (i32, i32) {
    %c0_i32 = arith.constant 0 : i32
    %c0_i32_0 = arith.constant 0 : i32
    return %arg0, %c0_i32 : i32, i32
  }
  func.func @transform_3(%arg0: i32) -> (i32, i32, i32) {
    %c0_i32 = arith.constant 0 : i32
    %c0_i32_0 = arith.constant 0 : i32
    %c0_i32_1 = arith.constant 0 : i32
    return %c0_i32, %arg0, %c0_i32_0 : i32, i32, i32
  }
  func.func @transform_4(%arg0: i32) -> (i32, i32, i32) {
    %c0_i32 = arith.constant 0 : i32
    %c0_i32_0 = arith.constant 0 : i32
    %c0_i32_1 = arith.constant 0 : i32
    return %c0_i32, %arg0, %c0_i32_0 : i32, i32, i32
  }
  func.func @transform_5(%arg0: i32) -> (i32, i32) {
    %c0_i32 = arith.constant 0 : i32
    %c0_i32_0 = arith.constant 0 : i32
    %c0_i32_1 = arith.constant 0 : i32
    return %c0_i32, %c0_i32_0 : i32, i32
  }
  func.func @transform_6(%arg0: i32) -> (i32, i32) {
    %c0_i32 = arith.constant 0 : i32
    %c0_i32_0 = arith.constant 0 : i32
    %c0_i32_1 = arith.constant 0 : i32
    return %c0_i32, %c0_i32_0 : i32, i32
  }
  func.func @transform_7(%arg0: i32) -> (i32, i32) {
    %c0_i32 = arith.constant 0 : i32
    %c0_i32_0 = arith.constant 0 : i32
    %c0_i32_1 = arith.constant 0 : i32
    return %c0_i32, %c0_i32_0 : i32, i32
  }
  func.func @transform_8(%arg0: i32) -> (i32, i32) {
    %c0_i32 = arith.constant 0 : i32
    %c0_i32_0 = arith.constant 0 : i32
    return %arg0, %c0_i32 : i32, i32
  }
  func.func @transform_9(%arg0: i32) -> (i32, i32) {
    %c0_i32 = arith.constant 0 : i32
    %c0_i32_0 = arith.constant 0 : i32
    return %arg0, %c0_i32 : i32, i32
  }
}

module attributes {stable_mosaic.version = 14 : i64} {
  func.func @_tc_c_body(%arg0: i32, %arg1: memref<2x1000x128xf32, #tpu.memory_space<vmem>>, %arg2: memref<1000x128xf32, #tpu.memory_space<vmem>>, %arg3: memref<1000x128xf32, #tpu.memory_space<vmem>>, %arg4: memref<2x1000x16xf32, #tpu.memory_space<vmem>>, %arg5: memref<2x1000x16xf32, #tpu.memory_space<vmem>>, %arg6: memref<128x128xf32, #tpu.memory_space<vmem>>, %arg7: memref<1x128xf32, #tpu.memory_space<vmem>>, %arg8: memref<128x64xf32, #tpu.memory_space<vmem>>, %arg9: memref<1x64xf32, #tpu.memory_space<vmem>>, %arg10: memref<1000x64xf32, #tpu.memory_space<vmem>>) attributes {dimension_semantics = [#tpu.dimension_semantics<arbitrary>], iteration_bounds = array<i64: 10>, scalar_prefetch = 0 : i64, scratch_operands = 0 : i64, tpu.core_type = #tpu.core_type<tc>, window_params = [{transform_indices = @transform_0, window_bounds = array<i64: 2, 1000, 128>}, {transform_indices = @transform_1, window_bounds = array<i64: 1000, 128>}, {transform_indices = @transform_2, window_bounds = array<i64: 1000, 128>}, {transform_indices = @transform_3, window_bounds = array<i64: 2, 1000, 16>}, {transform_indices = @transform_4, window_bounds = array<i64: 2, 1000, 16>}, {pipeline_mode = #tpu.pipeline_mode<synchronous>, transform_indices = @transform_5, window_bounds = array<i64: 128, 128>}, {pipeline_mode = #tpu.pipeline_mode<synchronous>, transform_indices = @transform_6, window_bounds = array<i64: 1, 128>}, {pipeline_mode = #tpu.pipeline_mode<synchronous>, transform_indices = @transform_7, window_bounds = array<i64: 128, 64>}, {pipeline_mode = #tpu.pipeline_mode<synchronous>, transform_indices = @transform_8, window_bounds = array<i64: 1, 64>}, {transform_indices = @transform_9, window_bounds = array<i64: 1000, 64>}]} {
    %get3A = arith.constant 0 : index
    %get3A_0 = arith.constant 0 : index
    %get3A_1 = arith.constant 0 : index
    %get3A_2 = vector.load %arg4[%get3A, %get3A_0, %get3A_1] : memref<2x1000x16xf32, #tpu.memory_space<vmem>>, vector<2x1000x16xf32>
    %get3A_3 = arith.constant 0 : index
    %get3A_4 = arith.constant 0 : index
    %get3A_5 = arith.constant 0 : index
    %get3A_6 = vector.load %arg5[%get3A_3, %get3A_4, %get3A_5] : memref<2x1000x16xf32, #tpu.memory_space<vmem>>, vector<2x1000x16xf32>
    %slice3A = vector.extract_strided_slice %get3A_2 {offsets = [0, 0, 0], sizes = [1, 1000, 16], strides = [1, 1, 1]} : vector<2x1000x16xf32> to vector<1x1000x16xf32>
    %squeeze3A = vector.shape_cast %slice3A : vector<1x1000x16xf32> to vector<1000x16xf32>
    %slice3A_7 = vector.extract_strided_slice %get3A_2 {offsets = [1, 0, 0], sizes = [1, 1000, 16], strides = [1, 1, 1]} : vector<2x1000x16xf32> to vector<1x1000x16xf32>
    %squeeze3A_8 = vector.shape_cast %slice3A_7 : vector<1x1000x16xf32> to vector<1000x16xf32>
    %add3A = arith.addf %squeeze3A, %squeeze3A_8 : vector<1000x16xf32>
    %slice3A_9 = vector.extract_strided_slice %add3A {offsets = [0, 0], sizes = [1000, 1], strides = [1, 1]} : vector<1000x16xf32> to vector<1000x1xf32>
    %slice3A_10 = vector.extract_strided_slice %get3A_6 {offsets = [0, 0, 0], sizes = [1, 1000, 16], strides = [1, 1, 1]} : vector<2x1000x16xf32> to vector<1x1000x16xf32>
    %squeeze3A_11 = vector.shape_cast %slice3A_10 : vector<1x1000x16xf32> to vector<1000x16xf32>
    %slice3A_12 = vector.extract_strided_slice %get3A_6 {offsets = [1, 0, 0], sizes = [1, 1000, 16], strides = [1, 1, 1]} : vector<2x1000x16xf32> to vector<1x1000x16xf32>
    %squeeze3A_13 = vector.shape_cast %slice3A_12 : vector<1x1000x16xf32> to vector<1000x16xf32>
    %add3A_14 = arith.addf %squeeze3A_11, %squeeze3A_13 : vector<1000x16xf32>
    %slice3A_15 = vector.extract_strided_slice %add3A_14 {offsets = [0, 0], sizes = [1000, 1], strides = [1, 1]} : vector<1000x16xf32> to vector<1000x1xf32>
    %rsqrt3A = math.rsqrt %slice3A_9 : vector<1000x1xf32>
    %div3A = arith.constant 1.000000e+00 : f32
    %div3A_16 = vector.broadcast %div3A : f32 to vector<1000x1xf32>
    %div3A_17 = arith.divf %div3A_16, %slice3A_15 : vector<1000x1xf32>
    %get3A_18 = arith.constant 0 : index
    %get3A_19 = arith.constant 0 : index
    %get3A_20 = arith.constant 0 : index
    %get3A_21 = vector.load %arg1[%get3A_18, %get3A_19, %get3A_20] : memref<2x1000x128xf32, #tpu.memory_space<vmem>>, vector<2x1000x128xf32>
    %get3A_22 = arith.constant 0 : index
    %get3A_23 = arith.constant 0 : index
    %get3A_24 = vector.load %arg2[%get3A_22, %get3A_23] : memref<1000x128xf32, #tpu.memory_space<vmem>>, vector<1000x128xf32>
    %get3A_25 = arith.constant 0 : index
    %get3A_26 = arith.constant 0 : index
    %get3A_27 = vector.load %arg3[%get3A_25, %get3A_26] : memref<1000x128xf32, #tpu.memory_space<vmem>>, vector<1000x128xf32>
    %slice3A_28 = vector.extract_strided_slice %get3A_21 {offsets = [0, 0, 0], sizes = [1, 1000, 128], strides = [1, 1, 1]} : vector<2x1000x128xf32> to vector<1x1000x128xf32>
    %squeeze3A_29 = vector.shape_cast %slice3A_28 : vector<1x1000x128xf32> to vector<1000x128xf32>
    %slice3A_30 = vector.extract_strided_slice %get3A_21 {offsets = [1, 0, 0], sizes = [1, 1000, 128], strides = [1, 1, 1]} : vector<2x1000x128xf32> to vector<1x1000x128xf32>
    %squeeze3A_31 = vector.shape_cast %slice3A_30 : vector<1x1000x128xf32> to vector<1000x128xf32>
    %add3A_32 = arith.addf %squeeze3A_29, %squeeze3A_31 : vector<1000x128xf32>
    %add3A_33 = arith.addf %add3A_32, %get3A_24 : vector<1000x128xf32>
    %mul3A = vector.broadcast %rsqrt3A : vector<1000x1xf32> to vector<1000x128xf32>
    %mul3A_34 = arith.mulf %mul3A, %add3A_33 : vector<1000x128xf32>
    %mul3A_35 = vector.broadcast %div3A_17 : vector<1000x1xf32> to vector<1000x128xf32>
    %mul3A_36 = arith.mulf %mul3A_34, %mul3A_35 : vector<1000x128xf32>
    %add3A_37 = arith.addf %mul3A_36, %get3A_27 : vector<1000x128xf32>
    %max3A = arith.constant 0.000000e+00 : f32
    %max3A_38 = vector.broadcast %max3A : f32 to vector<1000x128xf32>
    %max3A_39 = arith.maximumf %add3A_37, %max3A_38 : vector<1000x128xf32>
    %mul3A_40 = arith.mulf %max3A_39, %max3A_39 : vector<1000x128xf32>
    %reduce_sum3A = arith.constant dense<0.000000e+00> : vector<1000xf32>
    %reduce_sum3A_41 = vector.multi_reduction <add>, %mul3A_40, %reduce_sum3A [1] : vector<1000x128xf32> to vector<1000xf32>
    %broadcast_in_dim3A = vector.shape_cast %reduce_sum3A_41 : vector<1000xf32> to vector<1000x1xf32>
    %sqrt3A = math.sqrt %broadcast_in_dim3A : vector<1000x1xf32>
    %max3A_42 = arith.constant 9.99999996E-13 : f32
    %max3A_43 = vector.broadcast %max3A_42 : f32 to vector<1000x1xf32>
    %max3A_44 = arith.maximumf %sqrt3A, %max3A_43 : vector<1000x1xf32>
    %div3A_45 = vector.broadcast %max3A_44 : vector<1000x1xf32> to vector<1000x128xf32>
    %div3A_46 = arith.divf %max3A_39, %div3A_45 : vector<1000x128xf32>
    %get3A_47 = arith.constant 0 : index
    %get3A_48 = arith.constant 0 : index
    %get3A_49 = vector.load %arg6[%get3A_47, %get3A_48] : memref<128x128xf32, #tpu.memory_space<vmem>>, vector<128x128xf32>
    %dot_general3A = arith.constant dense<0.000000e+00> : vector<1000x128xf32>
    %dot_general3A_50 = tpu.matmul %div3A_46, %get3A_49, %dot_general3A {dimension_numbers = #tpu.dot_dimension_numbers<[1], [0], [0], [1], [0, 0, 1, 1], [], []>, transpose_lhs_hint = false} : vector<1000x128xf32>, vector<128x128xf32>, vector<1000x128xf32> -> vector<1000x128xf32>
    %get3A_51 = arith.constant 0 : index
    %get3A_52 = arith.constant 0 : index
    %get3A_53 = vector.load %arg7[%get3A_51, %get3A_52] : memref<1x128xf32, #tpu.memory_space<vmem>>, vector<1x128xf32>
    %add3A_54 = vector.broadcast %get3A_53 : vector<1x128xf32> to vector<1000x128xf32>
    %add3A_55 = arith.addf %dot_general3A_50, %add3A_54 : vector<1000x128xf32>
    %get3A_56 = arith.constant 0 : index
    %get3A_57 = arith.constant 0 : index
    %get3A_58 = vector.load %arg8[%get3A_56, %get3A_57] : memref<128x64xf32, #tpu.memory_space<vmem>>, vector<128x64xf32>
    %dot_general3A_59 = arith.constant dense<0.000000e+00> : vector<1000x64xf32>
    %dot_general3A_60 = tpu.matmul %add3A_55, %get3A_58, %dot_general3A_59 {dimension_numbers = #tpu.dot_dimension_numbers<[1], [0], [0], [1], [0, 0, 1, 1], [], []>, transpose_lhs_hint = false} : vector<1000x128xf32>, vector<128x64xf32>, vector<1000x64xf32> -> vector<1000x64xf32>
    %get3A_61 = arith.constant 0 : index
    %get3A_62 = arith.constant 0 : index
    %get3A_63 = vector.load %arg9[%get3A_61, %get3A_62] : memref<1x64xf32, #tpu.memory_space<vmem>>, vector<1x64xf32>
    %add3A_64 = vector.broadcast %get3A_63 : vector<1x64xf32> to vector<1000x64xf32>
    %add3A_65 = arith.addf %dot_general3A_60, %add3A_64 : vector<1000x64xf32>
    %reduce_max3A = arith.constant dense<0xFF800000> : vector<1000xf32>
    %reduce_max3A_66 = vector.multi_reduction <maximumf>, %add3A_65, %reduce_max3A [1] : vector<1000x64xf32> to vector<1000xf32>
    %broadcast_in_dim3A_67 = vector.shape_cast %reduce_max3A_66 : vector<1000xf32> to vector<1000x1xf32>
    %sub3A = vector.broadcast %broadcast_in_dim3A_67 : vector<1000x1xf32> to vector<1000x64xf32>
    %sub3A_68 = arith.subf %add3A_65, %sub3A : vector<1000x64xf32>
    %exp3A = math.exp %sub3A_68 : vector<1000x64xf32>
    %reduce_sum3A_69 = arith.constant dense<0.000000e+00> : vector<1000xf32>
    %reduce_sum3A_70 = vector.multi_reduction <add>, %exp3A, %reduce_sum3A_69 [1] : vector<1000x64xf32> to vector<1000xf32>
    %broadcast_in_dim3A_71 = vector.shape_cast %reduce_sum3A_70 : vector<1000xf32> to vector<1000x1xf32>
    %log3A = math.log %broadcast_in_dim3A_71 : vector<1000x1xf32>
    %add3A_72 = arith.addf %log3A, %broadcast_in_dim3A_67 : vector<1000x1xf32>
    %sub3A_73 = vector.broadcast %add3A_72 : vector<1000x1xf32> to vector<1000x64xf32>
    %sub3A_74 = arith.subf %add3A_65, %sub3A_73 : vector<1000x64xf32>
    %swap3A = arith.constant 0 : index
    %swap3A_75 = arith.constant 0 : index
    %swap3A_76 = vector.load %arg10[%swap3A, %swap3A_75] : memref<1000x64xf32, #tpu.memory_space<vmem>>, vector<1000x64xf32>
    tpu.vector_store %arg10[%swap3A, %swap3A_75], %sub3A_74 {strides = array<i32>} : memref<1000x64xf32, #tpu.memory_space<vmem>>, vector<1000x64xf32>,
    return
  }
  func.func @transform_0(%arg0: i32) -> (i32, i32, i32) {
    %c0_i32 = arith.constant 0 : i32
    %c0_i32_0 = arith.constant 0 : i32
    %c0_i32_1 = arith.constant 0 : i32
    return %c0_i32, %arg0, %c0_i32_0 : i32, i32, i32
  }
  func.func @transform_1(%arg0: i32) -> (i32, i32) {
    %c0_i32 = arith.constant 0 : i32
    %c0_i32_0 = arith.constant 0 : i32
    return %arg0, %c0_i32 : i32, i32
  }
  func.func @transform_2(%arg0: i32) -> (i32, i32) {
    %c0_i32 = arith.constant 0 : i32
    %c0_i32_0 = arith.constant 0 : i32
    return %arg0, %c0_i32 : i32, i32
  }
  func.func @transform_3(%arg0: i32) -> (i32, i32, i32) {
    %c0_i32 = arith.constant 0 : i32
    %c0_i32_0 = arith.constant 0 : i32
    %c0_i32_1 = arith.constant 0 : i32
    return %c0_i32, %arg0, %c0_i32_0 : i32, i32, i32
  }
  func.func @transform_4(%arg0: i32) -> (i32, i32, i32) {
    %c0_i32 = arith.constant 0 : i32
    %c0_i32_0 = arith.constant 0 : i32
    %c0_i32_1 = arith.constant 0 : i32
    return %c0_i32, %arg0, %c0_i32_0 : i32, i32, i32
  }
  func.func @transform_5(%arg0: i32) -> (i32, i32) {
    %c0_i32 = arith.constant 0 : i32
    %c0_i32_0 = arith.constant 0 : i32
    %c0_i32_1 = arith.constant 0 : i32
    return %c0_i32, %c0_i32_0 : i32, i32
  }
  func.func @transform_6(%arg0: i32) -> (i32, i32) {
    %c0_i32 = arith.constant 0 : i32
    %c0_i32_0 = arith.constant 0 : i32
    %c0_i32_1 = arith.constant 0 : i32
    return %c0_i32, %c0_i32_0 : i32, i32
  }
  func.func @transform_7(%arg0: i32) -> (i32, i32) {
    %c0_i32 = arith.constant 0 : i32
    %c0_i32_0 = arith.constant 0 : i32
    %c0_i32_1 = arith.constant 0 : i32
    return %c0_i32, %c0_i32_0 : i32, i32
  }
  func.func @transform_8(%arg0: i32) -> (i32, i32) {
    %c0_i32 = arith.constant 0 : i32
    %c0_i32_0 = arith.constant 0 : i32
    %c0_i32_1 = arith.constant 0 : i32
    return %c0_i32, %c0_i32_0 : i32, i32
  }
  func.func @transform_9(%arg0: i32) -> (i32, i32) {
    %c0_i32 = arith.constant 0 : i32
    %c0_i32_0 = arith.constant 0 : i32
    return %arg0, %c0_i32 : i32, i32
  }
}

</mosaic_0001>

<sc_bundles>
// kernel: kernel.11.cloned.1.call-start
scs
__scs_entry_jumppad:
0x0: {  	(pc) =	sbr.rel $0x88, $3  }
0x1: {  	(tag) =	ssettag $0x0;
	lr =	simm.s32 $0x1  }
0x2: {  	[smem:$0x3F95] =	sst lr;
	_ =	strace $0xD0000000  }
0x3: {  	_ = 	snop  }
0x4: {  	_ = 	snop  }
0x5: {  	_ = 	snop  }
0x6: {  	_ = 	snop  }
0x7: {  	_ = 	snop  }
__scs_overlays_trampoline_lowered:
0x8: {  	[smem:$0x3FA4] =	sst s0  }
0x9: {  	[smem:$0x3FA5] =	sst s1  }
0xa: {  	[smem:$0x3FA6] =	sst s2  }
0xb: {  	[smem:$0x3FA7] =	sst s3  }
0xc: {  	[smem:$0x3FA8] =	sst s4  }
0xd: {  	[smem:$0x3FA9] =	sst s5  }
0xe: {  	[smem:$0x3FAA] =	sst s6  }
0xf: {  	[smem:$0x3FAB] =	sst s7  }
0x10: {  	[smem:$0x3FAC] =	sst s8  }
0x11: {  	[smem:$0x3FAD] =	sst s9;
	s0 =	simm.s32 @!p0 $0x0  }
0x12: {  	s1 =	sld [smem:$0x3F93];
	s0 =	simm.s32 @p0 $0x1  }
0x13: {  	[smem:$0x3FAE] =	sst s0;
	s0 =	simm.s32 @!p1 $0x0  }
0x14: {  	s2 =	sld [smem:$0x3F92];
	s0 =	simm.s32 @p1 $0x1  }
0x15: {  	[smem:$0x3FAF] =	sst s0;
	s0 =	simm.s32 @!p2 $0x0  }
0x16: {  	s3 =	sld [smem:$0x3FDB];
	s0 =	simm.s32 @p2 $0x1  }
0x17: {  	s4 =	simm.s32 $0x1BF5;
	[smem:$0x3FB1] =	sst s0  }
0x18: {  	s0 =	sld [smem:$0x3F94];
	_ =	swait.ge [sflag:s4], $0x0  }
0x19: {  	s7 =	sld [smem:$0x3F95]  }
0x1a: {  	s8 =	sadd.s32 $0xFFFFE003, lr  }
0x1b: {  	s9 =	sadd.s32 $0xFFFFFEF7, lr;
	s5 =	simm.s32 $0xFFFFFFFF;
	p2 =	slt.u32 s8, $0xFFFFF086  }
0x1c: {  	p1 =	slt.u32 s9, $0xF7A;
	s5 =	simm.s32 @!p2 $0x0  }
0x1d: {  	s5 =	simm.s32 @p1 $0x1;
	p0 =	seq.s32 s7, s2  }
0x1e: {  	s7 =	smul.u32 @!p0 $0xF7A, s2;
	p2 =	seq.s32 @!p0 s5, $0x0  }
0x1f: {  	s9 =	smul.u32 $0xF7A, s1;
	s8 =	simm.s32 @!p0 $0x1BF5;
	p2 =	por !p2, p0  }
0x20: {  	[sflag:s8] =	ssyncset.s32 @!p0 $0xFFFFF086;
	s6 =	sadd.s32 @!p0 s3, s7;
	s7 =	simm.s32 @!p0 $0x108  }
0x21: {  	s3 =	sadd.s32 s3, s9;
	s6 =	sadd.s32 @!p0 $0x88, s6;
	s7 =	simm.s32 @p2 $0x1082  }
0x22: {  	[simem:s7], [sflag:s8] =	dma.local @!p0 [hbm:s6], $0xF7A  }
0x23: {  	s9 =	sor.u32 $0xD0000000, s2;
	s6 =	simm.s32 $0x108;
	_ =	swait.ge @!p0 [sflag:s8], $0x0  }
0x24: {  	s3 =	sadd.s32 $0x88, s3;
	s6 =	simm.s32 @!p1 $0x1082;
	[sflag:s4] =	ssyncset.s32 $0xFFFFF086  }
0x25: {  	[simem:s6], [sflag:s4] =	dma.local [hbm:s3], $0xF7A  }
0x26: {  	[smem:$0x3F95] =	sst s1;
	(tag) =	ssettag s2;
	_ =	strace s9  }
0x27: {  	s1 =	sld [smem:$0x3FA5]  }
0x28: {  	s2 =	sld [smem:$0x3FA6]  }
0x29: {  	s4 =	sld [smem:$0x3FA8]  }
0x2a: {  	p0 =	seq.s32 s5, $0x0;
	s5 =	sld [smem:$0x3FA9]  }
0x2b: {  	s6 =	sld [smem:$0x3FAA]  }
0x2c: {  	s7 =	sld [smem:$0x3FAB]  }
0x2d: {  	s3 =	simm.s32 $0x108;
	s8 =	sld [smem:$0x3FAC]  }
0x2e: {  	s3 =	simm.s32 @!p0 $0x1082;
	s9 =	sld [smem:$0x3FAD]  }
0x2f: {  	lr =	sadd.s32 s0, s3;
	s0 =	sld [smem:$0x3FA4]  }
0x30: {  	s3 =	sld [smem:$0x3FA7]  }
0x31: {  	[smem:$0x3FB0] =	sst s10  }
0x32: {  	s10 =	sld [smem:$0x3FAE];
	_ =	sdelay $0x3  }
0x33: {  	p0 =	seq.s32 s10, $0x1;
	s10 =	sld [smem:$0x3FB0];
	_ =	sdelay $0x3  }
0x34: {  	[smem:$0x3FB0] =	sst s10  }
0x35: {  	s10 =	sld [smem:$0x3FAF];
	_ =	sdelay $0x3  }
0x36: {  	p1 =	seq.s32 s10, $0x1;
	s10 =	sld [smem:$0x3FB0];
	_ =	sdelay $0x3  }
0x37: {  	[smem:$0x3FB0] =	sst s10  }
0x38: {  	s10 =	sld [smem:$0x3FB1]  }
0x39: {  	_ = 	snop;
	(pc) =	sbr.ind lr, $3  }
0x3a: {  	_ = 	snop  }
0x3b: {  	_ = 	snop  }
0x3c: {  	p2 =	seq.s32 s10, $0x1;
	s10 =	sld [smem:$0x3FB0]  }
0x3d: {  	_ =	shalt  }
0x3e: {  	_ =	shalt  }
0x3f: {  	_ =	shalt  }
0x40: {  	_ =	shalt  }
0x41: {  	_ =	shalt  }
0x42: {  	_ =	shalt  }
0x43: {  	_ =	shalt  }
0x44: {  	_ =	shalt  }
0x45: {  	_ =	shalt  }
0x46: {  	_ =	shalt  }
0x47: {  	_ =	shalt  }
0x48: {  	_ =	shalt  }
0x49: {  	_ =	shalt  }
0x4a: {  	_ =	shalt  }
0x4b: {  	_ =	shalt  }
0x4c: {  	_ =	shalt  }
0x4d: {  	_ =	shalt  }
0x4e: {  	_ =	shalt  }
0x4f: {  	_ =	shalt  }
0x50: {  	_ =	shalt  }
0x51: {  	_ =	shalt  }
0x52: {  	_ =	shalt  }
0x53: {  	_ =	shalt  }
0x54: {  	_ =	shalt  }
0x55: {  	_ =	shalt  }
0x56: {  	_ =	shalt  }
0x57: {  	_ =	shalt  }
0x58: {  	_ =	shalt  }
0x59: {  	_ =	shalt  }
0x5a: {  	_ =	shalt  }
0x5b: {  	_ =	shalt  }
0x5c: {  	_ =	shalt  }
0x5d: {  	_ =	shalt  }
0x5e: {  	_ =	shalt  }
0x5f: {  	_ =	shalt  }
0x60: {  	_ =	shalt  }
0x61: {  	_ =	shalt  }
0x62: {  	_ =	shalt  }
0x63: {  	_ =	shalt  }
0x64: {  	_ =	shalt  }
0x65: {  	_ =	shalt  }
0x66: {  	_ =	shalt  }
0x67: {  	_ =	shalt  }
0x68: {  	_ =	shalt  }
0x69: {  	_ =	shalt  }
0x6a: {  	_ =	shalt  }
0x6b: {  	_ =	shalt  }
0x6c: {  	_ =	shalt  }
0x6d: {  	_ =	shalt  }
0x6e: {  	_ =	shalt  }
0x6f: {  	_ =	shalt  }
0x70: {  	_ =	shalt  }
0x71: {  	_ =	shalt  }
0x72: {  	_ =	shalt  }
0x73: {  	_ =	shalt  }
0x74: {  	_ =	shalt  }
0x75: {  	_ =	shalt  }
0x76: {  	_ =	shalt  }
0x77: {  	_ =	shalt  }
0x78: {  	_ =	shalt  }
0x79: {  	_ =	shalt  }
0x7a: {  	_ =	shalt  }
0x7b: {  	_ =	shalt  }
0x7c: {  	_ =	shalt  }
0x7d: {  	_ =	shalt  }
0x7e: {  	_ =	shalt  }
0x7f: {  	_ =	shalt  }
0x80: {  	_ =	shalt  }
0x81: {  	_ =	shalt  }
0x82: {  	_ =	shalt  }
0x83: {  	_ =	shalt  }
0x84: {  	_ =	shalt  }
0x85: {  	_ =	shalt  }
0x86: {  	_ =	shalt  }
0x87: {  	_ =	shalt  }
.Lfunc_end0:
.L_simem_size_0:
called_computation.1_lowered:
.L_overlay_start_0:
0x88: {  	s2 =	sld [smem:$0x3FD9]  }
0x89: {  	s3 =	sld [smem:$0x3FFE];
	_ =	sdelay $0x1  }
0x8a: {  	s1 =	srdreg.scid  }
0x8b: {  	s0 =	sand.u32 $0x1, s1  }
0x8c: {  	s17 =	sshll.u32 s0, $0xA;
	s2 =	sadd.s32 s3, s2  }
0x8d: {  	s2 =	sadd.s32 s2, s17  }
0x8e: {  	[smem:$0x3FBC] =	sst s2  }
0x8f: {  	_ = 	snop  }
0x90: {  	s2 =	sld [smem:$0x3FD0];
	(tm) =	ssettm $0x1  }
0x91: {  	s18 =	sld [smem:$0x3FFB];
	_ =	sdelay $0x3  }
0x92: {  	_ =	strace s18  }
0x93: {  	s3 =	sld [smem:$0x3FFC];
	_ =	sdelay $0x3  }
0x94: {  	_ =	strace s3  }
0x95: {  	s3 =	sld [smem:$0x3FFD];
	_ =	sdelay $0x3  }
0x96: {  	_ =	strace s3  }
0x97: {  	_ =	strace $0x8FFFFFFF  }
0x98: {  	s19 =	sld [smem:$0x3FDB];
	_ =	sdelay $0x1  }
0x99: {  	s4 =	simm.s32 $_scs_section_size  }
0x9a: {  	s5 =	simm.s32 $_size__tile_overlayer_lowered;
	s6 =	simm.s32 $_tile_overlayer_lowered  }
0x9b: {  	s22 =	simm.s32 $0x1BFF;
	s21 =	sshll.u32 s6, $0x1;
	s3 =	sadd.s32 s4, s19  }
0x9c: {  	s7 =	simm.s32 $0x0;
	s20 =	sshll.u32 s5, $0x1;
	s5 =	sadd.s32 s21, s3  }
0x9d: {  	[timem:s7], [sflag:s22] =	dma.local [hbm:s5], s20  }
0x9e: {  	_ =	swait.ge [sflag:s22], s20  }
0x9f: {  	s4 =	ssub.s32 $0x0, s20;
	[sflag:s22] =	ssyncset.done $0x0  }
0xa0: {  	[sflag:s22] =	ssyncadd.s32 s4;
	_ =	sdelay $0x1  }
0xa1: {  	s23 =	simm.s32 $0x1B8B  }
0xa2: {  	_ =	swait.ge [sflag:s23], $0x1  }
0xa3: {  	[sflag:s23] =	ssyncset.done $0x0  }
0xa4: {  	s25 =	simm.s32 $0x1B8E;
	s24 =	sld [smem:$0x3FFE];
	[sflag:s23] =	ssyncadd.s32 $0xFFFFFFFF  }
0xa5: {  	s26 =	simm.s32 $execute0_lowered;
	[smem:$0x3FD2] =	sst s25  }
0xa6: {  	s5 =	sshll.u32 s26, $0x1;
	_ =	strace $0x80000049;
	[dreg:$0x1] =	wrdreg $0xFFFFFFFF  }
0xa7: {  	s28 =	simm.s32 $_size_execute0_lowered;
	s3 =	sadd.s32 s3, s5;
	[dreg:$0x0] =	wrdreg $0x0  }
0xa8: {  	s5 =	sshll.u32 s28, $0x1;
	[dreg:$0x2] =	wrdreg s3  }
0xa9: {  	[dreg:$0x3] =	wrdreg s5  }
0xaa: {  	[dreg:$0x4] =	wrdreg $0xC0  }
0xab: {  	_ =	task [dreg:s7], $0x5FFFF  }
0xac: {  	[dreg:$0x1] =	wrdreg $0xFFFFFFFF  }
0xad: {  	[dreg:$0x0] =	wrdreg $0x60  }
0xae: {  	[dreg:$0x2] =	wrdreg s2  }
0xaf: {  	[dreg:$0x3] =	wrdreg s24  }
0xb0: {  	[dreg:$0x4] =	wrdreg $0xA8000  }
0xb1: {  	[dreg:$0x5] =	wrdreg $0x9  }
0xb2: {  	_ =	task.clear_ibuf [dreg:s7], $0x6FFFF;
	_ =	strace $0x90000049  }
0xb3: {  	s29 =	simm.s32 $0x9;
	_ =	strace $0x8000004B  }
0xb4: {  	_ =	swait.ge [sflag:s29], $0x1  }
0xb5: {  	[sflag:s29] =	ssyncadd.s32 $0xFFFFFFFF  }
0xb6: {  	_ =	strace $0x9000004B  }
0xb7: {  	_ =	sfence  }
0xb8: {  	s30 =	sld [smem:$0x0];
	_ =	sdelay $0x2  }
0xb9: {  	s31 =	sshll.u32 s1, $0xD;
	s1 =	sshrl.u32 s1, $0x2  }
0xba: {  	s3 =	sand.u32 $0x4000, s31;
	s1 =	sadd.s32 s1, s30  }
0xbb: {  	s0 =	sor.u32 s3, s0;
	s1 =	sshll.u32 s1, $0x11  }
0xbc: {  	s0 =	sor.u32 s1, s0  }
0xbd: {  	s0 =	sadd.s32 $0x8F2B, s0  }
0xbe: {  	[sflag:s0] =	ssyncadd.remote.s32 $0x1  }
0xbf: {  	_ =	sfence.sel $0xFFFF  }
0xc0: {  	[dreg:$0x0] =	wrdreg $0xFFFFFFFF;
	(pc) =	sbr.abs _section_cstart, $3  }
0xc1: {  	[dreg:$0x1] =	wrdreg $0xFFFFFFFF  }
0xc2: {  	_ =	task.clear_ibuf [dreg:s7], $0x2FFFF;
	_ =	strace $0x9FFFFFFF  }
0xc3: {  	(tm) =	ssettm $0x7FFFFFFF  }
tec
execute0_lowered:
.L_overlay_start_1:
0x0: {  	(tag) =	ssettag $0x1  }
0x1: {  	s7 =	rddreg [dreg:$0x0]  }
0x2: {  	s12 =	rddreg [dreg:$0x1]  }
0x3: {  	s2 =	rddreg [dreg:$0x2]  }
0x4: {  	s0 =	rddreg [dreg:$0x3];
	s3 =	simm.s32 $0x0;
	s1 =	stileid.u32  }
0x5: {  	s5 =	srdreg.scid;
	s20 =	simm.s32 $0x1;
	s21 =	simm.s32 $0x2  }
0x6: {  	s22 =	simm.s32 $0x1480;
	s23 =	simm.s32 $0x3;
	s24 =	simm.s32 $0x4  }
0x7: {  	s25 =	simm.s32 $0x0;
	[smem:$0x7FF] =	sst s3;
	s6 =	smul.u32 $0x13C00, s1  }
0x8: {  	s4 =	sadd.s32 $0x4000, s12;
	s8 =	sand.u32 $0x1, s5;
	s16 =	sadd.s32 $0x3A00, s12  }
0x9: {  	s5 =	sadd.s32 $0x4600, s12;
	s28 =	smul.u32 $0x4F000, s1;
	s31 =	sshll.u32 s1, $0x6  }
0xa: {  	s18 =	sadd.s32 $0x4280, s12;
	s19 =	sadd.s32 $0x3C80, s12;
	_ =	strace $0x8000004A  }
0xb: {  	s10 =	smul.u32 $0x13C000, s8;
	s11 =	sshll.u32 s8, $0x4;
	s8 =	ssub.s32 $0x2, s8  }
0xc: {  	s9 =	sshrl.u32 s6, $0x3;
	s11 =	sor.u32 s1, s11;
	s29 =	sshrl.u32 s8, $0x1  }
0xd: {  	s9 =	sadd.s32 s9, s12;
	s6 =	sadd.s32 s6, s10;
	s13 =	smul.u32 $0x2800, s11  }
0xe: {  	s10 =	sshrl.u32 s28, $0x2;
	s15 =	ssub.s32 s8, s29;
	s8 =	sor.u32 $0x1C05, s31  }
0xf: {  	p0 =	seq.s32 s11, $0x1F;
	s6 =	sshrl.u32 s6, $0x3;
	s17 =	sadd.s32 s10, s2  }
0x10: {  	s14 =	sadd.s32 s6, s12;
	s30 =	sshrl.u32 s13, $0x3;
	s6 =	sadd.s32 $0xCA600, s9  }
0x11: {  	s13 =	smax.u32 s15, $0x1;
	s15 =	simm.s32 $0x5;
	s7 =	sadd.s32 s7, s30  }
0x12: {  	s12 =	sadd.s32 $0xF1E00, s14;
	s14 =	sshrl.u32 s17, $0x3;
	s17 =	simm.s32 $0x80  }
0x13: {  	s9 =	sadd.s32 $0x9C80, s7;
	s10 =	sadd.s32 $0x280, s7;
	s11 =	sadd.s32 $0x9F00, s7  }
0x14: {  	s10 =	smov.u32 @p0 s18;
	s11 =	smov.u32 @p0 s19;
	s9 =	smov.u32 @p0 s16  }
0x15: {  	s16 =	simm.s32 $0x1400;
	s18 =	simm.s32 $0x2800;
	s19 =	simm.s32 $0x6800  }
.LBB2_1:
0x16: {  	[spmem:s14], [sflag:s8] =	dma.local [hbm:s6], $0x2780  }
0x17: {  	_ =	swait.ge [sflag:s15], $0x2780  }
0x18: {  	[sflag:s15] =	ssyncset.done $0x0  }
0x19: {  	[sflag:s15] =	ssyncadd.s32 $0xFFFFD880  }
0x1a: {  	s26 =	simm.s32 @p0 $0x0;
	[bflag:$0x0] =	sbarrier.arrive $0xFFFF  }
0x1b: {  	[tilespmem:s26], [sflag:$0x5] =	stream.linear.gather @p0 [hbm4b:s4+s26], $0x1400, $0x38;
	[tilespmem:$0x1E400] =	vst v63  }
0x1c: {  	s26 =	simm.s32 @p0 $0x5  }
0x1d: {  	_ =	swait.ge @p0 [sflag:s26], $0x1400  }
0x1e: {  	[sflag:s26] =	ssyncset.done @p0 $0x0  }
0x1f: {  	[sflag:s26] =	ssyncadd.s32 @p0 $0xFFFFEC00;
	s26 =	simm.s32 @!p0 $0x0  }
0x20: {  	[tilespmem:s26], [sflag:$0x5] =	stream.linear.gather @!p0 [hbm4b:s7+s26], $0x1400, $0x38;
	[tilespmem:$0x1E400] =	vst v63  }
0x21: {  	s26 =	simm.s32 @!p0 $0x5  }
0x22: {  	_ =	swait.ge @!p0 [sflag:s26], $0x1400  }
0x23: {  	[sflag:s26] =	ssyncset.done @!p0 $0x0  }
0x24: {  	[sflag:s26] =	ssyncadd.s32 @!p0 $0xFFFFEC00  }
0x25: {  	[tilespmem:s16], [sflag:$0x5] =	stream.linear.gather [hbm4b:s9+s3], $0x1400, $0x38;
	[tilespmem:$0x1E400] =	vst v63  }
0x26: {  	_ =	swait.ge [sflag:s15], $0x1400  }
0x27: {  	[sflag:s15] =	ssyncset.done $0x0  }
0x28: {  	[sflag:s15] =	ssyncadd.s32 $0xFFFFEC00  }
0x29: {  	[tilespmem:s18], [sflag:$0x1] =	stream.indirect.gather [hbm4b:s5+s17], $0x80, s3, s17, $0xb8;
	[tilespmem:$0x1E400] =	vst v63  }
0x2a: {  	_ = 	snop  }
0x2b: {  	[tilespmem:s19], [sflag:$0x2] =	stream.indirect.gather [hbm4b:s5+s17], $0x80, s17, s17, $0xb8;
	[tilespmem:$0x1E400] =	vst v63  }
0x2c: {  	_ =	swait.ge [sflag:s20], $0x4000  }
0x2d: {  	[sflag:s20] =	ssyncset.done $0x0  }
0x2e: {  	[sflag:s20] =	ssyncadd.s32 $0xFFFFC000  }
0x2f: {  	[spmem:s2] =	stream.indirect.scatter.add.f32 [tilespmem:s18], [sflag:$0x3], $0x80, s16, s17, $0xb8;
	[tilespmem:$0x1E400] =	vst v63  }
0x30: {  	_ =	swait.ge [sflag:s21], $0x4000  }
0x31: {  	[sflag:s21] =	ssyncset.done $0x0  }
0x32: {  	[sflag:s21] =	ssyncadd.s32 $0xFFFFC000  }
0x33: {  	[spmem:s2] =	stream.indirect.scatter.add.f32 [tilespmem:s19], [sflag:$0x4], $0x80, s22, s17, $0xb8;
	[tilespmem:$0x1E400] =	vst v63  }
0x34: {  	_ =	swait.ge [sflag:s23], $0x4000  }
0x35: {  	[sflag:s23] =	ssyncset.done $0x0  }
0x36: {  	[sflag:s23] =	ssyncadd.s32 $0xFFFFC000  }
0x37: {  	_ =	swait.ge [sflag:s24], $0x4000  }
0x38: {  	[sflag:s24] =	ssyncset.done $0x0  }
0x39: {  	s29 =	simm.s32 $0x100;
	[sflag:s24] =	ssyncadd.s32 $0xFFFFC000  }
0x3a: {  	[tilespmem:s18], [sflag:$0x1] =	stream.indirect.gather [hbm4b:s5+s17], $0x80, s29, s17, $0xb8;
	[tilespmem:$0x1E400] =	vst v63  }
0x3b: {  	s30 =	simm.s32 $0x180  }
0x3c: {  	[tilespmem:s19], [sflag:$0x2] =	stream.indirect.gather [hbm4b:s5+s17], $0x80, s30, s17, $0xb8;
	[tilespmem:$0x1E400] =	vst v63  }
0x3d: {  	_ =	swait.ge [sflag:s20], $0x4000  }
0x3e: {  	[sflag:s20] =	ssyncset.done $0x0  }
0x3f: {  	s31 =	simm.s32 $0x1500;
	[sflag:s20] =	ssyncadd.s32 $0xFFFFC000  }
0x40: {  	[spmem:s2] =	stream.indirect.scatter.add.f32 [tilespmem:s18], [sflag:$0x3], $0x80, s31, s17, $0xb8;
	[tilespmem:$0x1E400] =	vst v63  }
0x41: {  	_ =	swait.ge [sflag:s21], $0x4000  }
0x42: {  	[sflag:s21] =	ssyncset.done $0x0  }
0x43: {  	s28 =	simm.s32 $0x1580;
	s26 =	simm.s32 $0xFFFFB800;
	[sflag:s21] =	ssyncadd.s32 $0xFFFFC000  }
.LBB2_2:
0x44: {  	[spmem:s2] =	stream.indirect.scatter.add.f32 [tilespmem:s19], [sflag:$0x4], $0x80, s28, s17, $0xb8;
	[tilespmem:$0x1E400] =	vst v63  }
0x45: {  	s28 =	smov.u32 s26  }
0x46: {  	p1 =	sne.s32 s26, $0xFFFFFC00;
	s26 =	sadd.s32 $0x400, s26;
	_ =	swait.ge [sflag:s23], $0x4000  }
0x47: {  	[sflag:s23] =	ssyncset.done $0x0  }
0x48: {  	[sflag:s23] =	ssyncadd.s32 $0xFFFFC000  }
0x49: {  	_ =	swait.ge [sflag:s24], $0x4000  }
0x4a: {  	s28 =	sshra.s32 s28, $0x2;
	[sflag:s24] =	ssyncset.done $0x0  }
0x4b: {  	s29 =	sadd.s32 $0x1400, s28;
	[sflag:s24] =	ssyncadd.s32 $0xFFFFC000  }
0x4c: {  	[tilespmem:s18], [sflag:$0x1] =	stream.indirect.gather [hbm4b:s5+s17], $0x80, s29, s17, $0xb8;
	[tilespmem:$0x1E400] =	vst v63  }
0x4d: {  	s29 =	sadd.s32 $0x1480, s28  }
0x4e: {  	[tilespmem:s19], [sflag:$0x2] =	stream.indirect.gather [hbm4b:s5+s17], $0x80, s29, s17, $0xb8;
	[tilespmem:$0x1E400] =	vst v63  }
0x4f: {  	_ =	swait.ge [sflag:s20], $0x4000  }
0x50: {  	[sflag:s20] =	ssyncset.done $0x0  }
.Ltmp0:
0x51: {  	s29 =	sadd.s32 $0x2800, s28;
	[sflag:s20] =	ssyncadd.s32 $0xFFFFC000;
	(pc) =	sbr.rel @p1 .LBB2_2-.Ltmp0, $4  }
0x52: {  	[spmem:s2] =	stream.indirect.scatter.add.f32 [tilespmem:s18], [sflag:$0x3], $0x80, s29, s17, $0xb8;
	[tilespmem:$0x1E400] =	vst v63  }
0x53: {  	_ =	swait.ge [sflag:s21], $0x4000  }
0x54: {  	[sflag:s21] =	ssyncset.done $0x0  }
0x55: {  	s28 =	sadd.s32 $0x2880, s28;
	[sflag:s21] =	ssyncadd.s32 $0xFFFFC000  }
0x56: {  	[spmem:s2] =	stream.indirect.scatter.add.f32 [tilespmem:s19], [sflag:$0x4], $0x80, s28, s17, $0xb8;
	[tilespmem:$0x1E400] =	vst v63  }
0x57: {  	_ =	swait.ge [sflag:s23], $0x4000  }
0x58: {  	[sflag:s23] =	ssyncset.done $0x0  }
0x59: {  	[sflag:s23] =	ssyncadd.s32 $0xFFFFC000  }
0x5a: {  	_ =	swait.ge [sflag:s24], $0x4000  }
0x5b: {  	[sflag:s24] =	ssyncset.done $0x0  }
0x5c: {  	[sflag:s24] =	ssyncadd.s32 $0xFFFFC000  }
0x5d: {  	[tilespmem:s3], [sflag:$0x5] =	stream.linear.gather [hbm4b:s10+s3], $0x1400, $0x38;
	[tilespmem:$0x1E400] =	vst v63  }
0x5e: {  	_ =	swait.ge [sflag:s15], $0x1400  }
0x5f: {  	[sflag:s15] =	ssyncset.done $0x0  }
0x60: {  	[sflag:s15] =	ssyncadd.s32 $0xFFFFEC00  }
0x61: {  	[tilespmem:s16], [sflag:$0x5] =	stream.linear.gather [hbm4b:s11+s3], $0x1400, $0x38;
	[tilespmem:$0x1E400] =	vst v63  }
0x62: {  	_ =	swait.ge [sflag:s15], $0x1400  }
0x63: {  	[sflag:s15] =	ssyncset.done $0x0  }
0x64: {  	[sflag:s15] =	ssyncadd.s32 $0xFFFFEC00  }
0x65: {  	[tilespmem:s18], [sflag:$0x1] =	stream.indirect.gather [hbm4b:s5+s17], $0x80, s3, s17, $0xb8;
	[tilespmem:$0x1E400] =	vst v63  }
0x66: {  	_ = 	snop  }
0x67: {  	[tilespmem:s19], [sflag:$0x2] =	stream.indirect.gather [hbm4b:s5+s17], $0x80, s17, s17, $0xb8;
	[tilespmem:$0x1E400] =	vst v63  }
0x68: {  	_ =	swait.ge [sflag:s20], $0x4000  }
0x69: {  	[sflag:s20] =	ssyncset.done $0x0  }
0x6a: {  	[sflag:s20] =	ssyncadd.s32 $0xFFFFC000  }
0x6b: {  	[spmem:s2] =	stream.indirect.scatter.add.f32 [tilespmem:s18], [sflag:$0x3], $0x80, s16, s17, $0xb8;
	[tilespmem:$0x1E400] =	vst v63  }
0x6c: {  	_ =	swait.ge [sflag:s21], $0x4000  }
0x6d: {  	[sflag:s21] =	ssyncset.done $0x0  }
0x6e: {  	[sflag:s21] =	ssyncadd.s32 $0xFFFFC000  }
0x6f: {  	[spmem:s2] =	stream.indirect.scatter.add.f32 [tilespmem:s19], [sflag:$0x4], $0x80, s22, s17, $0xb8;
	[tilespmem:$0x1E400] =	vst v63  }
0x70: {  	_ =	swait.ge [sflag:s23], $0x4000  }
0x71: {  	[sflag:s23] =	ssyncset.done $0x0  }
0x72: {  	[sflag:s23] =	ssyncadd.s32 $0xFFFFC000  }
0x73: {  	_ =	swait.ge [sflag:s24], $0x4000  }
0x74: {  	[sflag:s24] =	ssyncset.done $0x0  }
0x75: {  	s26 =	simm.s32 $0x100;
	[sflag:s24] =	ssyncadd.s32 $0xFFFFC000  }
0x76: {  	[tilespmem:s18], [sflag:$0x1] =	stream.indirect.gather [hbm4b:s5+s17], $0x80, s26, s17, $0xb8;
	[tilespmem:$0x1E400] =	vst v63  }
0x77: {  	s30 =	simm.s32 $0x180  }
0x78: {  	[tilespmem:s19], [sflag:$0x2] =	stream.indirect.gather [hbm4b:s5+s17], $0x80, s30, s17, $0xb8;
	[tilespmem:$0x1E400] =	vst v63  }
0x79: {  	_ =	swait.ge [sflag:s20], $0x4000  }
0x7a: {  	[sflag:s20] =	ssyncset.done $0x0  }
0x7b: {  	s31 =	simm.s32 $0x1500;
	[sflag:s20] =	ssyncadd.s32 $0xFFFFC000  }
0x7c: {  	[spmem:s2] =	stream.indirect.scatter.add.f32 [tilespmem:s18], [sflag:$0x3], $0x80, s31, s17, $0xb8;
	[tilespmem:$0x1E400] =	vst v63  }
0x7d: {  	_ =	swait.ge [sflag:s21], $0x4000  }
0x7e: {  	[sflag:s21] =	ssyncset.done $0x0  }
0x7f: {  	s28 =	simm.s32 $0x1580;
	s26 =	simm.s32 $0xFFFFB800;
	[sflag:s21] =	ssyncadd.s32 $0xFFFFC000  }
.LBB2_4:
0x80: {  	[spmem:s2] =	stream.indirect.scatter.add.f32 [tilespmem:s19], [sflag:$0x4], $0x80, s28, s17, $0xb8;
	[tilespmem:$0x1E400] =	vst v63  }
0x81: {  	s28 =	smov.u32 s26  }
0x82: {  	p1 =	sne.s32 s26, $0xFFFFFC00;
	s26 =	sadd.s32 $0x400, s26;
	_ =	swait.ge [sflag:s23], $0x4000  }
0x83: {  	[sflag:s23] =	ssyncset.done $0x0  }
0x84: {  	[sflag:s23] =	ssyncadd.s32 $0xFFFFC000  }
0x85: {  	_ =	swait.ge [sflag:s24], $0x4000  }
0x86: {  	s28 =	sshra.s32 s28, $0x2;
	[sflag:s24] =	ssyncset.done $0x0  }
0x87: {  	s29 =	sadd.s32 $0x1400, s28;
	[sflag:s24] =	ssyncadd.s32 $0xFFFFC000  }
0x88: {  	[tilespmem:s18], [sflag:$0x1] =	stream.indirect.gather [hbm4b:s5+s17], $0x80, s29, s17, $0xb8;
	[tilespmem:$0x1E400] =	vst v63  }
0x89: {  	s29 =	sadd.s32 $0x1480, s28  }
0x8a: {  	[tilespmem:s19], [sflag:$0x2] =	stream.indirect.gather [hbm4b:s5+s17], $0x80, s29, s17, $0xb8;
	[tilespmem:$0x1E400] =	vst v63  }
0x8b: {  	_ =	swait.ge [sflag:s20], $0x4000  }
0x8c: {  	[sflag:s20] =	ssyncset.done $0x0  }
.Ltmp1:
0x8d: {  	s29 =	sadd.s32 $0x2800, s28;
	[sflag:s20] =	ssyncadd.s32 $0xFFFFC000;
	(pc) =	sbr.rel @p1 .LBB2_4-.Ltmp1, $4  }
0x8e: {  	[spmem:s2] =	stream.indirect.scatter.add.f32 [tilespmem:s18], [sflag:$0x3], $0x80, s29, s17, $0xb8;
	[tilespmem:$0x1E400] =	vst v63  }
0x8f: {  	_ =	swait.ge [sflag:s21], $0x4000  }
0x90: {  	[sflag:s21] =	ssyncset.done $0x0  }
0x91: {  	s28 =	sadd.s32 $0x2880, s28;
	[sflag:s21] =	ssyncadd.s32 $0xFFFFC000  }
0x92: {  	[spmem:s2] =	stream.indirect.scatter.add.f32 [tilespmem:s19], [sflag:$0x4], $0x80, s28, s17, $0xb8;
	[tilespmem:$0x1E400] =	vst v63  }
0x93: {  	_ =	swait.ge [sflag:s23], $0x4000  }
0x94: {  	[sflag:s23] =	ssyncset.done $0x0  }
0x95: {  	[sflag:s23] =	ssyncadd.s32 $0xFFFFC000  }
0x96: {  	_ =	swait.ge [sflag:s24], $0x4000  }
0x97: {  	s25 =	sadd.s32 $0x1, s25;
	[sflag:s24] =	ssyncset.done $0x0  }
0x98: {  	p1 =	sne.s32 s25, s13;
	[sflag:s24] =	ssyncadd.s32 $0xFFFFC000  }
.Ltmp2:
0x99: {  	[bflag:$0x0] =	sbarrier.arrive $0xFFFF;
	(pc) =	sbr.rel @p1 .LBB2_1-.Ltmp2, $4  }
0x9a: {  	[hbm:s12], [sflag:s8] =	dma.local [spmem:s14], $0x2780  }
0x9b: {  	_ =	swait.ge [sflag:s15], $0x2780  }
0x9c: {  	[sflag:s15] =	ssyncset.done $0x0  }
0x9d: {  	[sflag:s15] =	ssyncadd.s32 $0xFFFFD880  }
0x9e: {  	_ =	sfence.sel $0x180000  }
0x9f: {  	[bflag:$0x0] =	sbarrier.arrive $0xFFFF  }
0xa0: {  	p0 =	sne.s32 s1, $0x0;
	_ =	strace $0x9000004A  }
0xa1: {  	s0 =	sadd.s32 @!p0 $0x100000, s0;
	[bflag:$0x2] =	sbarrier.arrive $0xFFFF  }
0xa2: {  	[sflag:s0] =	ssyncadd.tile.s32 @!p0 $0x1;
	_ =	shalt  }
.Lfunc_end2:
_tile_overlayer_lowered:
.L_overlay_start_2:
0xa3: {  	(tag) =	ssettag $0x2  }
0xa4: {  	s0 =	rddreg [dreg:$0x0];
	s2 =	stileid.u32  }
0xa5: {  	s1 =	rddreg [dreg:$0x1];
	p0 =	sne.s32 s2, $0x0  }
0xa6: {  	s3 =	rddreg [dreg:$0x2];
	[bflag:$0x3] =	sbarrier.arrive $0xFFFF;
	s2 =	simm.s32 @!p0 $0x1C05  }
0xa7: {  	[timem:s3], [sflag:s2] =	dma.local @!p0 [hbm:s0], s1  }
0xa8: {  	s0 =	simm.s32 @!p0 $0x5  }
0xa9: {  	_ =	swait.ge @!p0 [sflag:s0], s1  }
0xaa: {  	s1 =	ssub.s32 @!p0 $0x0, s1;
	[sflag:s0] =	ssyncset.done @!p0 $0x0  }
0xab: {  	[sflag:s0] =	ssyncadd.s32 @!p0 s1  }
0xac: {  	[bflag:$0x3] =	sbarrier.arrive $0xFFFF  }
0xad: {  	_ =	shalt  }

// kernel: kernel.14.cloned.1.call-start
scs
__scs_entry_jumppad:
0x0: {  	(pc) =	sbr.rel $0x88, $3  }
0x1: {  	(tag) =	ssettag $0x0;
	lr =	simm.s32 $0x1  }
0x2: {  	[smem:$0x3F95] =	sst lr;
	_ =	strace $0xD0000000  }
0x3: {  	_ = 	snop  }
0x4: {  	_ = 	snop  }
0x5: {  	_ = 	snop  }
0x6: {  	_ = 	snop  }
0x7: {  	_ = 	snop  }
__scs_overlays_trampoline_lowered:
0x8: {  	[smem:$0x3FA4] =	sst s0  }
0x9: {  	[smem:$0x3FA5] =	sst s1  }
0xa: {  	[smem:$0x3FA6] =	sst s2  }
0xb: {  	[smem:$0x3FA7] =	sst s3  }
0xc: {  	[smem:$0x3FA8] =	sst s4  }
0xd: {  	[smem:$0x3FA9] =	sst s5  }
0xe: {  	[smem:$0x3FAA] =	sst s6  }
0xf: {  	[smem:$0x3FAB] =	sst s7  }
0x10: {  	[smem:$0x3FAC] =	sst s8  }
0x11: {  	[smem:$0x3FAD] =	sst s9;
	s0 =	simm.s32 @!p0 $0x0  }
0x12: {  	s1 =	sld [smem:$0x3F93];
	s0 =	simm.s32 @p0 $0x1  }
0x13: {  	[smem:$0x3FAE] =	sst s0;
	s0 =	simm.s32 @!p1 $0x0  }
0x14: {  	s2 =	sld [smem:$0x3F92];
	s0 =	simm.s32 @p1 $0x1  }
0x15: {  	[smem:$0x3FAF] =	sst s0;
	s0 =	simm.s32 @!p2 $0x0  }
0x16: {  	s3 =	sld [smem:$0x3FDB];
	s0 =	simm.s32 @p2 $0x1  }
0x17: {  	s4 =	simm.s32 $0x1BF5;
	[smem:$0x3FB1] =	sst s0  }
0x18: {  	s0 =	sld [smem:$0x3F94];
	_ =	swait.ge [sflag:s4], $0x0  }
0x19: {  	s7 =	sld [smem:$0x3F95]  }
0x1a: {  	s8 =	sadd.s32 $0xFFFFE003, lr  }
0x1b: {  	s9 =	sadd.s32 $0xFFFFFEF7, lr;
	s5 =	simm.s32 $0xFFFFFFFF;
	p2 =	slt.u32 s8, $0xFFFFF086  }
0x1c: {  	p1 =	slt.u32 s9, $0xF7A;
	s5 =	simm.s32 @!p2 $0x0  }
0x1d: {  	s5 =	simm.s32 @p1 $0x1;
	p0 =	seq.s32 s7, s2  }
0x1e: {  	s7 =	smul.u32 @!p0 $0xF7A, s2;
	p2 =	seq.s32 @!p0 s5, $0x0  }
0x1f: {  	s9 =	smul.u32 $0xF7A, s1;
	s8 =	simm.s32 @!p0 $0x1BF5;
	p2 =	por !p2, p0  }
0x20: {  	[sflag:s8] =	ssyncset.s32 @!p0 $0xFFFFF086;
	s6 =	sadd.s32 @!p0 s3, s7;
	s7 =	simm.s32 @!p0 $0x108  }
0x21: {  	s3 =	sadd.s32 s3, s9;
	s6 =	sadd.s32 @!p0 $0x88, s6;
	s7 =	simm.s32 @p2 $0x1082  }
0x22: {  	[simem:s7], [sflag:s8] =	dma.local @!p0 [hbm:s6], $0xF7A  }
0x23: {  	s9 =	sor.u32 $0xD0000000, s2;
	s6 =	simm.s32 $0x108;
	_ =	swait.ge @!p0 [sflag:s8], $0x0  }
0x24: {  	s3 =	sadd.s32 $0x88, s3;
	s6 =	simm.s32 @!p1 $0x1082;
	[sflag:s4] =	ssyncset.s32 $0xFFFFF086  }
0x25: {  	[simem:s6], [sflag:s4] =	dma.local [hbm:s3], $0xF7A  }
0x26: {  	[smem:$0x3F95] =	sst s1;
	(tag) =	ssettag s2;
	_ =	strace s9  }
0x27: {  	s1 =	sld [smem:$0x3FA5]  }
0x28: {  	s2 =	sld [smem:$0x3FA6]  }
0x29: {  	s4 =	sld [smem:$0x3FA8]  }
0x2a: {  	p0 =	seq.s32 s5, $0x0;
	s5 =	sld [smem:$0x3FA9]  }
0x2b: {  	s6 =	sld [smem:$0x3FAA]  }
0x2c: {  	s7 =	sld [smem:$0x3FAB]  }
0x2d: {  	s3 =	simm.s32 $0x108;
	s8 =	sld [smem:$0x3FAC]  }
0x2e: {  	s3 =	simm.s32 @!p0 $0x1082;
	s9 =	sld [smem:$0x3FAD]  }
0x2f: {  	lr =	sadd.s32 s0, s3;
	s0 =	sld [smem:$0x3FA4]  }
0x30: {  	s3 =	sld [smem:$0x3FA7]  }
0x31: {  	[smem:$0x3FB0] =	sst s10  }
0x32: {  	s10 =	sld [smem:$0x3FAE];
	_ =	sdelay $0x3  }
0x33: {  	p0 =	seq.s32 s10, $0x1;
	s10 =	sld [smem:$0x3FB0];
	_ =	sdelay $0x3  }
0x34: {  	[smem:$0x3FB0] =	sst s10  }
0x35: {  	s10 =	sld [smem:$0x3FAF];
	_ =	sdelay $0x3  }
0x36: {  	p1 =	seq.s32 s10, $0x1;
	s10 =	sld [smem:$0x3FB0];
	_ =	sdelay $0x3  }
0x37: {  	[smem:$0x3FB0] =	sst s10  }
0x38: {  	s10 =	sld [smem:$0x3FB1]  }
0x39: {  	_ = 	snop;
	(pc) =	sbr.ind lr, $3  }
0x3a: {  	_ = 	snop  }
0x3b: {  	_ = 	snop  }
0x3c: {  	p2 =	seq.s32 s10, $0x1;
	s10 =	sld [smem:$0x3FB0]  }
0x3d: {  	_ =	shalt  }
0x3e: {  	_ =	shalt  }
0x3f: {  	_ =	shalt  }
0x40: {  	_ =	shalt  }
0x41: {  	_ =	shalt  }
0x42: {  	_ =	shalt  }
0x43: {  	_ =	shalt  }
0x44: {  	_ =	shalt  }
0x45: {  	_ =	shalt  }
0x46: {  	_ =	shalt  }
0x47: {  	_ =	shalt  }
0x48: {  	_ =	shalt  }
0x49: {  	_ =	shalt  }
0x4a: {  	_ =	shalt  }
0x4b: {  	_ =	shalt  }
0x4c: {  	_ =	shalt  }
0x4d: {  	_ =	shalt  }
0x4e: {  	_ =	shalt  }
0x4f: {  	_ =	shalt  }
0x50: {  	_ =	shalt  }
0x51: {  	_ =	shalt  }
0x52: {  	_ =	shalt  }
0x53: {  	_ =	shalt  }
0x54: {  	_ =	shalt  }
0x55: {  	_ =	shalt  }
0x56: {  	_ =	shalt  }
0x57: {  	_ =	shalt  }
0x58: {  	_ =	shalt  }
0x59: {  	_ =	shalt  }
0x5a: {  	_ =	shalt  }
0x5b: {  	_ =	shalt  }
0x5c: {  	_ =	shalt  }
0x5d: {  	_ =	shalt  }
0x5e: {  	_ =	shalt  }
0x5f: {  	_ =	shalt  }
0x60: {  	_ =	shalt  }
0x61: {  	_ =	shalt  }
0x62: {  	_ =	shalt  }
0x63: {  	_ =	shalt  }
0x64: {  	_ =	shalt  }
0x65: {  	_ =	shalt  }
0x66: {  	_ =	shalt  }
0x67: {  	_ =	shalt  }
0x68: {  	_ =	shalt  }
0x69: {  	_ =	shalt  }
0x6a: {  	_ =	shalt  }
0x6b: {  	_ =	shalt  }
0x6c: {  	_ =	shalt  }
0x6d: {  	_ =	shalt  }
0x6e: {  	_ =	shalt  }
0x6f: {  	_ =	shalt  }
0x70: {  	_ =	shalt  }
0x71: {  	_ =	shalt  }
0x72: {  	_ =	shalt  }
0x73: {  	_ =	shalt  }
0x74: {  	_ =	shalt  }
0x75: {  	_ =	shalt  }
0x76: {  	_ =	shalt  }
0x77: {  	_ =	shalt  }
0x78: {  	_ =	shalt  }
0x79: {  	_ =	shalt  }
0x7a: {  	_ =	shalt  }
0x7b: {  	_ =	shalt  }
0x7c: {  	_ =	shalt  }
0x7d: {  	_ =	shalt  }
0x7e: {  	_ =	shalt  }
0x7f: {  	_ =	shalt  }
0x80: {  	_ =	shalt  }
0x81: {  	_ =	shalt  }
0x82: {  	_ =	shalt  }
0x83: {  	_ =	shalt  }
0x84: {  	_ =	shalt  }
0x85: {  	_ =	shalt  }
0x86: {  	_ =	shalt  }
0x87: {  	_ =	shalt  }
.Lfunc_end0:
.L_simem_size_0:
called_computation.2_lowered:
.L_overlay_start_0:
0x88: {  	s2 =	sld [smem:$0x3FD9]  }
0x89: {  	s3 =	sld [smem:$0x3FFE];
	_ =	sdelay $0x1  }
0x8a: {  	s1 =	srdreg.scid  }
0x8b: {  	s0 =	sand.u32 $0x1, s1  }
0x8c: {  	s17 =	sshll.u32 s0, $0xA;
	s2 =	sadd.s32 s3, s2  }
0x8d: {  	s2 =	sadd.s32 s2, s17  }
0x8e: {  	[smem:$0x3FBC] =	sst s2  }
0x8f: {  	_ = 	snop  }
0x90: {  	s2 =	sld [smem:$0x3FD0];
	(tm) =	ssettm $0x1  }
0x91: {  	s18 =	sld [smem:$0x3FFB];
	_ =	sdelay $0x3  }
0x92: {  	_ =	strace s18  }
0x93: {  	s3 =	sld [smem:$0x3FFC];
	_ =	sdelay $0x3  }
0x94: {  	_ =	strace s3  }
0x95: {  	s3 =	sld [smem:$0x3FFD];
	_ =	sdelay $0x3  }
0x96: {  	_ =	strace s3  }
0x97: {  	_ =	strace $0x8FFFFFFF  }
0x98: {  	s19 =	sld [smem:$0x3FDB];
	_ =	sdelay $0x1  }
0x99: {  	s4 =	simm.s32 $_scs_section_size  }
0x9a: {  	s5 =	simm.s32 $_size__tile_overlayer_lowered;
	s6 =	simm.s32 $_tile_overlayer_lowered  }
0x9b: {  	s22 =	simm.s32 $0x1BFF;
	s21 =	sshll.u32 s6, $0x1;
	s3 =	sadd.s32 s4, s19  }
0x9c: {  	s7 =	simm.s32 $0x0;
	s20 =	sshll.u32 s5, $0x1;
	s5 =	sadd.s32 s21, s3  }
0x9d: {  	[timem:s7], [sflag:s22] =	dma.local [hbm:s5], s20  }
0x9e: {  	_ =	swait.ge [sflag:s22], s20  }
0x9f: {  	s4 =	ssub.s32 $0x0, s20;
	[sflag:s22] =	ssyncset.done $0x0  }
0xa0: {  	[sflag:s22] =	ssyncadd.s32 s4;
	_ =	sdelay $0x1  }
0xa1: {  	s23 =	simm.s32 $0x1B8B  }
0xa2: {  	_ =	swait.ge [sflag:s23], $0x1  }
0xa3: {  	[sflag:s23] =	ssyncset.done $0x0  }
0xa4: {  	s25 =	simm.s32 $0x1B8E;
	s24 =	sld [smem:$0x3FFE];
	[sflag:s23] =	ssyncadd.s32 $0xFFFFFFFF  }
0xa5: {  	s26 =	simm.s32 $execute0_lowered;
	[smem:$0x3FD2] =	sst s25  }
0xa6: {  	s5 =	sshll.u32 s26, $0x1;
	_ =	strace $0x8000004C;
	[dreg:$0x1] =	wrdreg $0xFFFFFFFF  }
0xa7: {  	s28 =	simm.s32 $_size_execute0_lowered;
	s3 =	sadd.s32 s3, s5;
	[dreg:$0x0] =	wrdreg $0x0  }
0xa8: {  	s5 =	sshll.u32 s28, $0x1;
	[dreg:$0x2] =	wrdreg s3  }
0xa9: {  	[dreg:$0x3] =	wrdreg s5  }
0xaa: {  	[dreg:$0x4] =	wrdreg $0xC0  }
0xab: {  	_ =	task [dreg:s7], $0x5FFFF  }
0xac: {  	[dreg:$0x1] =	wrdreg $0xFFFFFFFF  }
0xad: {  	[dreg:$0x0] =	wrdreg $0x60  }
0xae: {  	[dreg:$0x2] =	wrdreg s2  }
0xaf: {  	[dreg:$0x3] =	wrdreg s24  }
0xb0: {  	[dreg:$0x4] =	wrdreg $0xA8000  }
0xb1: {  	[dreg:$0x5] =	wrdreg $0x9  }
0xb2: {  	_ =	task.clear_ibuf [dreg:s7], $0x6FFFF;
	_ =	strace $0x9000004C  }
0xb3: {  	s29 =	simm.s32 $0x9;
	_ =	strace $0x8000004E  }
0xb4: {  	_ =	swait.ge [sflag:s29], $0x1  }
0xb5: {  	[sflag:s29] =	ssyncadd.s32 $0xFFFFFFFF  }
0xb6: {  	_ =	strace $0x9000004E  }
0xb7: {  	_ =	sfence  }
0xb8: {  	s30 =	sld [smem:$0x0];
	_ =	sdelay $0x2  }
0xb9: {  	s31 =	sshll.u32 s1, $0xD;
	s1 =	sshrl.u32 s1, $0x2  }
0xba: {  	s3 =	sand.u32 $0x4000, s31;
	s1 =	sadd.s32 s1, s30  }
0xbb: {  	s0 =	sor.u32 s3, s0;
	s1 =	sshll.u32 s1, $0x11  }
0xbc: {  	s0 =	sor.u32 s1, s0  }
0xbd: {  	s0 =	sadd.s32 $0x8F2B, s0  }
0xbe: {  	[sflag:s0] =	ssyncadd.remote.s32 $0x1  }
0xbf: {  	_ =	sfence.sel $0xFFFF  }
0xc0: {  	[dreg:$0x0] =	wrdreg $0xFFFFFFFF;
	(pc) =	sbr.abs _section_cstart, $3  }
0xc1: {  	[dreg:$0x1] =	wrdreg $0xFFFFFFFF  }
0xc2: {  	_ =	task.clear_ibuf [dreg:s7], $0x2FFFF;
	_ =	strace $0x9FFFFFFF  }
0xc3: {  	(tm) =	ssettm $0x7FFFFFFF  }
tec
execute0_lowered:
.L_overlay_start_1:
0x0: {  	(tag) =	ssettag $0x1  }
0x1: {  	s7 =	rddreg [dreg:$0x0]  }
0x2: {  	s12 =	rddreg [dreg:$0x1]  }
0x3: {  	s2 =	rddreg [dreg:$0x2]  }
0x4: {  	s0 =	rddreg [dreg:$0x3];
	s3 =	simm.s32 $0x0;
	s1 =	stileid.u32  }
0x5: {  	s5 =	srdreg.scid;
	s20 =	simm.s32 $0x1;
	s21 =	simm.s32 $0x2  }
0x6: {  	s22 =	simm.s32 $0x1480;
	s23 =	simm.s32 $0x3;
	s24 =	simm.s32 $0x4  }
0x7: {  	s25 =	simm.s32 $0x0;
	[smem:$0x7FF] =	sst s3;
	s6 =	smul.u32 $0x13C00, s1  }
0x8: {  	s4 =	sadd.s32 $0x4000, s12;
	s8 =	sand.u32 $0x1, s5;
	s16 =	sadd.s32 $0x3A00, s12  }
0x9: {  	s5 =	sadd.s32 $0x4600, s12;
	s28 =	smul.u32 $0x4F000, s1;
	s31 =	sshll.u32 s1, $0x6  }
0xa: {  	s18 =	sadd.s32 $0x4280, s12;
	s19 =	sadd.s32 $0x3C80, s12;
	_ =	strace $0x8000004D  }
0xb: {  	s10 =	smul.u32 $0x13C000, s8;
	s11 =	sshll.u32 s8, $0x4;
	s8 =	ssub.s32 $0x2, s8  }
0xc: {  	s9 =	sshrl.u32 s6, $0x3;
	s11 =	sor.u32 s1, s11;
	s29 =	sshrl.u32 s8, $0x1  }
0xd: {  	s9 =	sadd.s32 s9, s12;
	s6 =	sadd.s32 s6, s10;
	s13 =	smul.u32 $0x2800, s11  }
0xe: {  	s10 =	sshrl.u32 s28, $0x2;
	s15 =	ssub.s32 s8, s29;
	s8 =	sor.u32 $0x1C05, s31  }
0xf: {  	p0 =	seq.s32 s11, $0x1F;
	s6 =	sshrl.u32 s6, $0x3;
	s17 =	sadd.s32 s10, s2  }
0x10: {  	s14 =	sadd.s32 s6, s12;
	s30 =	sshrl.u32 s13, $0x3;
	s6 =	sadd.s32 $0xCA600, s9  }
0x11: {  	s13 =	smax.u32 s15, $0x1;
	s15 =	simm.s32 $0x5;
	s7 =	sadd.s32 s7, s30  }
0x12: {  	s12 =	sadd.s32 $0xF1E00, s14;
	s14 =	sshrl.u32 s17, $0x3;
	s17 =	simm.s32 $0x80  }
0x13: {  	s9 =	sadd.s32 $0x9C80, s7;
	s10 =	sadd.s32 $0x280, s7;
	s11 =	sadd.s32 $0x9F00, s7  }
0x14: {  	s10 =	smov.u32 @p0 s18;
	s11 =	smov.u32 @p0 s19;
	s9 =	smov.u32 @p0 s16  }
0x15: {  	s16 =	simm.s32 $0x1400;
	s18 =	simm.s32 $0x2800;
	s19 =	simm.s32 $0x6800  }
.LBB2_1:
0x16: {  	[spmem:s14], [sflag:s8] =	dma.local [hbm:s6], $0x2780  }
0x17: {  	_ =	swait.ge [sflag:s15], $0x2780  }
0x18: {  	[sflag:s15] =	ssyncset.done $0x0  }
0x19: {  	[sflag:s15] =	ssyncadd.s32 $0xFFFFD880  }
0x1a: {  	s26 =	simm.s32 @p0 $0x0;
	[bflag:$0x0] =	sbarrier.arrive $0xFFFF  }
0x1b: {  	[tilespmem:s26], [sflag:$0x5] =	stream.linear.gather @p0 [hbm4b:s4+s26], $0x1400, $0x38;
	[tilespmem:$0x1E400] =	vst v63  }
0x1c: {  	s26 =	simm.s32 @p0 $0x5  }
0x1d: {  	_ =	swait.ge @p0 [sflag:s26], $0x1400  }
0x1e: {  	[sflag:s26] =	ssyncset.done @p0 $0x0  }
0x1f: {  	[sflag:s26] =	ssyncadd.s32 @p0 $0xFFFFEC00;
	s26 =	simm.s32 @!p0 $0x0  }
0x20: {  	[tilespmem:s26], [sflag:$0x5] =	stream.linear.gather @!p0 [hbm4b:s7+s26], $0x1400, $0x38;
	[tilespmem:$0x1E400] =	vst v63  }
0x21: {  	s26 =	simm.s32 @!p0 $0x5  }
0x22: {  	_ =	swait.ge @!p0 [sflag:s26], $0x1400  }
0x23: {  	[sflag:s26] =	ssyncset.done @!p0 $0x0  }
0x24: {  	[sflag:s26] =	ssyncadd.s32 @!p0 $0xFFFFEC00  }
0x25: {  	[tilespmem:s16], [sflag:$0x5] =	stream.linear.gather [hbm4b:s9+s3], $0x1400, $0x38;
	[tilespmem:$0x1E400] =	vst v63  }
0x26: {  	_ =	swait.ge [sflag:s15], $0x1400  }
0x27: {  	[sflag:s15] =	ssyncset.done $0x0  }
0x28: {  	[sflag:s15] =	ssyncadd.s32 $0xFFFFEC00  }
0x29: {  	[tilespmem:s18], [sflag:$0x1] =	stream.indirect.gather [hbm4b:s5+s17], $0x80, s3, s17, $0xb8;
	[tilespmem:$0x1E400] =	vst v63  }
0x2a: {  	_ = 	snop  }
0x2b: {  	[tilespmem:s19], [sflag:$0x2] =	stream.indirect.gather [hbm4b:s5+s17], $0x80, s17, s17, $0xb8;
	[tilespmem:$0x1E400] =	vst v63  }
0x2c: {  	_ =	swait.ge [sflag:s20], $0x4000  }
0x2d: {  	[sflag:s20] =	ssyncset.done $0x0  }
0x2e: {  	[sflag:s20] =	ssyncadd.s32 $0xFFFFC000  }
0x2f: {  	[spmem:s2] =	stream.indirect.scatter.add.f32 [tilespmem:s18], [sflag:$0x3], $0x80, s16, s17, $0xb8;
	[tilespmem:$0x1E400] =	vst v63  }
0x30: {  	_ =	swait.ge [sflag:s21], $0x4000  }
0x31: {  	[sflag:s21] =	ssyncset.done $0x0  }
0x32: {  	[sflag:s21] =	ssyncadd.s32 $0xFFFFC000  }
0x33: {  	[spmem:s2] =	stream.indirect.scatter.add.f32 [tilespmem:s19], [sflag:$0x4], $0x80, s22, s17, $0xb8;
	[tilespmem:$0x1E400] =	vst v63  }
0x34: {  	_ =	swait.ge [sflag:s23], $0x4000  }
0x35: {  	[sflag:s23] =	ssyncset.done $0x0  }
0x36: {  	[sflag:s23] =	ssyncadd.s32 $0xFFFFC000  }
0x37: {  	_ =	swait.ge [sflag:s24], $0x4000  }
0x38: {  	[sflag:s24] =	ssyncset.done $0x0  }
0x39: {  	s29 =	simm.s32 $0x100;
	[sflag:s24] =	ssyncadd.s32 $0xFFFFC000  }
0x3a: {  	[tilespmem:s18], [sflag:$0x1] =	stream.indirect.gather [hbm4b:s5+s17], $0x80, s29, s17, $0xb8;
	[tilespmem:$0x1E400] =	vst v63  }
0x3b: {  	s30 =	simm.s32 $0x180  }
0x3c: {  	[tilespmem:s19], [sflag:$0x2] =	stream.indirect.gather [hbm4b:s5+s17], $0x80, s30, s17, $0xb8;
	[tilespmem:$0x1E400] =	vst v63  }
0x3d: {  	_ =	swait.ge [sflag:s20], $0x4000  }
0x3e: {  	[sflag:s20] =	ssyncset.done $0x0  }
0x3f: {  	s31 =	simm.s32 $0x1500;
	[sflag:s20] =	ssyncadd.s32 $0xFFFFC000  }
0x40: {  	[spmem:s2] =	stream.indirect.scatter.add.f32 [tilespmem:s18], [sflag:$0x3], $0x80, s31, s17, $0xb8;
	[tilespmem:$0x1E400] =	vst v63  }
0x41: {  	_ =	swait.ge [sflag:s21], $0x4000  }
0x42: {  	[sflag:s21] =	ssyncset.done $0x0  }
0x43: {  	s28 =	simm.s32 $0x1580;
	s26 =	simm.s32 $0xFFFFB800;
	[sflag:s21] =	ssyncadd.s32 $0xFFFFC000  }
.LBB2_2:
0x44: {  	[spmem:s2] =	stream.indirect.scatter.add.f32 [tilespmem:s19], [sflag:$0x4], $0x80, s28, s17, $0xb8;
	[tilespmem:$0x1E400] =	vst v63  }
0x45: {  	s28 =	smov.u32 s26  }
0x46: {  	p1 =	sne.s32 s26, $0xFFFFFC00;
	s26 =	sadd.s32 $0x400, s26;
	_ =	swait.ge [sflag:s23], $0x4000  }
0x47: {  	[sflag:s23] =	ssyncset.done $0x0  }
0x48: {  	[sflag:s23] =	ssyncadd.s32 $0xFFFFC000  }
0x49: {  	_ =	swait.ge [sflag:s24], $0x4000  }
0x4a: {  	s28 =	sshra.s32 s28, $0x2;
	[sflag:s24] =	ssyncset.done $0x0  }
0x4b: {  	s29 =	sadd.s32 $0x1400, s28;
	[sflag:s24] =	ssyncadd.s32 $0xFFFFC000  }
0x4c: {  	[tilespmem:s18], [sflag:$0x1] =	stream.indirect.gather [hbm4b:s5+s17], $0x80, s29, s17, $0xb8;
	[tilespmem:$0x1E400] =	vst v63  }
0x4d: {  	s29 =	sadd.s32 $0x1480, s28  }
0x4e: {  	[tilespmem:s19], [sflag:$0x2] =	stream.indirect.gather [hbm4b:s5+s17], $0x80, s29, s17, $0xb8;
	[tilespmem:$0x1E400] =	vst v63  }
0x4f: {  	_ =	swait.ge [sflag:s20], $0x4000  }
0x50: {  	[sflag:s20] =	ssyncset.done $0x0  }
.Ltmp0:
0x51: {  	s29 =	sadd.s32 $0x2800, s28;
	[sflag:s20] =	ssyncadd.s32 $0xFFFFC000;
	(pc) =	sbr.rel @p1 .LBB2_2-.Ltmp0, $4  }
0x52: {  	[spmem:s2] =	stream.indirect.scatter.add.f32 [tilespmem:s18], [sflag:$0x3], $0x80, s29, s17, $0xb8;
	[tilespmem:$0x1E400] =	vst v63  }
0x53: {  	_ =	swait.ge [sflag:s21], $0x4000  }
0x54: {  	[sflag:s21] =	ssyncset.done $0x0  }
0x55: {  	s28 =	sadd.s32 $0x2880, s28;
	[sflag:s21] =	ssyncadd.s32 $0xFFFFC000  }
0x56: {  	[spmem:s2] =	stream.indirect.scatter.add.f32 [tilespmem:s19], [sflag:$0x4], $0x80, s28, s17, $0xb8;
	[tilespmem:$0x1E400] =	vst v63  }
0x57: {  	_ =	swait.ge [sflag:s23], $0x4000  }
0x58: {  	[sflag:s23] =	ssyncset.done $0x0  }
0x59: {  	[sflag:s23] =	ssyncadd.s32 $0xFFFFC000  }
0x5a: {  	_ =	swait.ge [sflag:s24], $0x4000  }
0x5b: {  	[sflag:s24] =	ssyncset.done $0x0  }
0x5c: {  	[sflag:s24] =	ssyncadd.s32 $0xFFFFC000  }
0x5d: {  	[tilespmem:s3], [sflag:$0x5] =	stream.linear.gather [hbm4b:s10+s3], $0x1400, $0x38;
	[tilespmem:$0x1E400] =	vst v63  }
0x5e: {  	_ =	swait.ge [sflag:s15], $0x1400  }
0x5f: {  	[sflag:s15] =	ssyncset.done $0x0  }
0x60: {  	[sflag:s15] =	ssyncadd.s32 $0xFFFFEC00  }
0x61: {  	[tilespmem:s16], [sflag:$0x5] =	stream.linear.gather [hbm4b:s11+s3], $0x1400, $0x38;
	[tilespmem:$0x1E400] =	vst v63  }
0x62: {  	_ =	swait.ge [sflag:s15], $0x1400  }
0x63: {  	[sflag:s15] =	ssyncset.done $0x0  }
0x64: {  	[sflag:s15] =	ssyncadd.s32 $0xFFFFEC00  }
0x65: {  	[tilespmem:s18], [sflag:$0x1] =	stream.indirect.gather [hbm4b:s5+s17], $0x80, s3, s17, $0xb8;
	[tilespmem:$0x1E400] =	vst v63  }
0x66: {  	_ = 	snop  }
0x67: {  	[tilespmem:s19], [sflag:$0x2] =	stream.indirect.gather [hbm4b:s5+s17], $0x80, s17, s17, $0xb8;
	[tilespmem:$0x1E400] =	vst v63  }
0x68: {  	_ =	swait.ge [sflag:s20], $0x4000  }
0x69: {  	[sflag:s20] =	ssyncset.done $0x0  }
0x6a: {  	[sflag:s20] =	ssyncadd.s32 $0xFFFFC000  }
0x6b: {  	[spmem:s2] =	stream.indirect.scatter.add.f32 [tilespmem:s18], [sflag:$0x3], $0x80, s16, s17, $0xb8;
	[tilespmem:$0x1E400] =	vst v63  }
0x6c: {  	_ =	swait.ge [sflag:s21], $0x4000  }
0x6d: {  	[sflag:s21] =	ssyncset.done $0x0  }
0x6e: {  	[sflag:s21] =	ssyncadd.s32 $0xFFFFC000  }
0x6f: {  	[spmem:s2] =	stream.indirect.scatter.add.f32 [tilespmem:s19], [sflag:$0x4], $0x80, s22, s17, $0xb8;
	[tilespmem:$0x1E400] =	vst v63  }
0x70: {  	_ =	swait.ge [sflag:s23], $0x4000  }
0x71: {  	[sflag:s23] =	ssyncset.done $0x0  }
0x72: {  	[sflag:s23] =	ssyncadd.s32 $0xFFFFC000  }
0x73: {  	_ =	swait.ge [sflag:s24], $0x4000  }
0x74: {  	[sflag:s24] =	ssyncset.done $0x0  }
0x75: {  	s26 =	simm.s32 $0x100;
	[sflag:s24] =	ssyncadd.s32 $0xFFFFC000  }
0x76: {  	[tilespmem:s18], [sflag:$0x1] =	stream.indirect.gather [hbm4b:s5+s17], $0x80, s26, s17, $0xb8;
	[tilespmem:$0x1E400] =	vst v63  }
0x77: {  	s30 =	simm.s32 $0x180  }
0x78: {  	[tilespmem:s19], [sflag:$0x2] =	stream.indirect.gather [hbm4b:s5+s17], $0x80, s30, s17, $0xb8;
	[tilespmem:$0x1E400] =	vst v63  }
0x79: {  	_ =	swait.ge [sflag:s20], $0x4000  }
0x7a: {  	[sflag:s20] =	ssyncset.done $0x0  }
0x7b: {  	s31 =	simm.s32 $0x1500;
	[sflag:s20] =	ssyncadd.s32 $0xFFFFC000  }
0x7c: {  	[spmem:s2] =	stream.indirect.scatter.add.f32 [tilespmem:s18], [sflag:$0x3], $0x80, s31, s17, $0xb8;
	[tilespmem:$0x1E400] =	vst v63  }
0x7d: {  	_ =	swait.ge [sflag:s21], $0x4000  }
0x7e: {  	[sflag:s21] =	ssyncset.done $0x0  }
0x7f: {  	s28 =	simm.s32 $0x1580;
	s26 =	simm.s32 $0xFFFFB800;
	[sflag:s21] =	ssyncadd.s32 $0xFFFFC000  }
.LBB2_4:
0x80: {  	[spmem:s2] =	stream.indirect.scatter.add.f32 [tilespmem:s19], [sflag:$0x4], $0x80, s28, s17, $0xb8;
	[tilespmem:$0x1E400] =	vst v63  }
0x81: {  	s28 =	smov.u32 s26  }
0x82: {  	p1 =	sne.s32 s26, $0xFFFFFC00;
	s26 =	sadd.s32 $0x400, s26;
	_ =	swait.ge [sflag:s23], $0x4000  }
0x83: {  	[sflag:s23] =	ssyncset.done $0x0  }
0x84: {  	[sflag:s23] =	ssyncadd.s32 $0xFFFFC000  }
0x85: {  	_ =	swait.ge [sflag:s24], $0x4000  }
0x86: {  	s28 =	sshra.s32 s28, $0x2;
	[sflag:s24] =	ssyncset.done $0x0  }
0x87: {  	s29 =	sadd.s32 $0x1400, s28;
	[sflag:s24] =	ssyncadd.s32 $0xFFFFC000  }
0x88: {  	[tilespmem:s18], [sflag:$0x1] =	stream.indirect.gather [hbm4b:s5+s17], $0x80, s29, s17, $0xb8;
	[tilespmem:$0x1E400] =	vst v63  }
0x89: {  	s29 =	sadd.s32 $0x1480, s28  }
0x8a: {  	[tilespmem:s19], [sflag:$0x2] =	stream.indirect.gather [hbm4b:s5+s17], $0x80, s29, s17, $0xb8;
	[tilespmem:$0x1E400] =	vst v63  }
0x8b: {  	_ =	swait.ge [sflag:s20], $0x4000  }
0x8c: {  	[sflag:s20] =	ssyncset.done $0x0  }
.Ltmp1:
0x8d: {  	s29 =	sadd.s32 $0x2800, s28;
	[sflag:s20] =	ssyncadd.s32 $0xFFFFC000;
	(pc) =	sbr.rel @p1 .LBB2_4-.Ltmp1, $4  }
0x8e: {  	[spmem:s2] =	stream.indirect.scatter.add.f32 [tilespmem:s18], [sflag:$0x3], $0x80, s29, s17, $0xb8;
	[tilespmem:$0x1E400] =	vst v63  }
0x8f: {  	_ =	swait.ge [sflag:s21], $0x4000  }
0x90: {  	[sflag:s21] =	ssyncset.done $0x0  }
0x91: {  	s28 =	sadd.s32 $0x2880, s28;
	[sflag:s21] =	ssyncadd.s32 $0xFFFFC000  }
0x92: {  	[spmem:s2] =	stream.indirect.scatter.add.f32 [tilespmem:s19], [sflag:$0x4], $0x80, s28, s17, $0xb8;
	[tilespmem:$0x1E400] =	vst v63  }
0x93: {  	_ =	swait.ge [sflag:s23], $0x4000  }
0x94: {  	[sflag:s23] =	ssyncset.done $0x0  }
0x95: {  	[sflag:s23] =	ssyncadd.s32 $0xFFFFC000  }
0x96: {  	_ =	swait.ge [sflag:s24], $0x4000  }
0x97: {  	s25 =	sadd.s32 $0x1, s25;
	[sflag:s24] =	ssyncset.done $0x0  }
0x98: {  	p1 =	sne.s32 s25, s13;
	[sflag:s24] =	ssyncadd.s32 $0xFFFFC000  }
.Ltmp2:
0x99: {  	[bflag:$0x0] =	sbarrier.arrive $0xFFFF;
	(pc) =	sbr.rel @p1 .LBB2_1-.Ltmp2, $4  }
0x9a: {  	[hbm:s12], [sflag:s8] =	dma.local [spmem:s14], $0x2780  }
0x9b: {  	_ =	swait.ge [sflag:s15], $0x2780  }
0x9c: {  	[sflag:s15] =	ssyncset.done $0x0  }
0x9d: {  	[sflag:s15] =	ssyncadd.s32 $0xFFFFD880  }
0x9e: {  	_ =	sfence.sel $0x180000  }
0x9f: {  	[bflag:$0x0] =	sbarrier.arrive $0xFFFF  }
0xa0: {  	p0 =	sne.s32 s1, $0x0;
	_ =	strace $0x9000004D  }
0xa1: {  	s0 =	sadd.s32 @!p0 $0x100000, s0;
	[bflag:$0x2] =	sbarrier.arrive $0xFFFF  }
0xa2: {  	[sflag:s0] =	ssyncadd.tile.s32 @!p0 $0x1;
	_ =	shalt  }
.Lfunc_end2:
_tile_overlayer_lowered:
.L_overlay_start_2:
0xa3: {  	(tag) =	ssettag $0x2  }
0xa4: {  	s0 =	rddreg [dreg:$0x0];
	s2 =	stileid.u32  }
0xa5: {  	s1 =	rddreg [dreg:$0x1];
	p0 =	sne.s32 s2, $0x0  }
0xa6: {  	s3 =	rddreg [dreg:$0x2];
	[bflag:$0x3] =	sbarrier.arrive $0xFFFF;
	s2 =	simm.s32 @!p0 $0x1C05  }
0xa7: {  	[timem:s3], [sflag:s2] =	dma.local @!p0 [hbm:s0], s1  }
0xa8: {  	s0 =	simm.s32 @!p0 $0x5  }
0xa9: {  	_ =	swait.ge @!p0 [sflag:s0], s1  }
0xaa: {  	s1 =	ssub.s32 @!p0 $0x0, s1;
	[sflag:s0] =	ssyncset.done @!p0 $0x0  }
0xab: {  	[sflag:s0] =	ssyncadd.s32 @!p0 s1  }
0xac: {  	[bflag:$0x3] =	sbarrier.arrive $0xFFFF  }
0xad: {  	_ =	shalt  }

// kernel: kernel.8.cloned.1.call-start
scs
__scs_entry_jumppad:
0x0: {  	(pc) =	sbr.rel $0x88, $3  }
0x1: {  	(tag) =	ssettag $0x0;
	lr =	simm.s32 $0x1  }
0x2: {  	[smem:$0x3F95] =	sst lr;
	_ =	strace $0xD0000000  }
0x3: {  	_ = 	snop  }
0x4: {  	_ = 	snop  }
0x5: {  	_ = 	snop  }
0x6: {  	_ = 	snop  }
0x7: {  	_ = 	snop  }
__scs_overlays_trampoline_lowered:
0x8: {  	[smem:$0x3FA4] =	sst s0  }
0x9: {  	[smem:$0x3FA5] =	sst s1  }
0xa: {  	[smem:$0x3FA6] =	sst s2  }
0xb: {  	[smem:$0x3FA7] =	sst s3  }
0xc: {  	[smem:$0x3FA8] =	sst s4  }
0xd: {  	[smem:$0x3FA9] =	sst s5  }
0xe: {  	[smem:$0x3FAA] =	sst s6  }
0xf: {  	[smem:$0x3FAB] =	sst s7  }
0x10: {  	[smem:$0x3FAC] =	sst s8  }
0x11: {  	[smem:$0x3FAD] =	sst s9;
	s0 =	simm.s32 @!p0 $0x0  }
0x12: {  	s1 =	sld [smem:$0x3F93];
	s0 =	simm.s32 @p0 $0x1  }
0x13: {  	[smem:$0x3FAE] =	sst s0;
	s0 =	simm.s32 @!p1 $0x0  }
0x14: {  	s2 =	sld [smem:$0x3F92];
	s0 =	simm.s32 @p1 $0x1  }
0x15: {  	[smem:$0x3FAF] =	sst s0;
	s0 =	simm.s32 @!p2 $0x0  }
0x16: {  	s3 =	sld [smem:$0x3FDB];
	s0 =	simm.s32 @p2 $0x1  }
0x17: {  	s4 =	simm.s32 $0x1BF5;
	[smem:$0x3FB1] =	sst s0  }
0x18: {  	s0 =	sld [smem:$0x3F94];
	_ =	swait.ge [sflag:s4], $0x0  }
0x19: {  	s7 =	sld [smem:$0x3F95]  }
0x1a: {  	s8 =	sadd.s32 $0xFFFFE003, lr  }
0x1b: {  	s9 =	sadd.s32 $0xFFFFFEF7, lr;
	s5 =	simm.s32 $0xFFFFFFFF;
	p2 =	slt.u32 s8, $0xFFFFF086  }
0x1c: {  	p1 =	slt.u32 s9, $0xF7A;
	s5 =	simm.s32 @!p2 $0x0  }
0x1d: {  	s5 =	simm.s32 @p1 $0x1;
	p0 =	seq.s32 s7, s2  }
0x1e: {  	s7 =	smul.u32 @!p0 $0xF7A, s2;
	p2 =	seq.s32 @!p0 s5, $0x0  }
0x1f: {  	s9 =	smul.u32 $0xF7A, s1;
	s8 =	simm.s32 @!p0 $0x1BF5;
	p2 =	por !p2, p0  }
0x20: {  	[sflag:s8] =	ssyncset.s32 @!p0 $0xFFFFF086;
	s6 =	sadd.s32 @!p0 s3, s7;
	s7 =	simm.s32 @!p0 $0x108  }
0x21: {  	s3 =	sadd.s32 s3, s9;
	s6 =	sadd.s32 @!p0 $0x88, s6;
	s7 =	simm.s32 @p2 $0x1082  }
0x22: {  	[simem:s7], [sflag:s8] =	dma.local @!p0 [hbm:s6], $0xF7A  }
0x23: {  	s9 =	sor.u32 $0xD0000000, s2;
	s6 =	simm.s32 $0x108;
	_ =	swait.ge @!p0 [sflag:s8], $0x0  }
0x24: {  	s3 =	sadd.s32 $0x88, s3;
	s6 =	simm.s32 @!p1 $0x1082;
	[sflag:s4] =	ssyncset.s32 $0xFFFFF086  }
0x25: {  	[simem:s6], [sflag:s4] =	dma.local [hbm:s3], $0xF7A  }
0x26: {  	[smem:$0x3F95] =	sst s1;
	(tag) =	ssettag s2;
	_ =	strace s9  }
0x27: {  	s1 =	sld [smem:$0x3FA5]  }
0x28: {  	s2 =	sld [smem:$0x3FA6]  }
0x29: {  	s4 =	sld [smem:$0x3FA8]  }
0x2a: {  	p0 =	seq.s32 s5, $0x0;
	s5 =	sld [smem:$0x3FA9]  }
0x2b: {  	s6 =	sld [smem:$0x3FAA]  }
0x2c: {  	s7 =	sld [smem:$0x3FAB]  }
0x2d: {  	s3 =	simm.s32 $0x108;
	s8 =	sld [smem:$0x3FAC]  }
0x2e: {  	s3 =	simm.s32 @!p0 $0x1082;
	s9 =	sld [smem:$0x3FAD]  }
0x2f: {  	lr =	sadd.s32 s0, s3;
	s0 =	sld [smem:$0x3FA4]  }
0x30: {  	s3 =	sld [smem:$0x3FA7]  }
0x31: {  	[smem:$0x3FB0] =	sst s10  }
0x32: {  	s10 =	sld [smem:$0x3FAE];
	_ =	sdelay $0x3  }
0x33: {  	p0 =	seq.s32 s10, $0x1;
	s10 =	sld [smem:$0x3FB0];
	_ =	sdelay $0x3  }
0x34: {  	[smem:$0x3FB0] =	sst s10  }
0x35: {  	s10 =	sld [smem:$0x3FAF];
	_ =	sdelay $0x3  }
0x36: {  	p1 =	seq.s32 s10, $0x1;
	s10 =	sld [smem:$0x3FB0];
	_ =	sdelay $0x3  }
0x37: {  	[smem:$0x3FB0] =	sst s10  }
0x38: {  	s10 =	sld [smem:$0x3FB1]  }
0x39: {  	_ = 	snop;
	(pc) =	sbr.ind lr, $3  }
0x3a: {  	_ = 	snop  }
0x3b: {  	_ = 	snop  }
0x3c: {  	p2 =	seq.s32 s10, $0x1;
	s10 =	sld [smem:$0x3FB0]  }
0x3d: {  	_ =	shalt  }
0x3e: {  	_ =	shalt  }
0x3f: {  	_ =	shalt  }
0x40: {  	_ =	shalt  }
0x41: {  	_ =	shalt  }
0x42: {  	_ =	shalt  }
0x43: {  	_ =	shalt  }
0x44: {  	_ =	shalt  }
0x45: {  	_ =	shalt  }
0x46: {  	_ =	shalt  }
0x47: {  	_ =	shalt  }
0x48: {  	_ =	shalt  }
0x49: {  	_ =	shalt  }
0x4a: {  	_ =	shalt  }
0x4b: {  	_ =	shalt  }
0x4c: {  	_ =	shalt  }
0x4d: {  	_ =	shalt  }
0x4e: {  	_ =	shalt  }
0x4f: {  	_ =	shalt  }
0x50: {  	_ =	shalt  }
0x51: {  	_ =	shalt  }
0x52: {  	_ =	shalt  }
0x53: {  	_ =	shalt  }
0x54: {  	_ =	shalt  }
0x55: {  	_ =	shalt  }
0x56: {  	_ =	shalt  }
0x57: {  	_ =	shalt  }
0x58: {  	_ =	shalt  }
0x59: {  	_ =	shalt  }
0x5a: {  	_ =	shalt  }
0x5b: {  	_ =	shalt  }
0x5c: {  	_ =	shalt  }
0x5d: {  	_ =	shalt  }
0x5e: {  	_ =	shalt  }
0x5f: {  	_ =	shalt  }
0x60: {  	_ =	shalt  }
0x61: {  	_ =	shalt  }
0x62: {  	_ =	shalt  }
0x63: {  	_ =	shalt  }
0x64: {  	_ =	shalt  }
0x65: {  	_ =	shalt  }
0x66: {  	_ =	shalt  }
0x67: {  	_ =	shalt  }
0x68: {  	_ =	shalt  }
0x69: {  	_ =	shalt  }
0x6a: {  	_ =	shalt  }
0x6b: {  	_ =	shalt  }
0x6c: {  	_ =	shalt  }
0x6d: {  	_ =	shalt  }
0x6e: {  	_ =	shalt  }
0x6f: {  	_ =	shalt  }
0x70: {  	_ =	shalt  }
0x71: {  	_ =	shalt  }
0x72: {  	_ =	shalt  }
0x73: {  	_ =	shalt  }
0x74: {  	_ =	shalt  }
0x75: {  	_ =	shalt  }
0x76: {  	_ =	shalt  }
0x77: {  	_ =	shalt  }
0x78: {  	_ =	shalt  }
0x79: {  	_ =	shalt  }
0x7a: {  	_ =	shalt  }
0x7b: {  	_ =	shalt  }
0x7c: {  	_ =	shalt  }
0x7d: {  	_ =	shalt  }
0x7e: {  	_ =	shalt  }
0x7f: {  	_ =	shalt  }
0x80: {  	_ =	shalt  }
0x81: {  	_ =	shalt  }
0x82: {  	_ =	shalt  }
0x83: {  	_ =	shalt  }
0x84: {  	_ =	shalt  }
0x85: {  	_ =	shalt  }
0x86: {  	_ =	shalt  }
0x87: {  	_ =	shalt  }
.Lfunc_end0:
.L_simem_size_0:
called_computation_lowered:
.L_overlay_start_0:
0x88: {  	s2 =	sld [smem:$0x3FD9]  }
0x89: {  	s3 =	sld [smem:$0x3FFE];
	_ =	sdelay $0x1  }
0x8a: {  	s1 =	srdreg.scid  }
0x8b: {  	s0 =	sand.u32 $0x1, s1  }
0x8c: {  	s17 =	sshll.u32 s0, $0xA;
	s2 =	sadd.s32 s3, s2  }
0x8d: {  	s2 =	sadd.s32 s2, s17  }
0x8e: {  	[smem:$0x3FBC] =	sst s2  }
0x8f: {  	_ = 	snop  }
0x90: {  	s2 =	sld [smem:$0x3FD0];
	(tm) =	ssettm $0x1  }
0x91: {  	s18 =	sld [smem:$0x3FFB];
	_ =	sdelay $0x3  }
0x92: {  	_ =	strace s18  }
0x93: {  	s3 =	sld [smem:$0x3FFC];
	_ =	sdelay $0x3  }
0x94: {  	_ =	strace s3  }
0x95: {  	s3 =	sld [smem:$0x3FFD];
	_ =	sdelay $0x3  }
0x96: {  	_ =	strace s3  }
0x97: {  	_ =	strace $0x8FFFFFFF  }
0x98: {  	s19 =	sld [smem:$0x3FDB];
	_ =	sdelay $0x1  }
0x99: {  	s4 =	simm.s32 $_scs_section_size  }
0x9a: {  	s5 =	simm.s32 $_size__tile_overlayer_lowered;
	s6 =	simm.s32 $_tile_overlayer_lowered  }
0x9b: {  	s22 =	simm.s32 $0x1BFF;
	s21 =	sshll.u32 s6, $0x1;
	s3 =	sadd.s32 s4, s19  }
0x9c: {  	s7 =	simm.s32 $0x0;
	s20 =	sshll.u32 s5, $0x1;
	s5 =	sadd.s32 s21, s3  }
0x9d: {  	[timem:s7], [sflag:s22] =	dma.local [hbm:s5], s20  }
0x9e: {  	_ =	swait.ge [sflag:s22], s20  }
0x9f: {  	s4 =	ssub.s32 $0x0, s20;
	[sflag:s22] =	ssyncset.done $0x0  }
0xa0: {  	[sflag:s22] =	ssyncadd.s32 s4;
	_ =	sdelay $0x1  }
0xa1: {  	s23 =	simm.s32 $0x1B8B  }
0xa2: {  	_ =	swait.ge [sflag:s23], $0x1  }
0xa3: {  	[sflag:s23] =	ssyncset.done $0x0  }
0xa4: {  	s25 =	simm.s32 $0x1B8E;
	s24 =	sld [smem:$0x3FFE];
	[sflag:s23] =	ssyncadd.s32 $0xFFFFFFFF  }
0xa5: {  	s26 =	simm.s32 $execute0_lowered;
	[smem:$0x3FD2] =	sst s25  }
0xa6: {  	s5 =	sshll.u32 s26, $0x1;
	_ =	strace $0x80000046;
	[dreg:$0x1] =	wrdreg $0xFFFFFFFF  }
0xa7: {  	s28 =	simm.s32 $_size_execute0_lowered;
	s3 =	sadd.s32 s3, s5;
	[dreg:$0x0] =	wrdreg $0x0  }
0xa8: {  	s5 =	sshll.u32 s28, $0x1;
	[dreg:$0x2] =	wrdreg s3  }
0xa9: {  	[dreg:$0x3] =	wrdreg s5  }
0xaa: {  	[dreg:$0x4] =	wrdreg $0xC0  }
0xab: {  	_ =	task [dreg:s7], $0x5FFFF  }
0xac: {  	[dreg:$0x1] =	wrdreg $0xFFFFFFFF  }
0xad: {  	[dreg:$0x0] =	wrdreg $0x60  }
0xae: {  	[dreg:$0x2] =	wrdreg s2  }
0xaf: {  	[dreg:$0x3] =	wrdreg s24  }
0xb0: {  	[dreg:$0x4] =	wrdreg $0x68000  }
0xb1: {  	[dreg:$0x5] =	wrdreg $0x8F800  }
0xb2: {  	[dreg:$0x6] =	wrdreg $0x9  }
0xb3: {  	_ =	task.clear_ibuf [dreg:s7], $0x7FFFF;
	_ =	strace $0x90000046  }
0xb4: {  	s29 =	simm.s32 $0x9;
	_ =	strace $0x80000048  }
0xb5: {  	_ =	swait.ge [sflag:s29], $0x1  }
0xb6: {  	[sflag:s29] =	ssyncadd.s32 $0xFFFFFFFF  }
0xb7: {  	_ =	strace $0x90000048  }
0xb8: {  	_ =	sfence  }
0xb9: {  	s30 =	sld [smem:$0x0];
	_ =	sdelay $0x2  }
0xba: {  	s31 =	sshll.u32 s1, $0xD;
	s1 =	sshrl.u32 s1, $0x2  }
0xbb: {  	s3 =	sand.u32 $0x4000, s31;
	s1 =	sadd.s32 s1, s30  }
0xbc: {  	s0 =	sor.u32 s3, s0;
	s1 =	sshll.u32 s1, $0x11  }
0xbd: {  	s0 =	sor.u32 s1, s0  }
0xbe: {  	s0 =	sadd.s32 $0x8F2B, s0  }
0xbf: {  	[sflag:s0] =	ssyncadd.remote.s32 $0x1  }
0xc0: {  	_ =	sfence.sel $0xFFFF  }
0xc1: {  	[dreg:$0x0] =	wrdreg $0xFFFFFFFF;
	(pc) =	sbr.abs _section_cstart, $3  }
0xc2: {  	[dreg:$0x1] =	wrdreg $0xFFFFFFFF  }
0xc3: {  	_ =	task.clear_ibuf [dreg:s7], $0x2FFFF;
	_ =	strace $0x9FFFFFFF  }
0xc4: {  	(tm) =	ssettm $0x7FFFFFFF  }
0xc5: {  	_ =	shalt  }
tec
execute0_lowered:
.L_overlay_start_1:
0x0: {  	(tag) =	ssettag $0x1  }
0x1: {  	s9 =	rddreg [dreg:$0x0]  }
0x2: {  	s13 =	rddreg [dreg:$0x1]  }
0x3: {  	s2 =	rddreg [dreg:$0x2]  }
0x4: {  	s3 =	rddreg [dreg:$0x3]  }
0x5: {  	s0 =	rddreg [dreg:$0x4]  }
0x6: {  	s4 =	simm.s32 $0x0;
	s1 =	stileid.u32;
	s5 =	srdreg.scid  }
0x7: {  	s22 =	simm.s32 $0x1480;
	s23 =	simm.s32 $0x1;
	s24 =	simm.s32 $0x2  }
0x8: {  	s25 =	simm.s32 $0x0;
	[smem:$0x7FF] =	sst s4;
	s10 =	smul.u32 $0x13C00, s1  }
0x9: {  	s7 =	sand.u32 $0x1, s5;
	s5 =	sadd.s32 $0x3400, s13;
	s20 =	sadd.s32 $0x3A00, s13  }
0xa: {  	s6 =	sadd.s32 $0x2BE00, s13;
	s30 =	sshll.u32 s1, $0x6;
	s19 =	sadd.s32 $0x3680, s13  }
0xb: {  	s21 =	sadd.s32 $0x3C80, s13;
	_ =	strace $0x80000047;
	s8 =	smul.u32 $0x13C000, s7  }
0xc: {  	s12 =	sshll.u32 s7, $0x4;
	s7 =	ssub.s32 $0x2, s7;
	s11 =	sshrl.u32 s10, $0x3  }
0xd: {  	s12 =	sor.u32 s1, s12;
	s29 =	sshrl.u32 s7, $0x1;
	s17 =	sadd.s32 s10, s2  }
0xe: {  	s18 =	sadd.s32 s10, s3;
	s11 =	sadd.s32 s11, s13;
	s8 =	sadd.s32 s10, s8  }
0xf: {  	s15 =	smul.u32 $0x2800, s12;
	s16 =	ssub.s32 s7, s29;
	p0 =	seq.s32 s12, $0x1F  }
0x10: {  	s18 =	sshrl.u32 s18, $0x3;
	s8 =	sshrl.u32 s8, $0x3;
	s7 =	sadd.s32 $0x4600, s11  }
0x11: {  	s14 =	sadd.s32 s8, s13;
	s8 =	sor.u32 $0x1C03, s30;
	s31 =	sshrl.u32 s15, $0x3  }
0x12: {  	s15 =	smax.u32 s16, $0x1;
	s16 =	sshrl.u32 s17, $0x3;
	s17 =	simm.s32 $0x3  }
0x13: {  	s9 =	sadd.s32 s9, s31;
	s13 =	sadd.s32 $0x2C600, s14;
	s14 =	sadd.s32 $0x7B600, s14  }
0x14: {  	s10 =	sadd.s32 $0x9C80, s9;
	s11 =	sadd.s32 $0x280, s9;
	s12 =	sadd.s32 $0x9F00, s9  }
0x15: {  	s11 =	smov.u32 @p0 s19;
	s12 =	smov.u32 @p0 s21;
	s19 =	simm.s32 $0x2800  }
0x16: {  	s10 =	smov.u32 @p0 s20;
	s20 =	simm.s32 $0x1400;
	s21 =	simm.s32 $0x80  }
.LBB2_1:
0x17: {  	[spmem:s16], [sflag:s8] =	dma.local [hbm:s7], $0x2780  }
0x18: {  	_ =	swait.ge [sflag:s17], $0x2780  }
0x19: {  	[sflag:s17] =	ssyncset.done $0x0  }
0x1a: {  	[sflag:s17] =	ssyncadd.s32 $0xFFFFD880  }
0x1b: {  	[spmem:s18], [sflag:s8] =	dma.local [hbm:s7], $0x2780  }
0x1c: {  	_ =	swait.ge [sflag:s17], $0x2780  }
0x1d: {  	[sflag:s17] =	ssyncset.done $0x0  }
0x1e: {  	[sflag:s17] =	ssyncadd.s32 $0xFFFFD880  }
0x1f: {  	[tilespmem:s19], [sflag:$0x3] =	stream.linear.gather [hbm4b:s6+s4], $0x4000, $0x38;
	[tilespmem:$0xB700] =	vst v63  }
0x20: {  	_ =	swait.ge [sflag:s17], $0x4000  }
0x21: {  	[sflag:s17] =	ssyncset.done $0x0  }
0x22: {  	[sflag:s17] =	ssyncadd.s32 $0xFFFFC000  }
0x23: {  	s26 =	simm.s32 @p0 $0x0;
	[bflag:$0x0] =	sbarrier.arrive $0xFFFF  }
0x24: {  	[tilespmem:s26], [sflag:$0x3] =	stream.linear.gather @p0 [hbm4b:s5+s26], $0x1400, $0x38;
	[tilespmem:$0xB700] =	vst v63  }
0x25: {  	s26 =	simm.s32 @p0 $0x3  }
0x26: {  	_ =	swait.ge @p0 [sflag:s26], $0x1400  }
0x27: {  	[sflag:s26] =	ssyncset.done @p0 $0x0  }
0x28: {  	[sflag:s26] =	ssyncadd.s32 @p0 $0xFFFFEC00;
	s26 =	simm.s32 @!p0 $0x0  }
0x29: {  	[tilespmem:s26], [sflag:$0x3] =	stream.linear.gather @!p0 [hbm4b:s9+s26], $0x1400, $0x38;
	[tilespmem:$0xB700] =	vst v63  }
0x2a: {  	s26 =	simm.s32 @!p0 $0x3  }
0x2b: {  	_ =	swait.ge @!p0 [sflag:s26], $0x1400  }
0x2c: {  	[sflag:s26] =	ssyncset.done @!p0 $0x0  }
0x2d: {  	[sflag:s26] =	ssyncadd.s32 @!p0 $0xFFFFEC00  }
0x2e: {  	[tilespmem:s20], [sflag:$0x3] =	stream.linear.gather [hbm4b:s10+s4], $0x1400, $0x38;
	[tilespmem:$0xB700] =	vst v63  }
0x2f: {  	_ =	swait.ge [sflag:s17], $0x1400  }
0x30: {  	[sflag:s17] =	ssyncset.done $0x0  }
0x31: {  	[sflag:s17] =	ssyncadd.s32 $0xFFFFEC00  }
0x32: {  	[spmem:s2] =	stream.indirect.scatter.add.f32 [tilespmem:s19], [sflag:$0x1], $0x10, s4, s21, $0xb8;
	[tilespmem:$0xB700] =	vst v63  }
0x33: {  	_ = 	snop  }
0x34: {  	[spmem:s3] =	stream.indirect.scatter.add.f32 [tilespmem:s19], [sflag:$0x2], $0x10, s20, s21, $0xb8;
	[tilespmem:$0xB700] =	vst v63  }
0x35: {  	_ = 	snop  }
0x36: {  	[spmem:s2] =	stream.indirect.scatter.add.f32 [tilespmem:s19], [sflag:$0x1], $0x10, s21, s21, $0xb8;
	[tilespmem:$0xB700] =	vst v63  }
0x37: {  	_ = 	snop  }
0x38: {  	[spmem:s3] =	stream.indirect.scatter.add.f32 [tilespmem:s19], [sflag:$0x2], $0x10, s22, s21, $0xb8;
	[tilespmem:$0xB700] =	vst v63  }
0x39: {  	_ =	swait.ge [sflag:s23], $0x800  }
0x3a: {  	[sflag:s23] =	ssyncset.done $0x0  }
0x3b: {  	[sflag:s23] =	ssyncadd.s32 $0xFFFFF800  }
0x3c: {  	_ =	swait.ge [sflag:s24], $0x800  }
0x3d: {  	s31 =	simm.s32 $0x100;
	[sflag:s24] =	ssyncset.done $0x0  }
0x3e: {  	s28 =	simm.s32 $0x1500;
	s26 =	simm.s32 $0x600;
	[sflag:s24] =	ssyncadd.s32 $0xFFFFF800  }
0x3f: {  	[spmem:s2] =	stream.indirect.scatter.add.f32 [tilespmem:s19], [sflag:$0x1], $0x10, s31, s21, $0xb8;
	[tilespmem:$0xB700] =	vst v63  }
.LBB2_2:
0x40: {  	[spmem:s3] =	stream.indirect.scatter.add.f32 [tilespmem:s19], [sflag:$0x2], $0x10, s28, s21, $0xb8;
	[tilespmem:$0xB700] =	vst v63  }
0x41: {  	s28 =	smov.u32 s26  }
0x42: {  	p1 =	sne.s32 s26, $0x4E00;
	s26 =	sadd.s32 $0x200, s26;
	_ =	swait.ge [sflag:s23], $0x800  }
0x43: {  	[sflag:s23] =	ssyncset.done $0x0  }
0x44: {  	[sflag:s23] =	ssyncadd.s32 $0xFFFFF800  }
.Ltmp0:
0x45: {  	_ =	swait.ge [sflag:s24], $0x800;
	(pc) =	sbr.rel @p1 .LBB2_2-.Ltmp0, $4  }
0x46: {  	[sflag:s24] =	ssyncset.done $0x0  }
0x47: {  	s28 =	sshra.s32 s28, $0x2;
	[sflag:s24] =	ssyncadd.s32 $0xFFFFF800  }
0x48: {  	[spmem:s2] =	stream.indirect.scatter.add.f32 [tilespmem:s19], [sflag:$0x1], $0x10, s28, s21, $0xb8;
	[tilespmem:$0xB700] =	vst v63  }
0x49: {  	s28 =	sadd.s32 $0x1400, s28  }
0x4a: {  	[spmem:s3] =	stream.indirect.scatter.add.f32 [tilespmem:s19], [sflag:$0x2], $0x10, s28, s21, $0xb8;
	[tilespmem:$0xB700] =	vst v63  }
0x4b: {  	_ =	swait.ge [sflag:s23], $0x800  }
0x4c: {  	[sflag:s23] =	ssyncset.done $0x0  }
0x4d: {  	[sflag:s23] =	ssyncadd.s32 $0xFFFFF800  }
0x4e: {  	_ =	swait.ge [sflag:s24], $0x800  }
0x4f: {  	[sflag:s24] =	ssyncset.done $0x0  }
0x50: {  	[sflag:s24] =	ssyncadd.s32 $0xFFFFF800  }
0x51: {  	_ =	swait.ge [sflag:s23], $0x800  }
0x52: {  	[sflag:s23] =	ssyncset.done $0x0  }
0x53: {  	[sflag:s23] =	ssyncadd.s32 $0xFFFFF800  }
0x54: {  	_ =	swait.ge [sflag:s24], $0x800  }
0x55: {  	[sflag:s24] =	ssyncset.done $0x0  }
0x56: {  	[sflag:s24] =	ssyncadd.s32 $0xFFFFF800  }
0x57: {  	[tilespmem:s4], [sflag:$0x3] =	stream.linear.gather [hbm4b:s11+s4], $0x1400, $0x38;
	[tilespmem:$0xB700] =	vst v63  }
0x58: {  	_ =	swait.ge [sflag:s17], $0x1400  }
0x59: {  	[sflag:s17] =	ssyncset.done $0x0  }
0x5a: {  	[sflag:s17] =	ssyncadd.s32 $0xFFFFEC00  }
0x5b: {  	[tilespmem:s20], [sflag:$0x3] =	stream.linear.gather [hbm4b:s12+s4], $0x1400, $0x38;
	[tilespmem:$0xB700] =	vst v63  }
0x5c: {  	_ =	swait.ge [sflag:s17], $0x1400  }
0x5d: {  	[sflag:s17] =	ssyncset.done $0x0  }
0x5e: {  	[sflag:s17] =	ssyncadd.s32 $0xFFFFEC00  }
0x5f: {  	[spmem:s2] =	stream.indirect.scatter.add.f32 [tilespmem:s19], [sflag:$0x1], $0x10, s4, s21, $0xb8;
	[tilespmem:$0xB700] =	vst v63  }
0x60: {  	_ = 	snop  }
0x61: {  	[spmem:s3] =	stream.indirect.scatter.add.f32 [tilespmem:s19], [sflag:$0x2], $0x10, s20, s21, $0xb8;
	[tilespmem:$0xB700] =	vst v63  }
0x62: {  	_ = 	snop  }
0x63: {  	[spmem:s2] =	stream.indirect.scatter.add.f32 [tilespmem:s19], [sflag:$0x1], $0x10, s21, s21, $0xb8;
	[tilespmem:$0xB700] =	vst v63  }
0x64: {  	_ = 	snop  }
0x65: {  	[spmem:s3] =	stream.indirect.scatter.add.f32 [tilespmem:s19], [sflag:$0x2], $0x10, s22, s21, $0xb8;
	[tilespmem:$0xB700] =	vst v63  }
0x66: {  	_ =	swait.ge [sflag:s23], $0x800  }
0x67: {  	[sflag:s23] =	ssyncset.done $0x0  }
0x68: {  	[sflag:s23] =	ssyncadd.s32 $0xFFFFF800  }
0x69: {  	_ =	swait.ge [sflag:s24], $0x800  }
0x6a: {  	[sflag:s24] =	ssyncset.done $0x0  }
0x6b: {  	s26 =	simm.s32 $0x100;
	[sflag:s24] =	ssyncadd.s32 $0xFFFFF800  }
0x6c: {  	[spmem:s2] =	stream.indirect.scatter.add.f32 [tilespmem:s19], [sflag:$0x1], $0x10, s26, s21, $0xb8;
	[tilespmem:$0xB700] =	vst v63  }
0x6d: {  	s28 =	simm.s32 $0x1500;
	s26 =	simm.s32 $0x600  }
.LBB2_4:
0x6e: {  	[spmem:s3] =	stream.indirect.scatter.add.f32 [tilespmem:s19], [sflag:$0x2], $0x10, s28, s21, $0xb8;
	[tilespmem:$0xB700] =	vst v63  }
0x6f: {  	s28 =	smov.u32 s26  }
0x70: {  	p1 =	sne.s32 s26, $0x4E00;
	s26 =	sadd.s32 $0x200, s26;
	_ =	swait.ge [sflag:s23], $0x800  }
0x71: {  	[sflag:s23] =	ssyncset.done $0x0  }
0x72: {  	[sflag:s23] =	ssyncadd.s32 $0xFFFFF800  }
.Ltmp1:
0x73: {  	_ =	swait.ge [sflag:s24], $0x800;
	(pc) =	sbr.rel @p1 .LBB2_4-.Ltmp1, $4  }
0x74: {  	[sflag:s24] =	ssyncset.done $0x0  }
0x75: {  	s28 =	sshra.s32 s28, $0x2;
	[sflag:s24] =	ssyncadd.s32 $0xFFFFF800  }
0x76: {  	[spmem:s2] =	stream.indirect.scatter.add.f32 [tilespmem:s19], [sflag:$0x1], $0x10, s28, s21, $0xb8;
	[tilespmem:$0xB700] =	vst v63  }
0x77: {  	s28 =	sadd.s32 $0x1400, s28  }
0x78: {  	[spmem:s3] =	stream.indirect.scatter.add.f32 [tilespmem:s19], [sflag:$0x2], $0x10, s28, s21, $0xb8;
	[tilespmem:$0xB700] =	vst v63  }
0x79: {  	_ =	swait.ge [sflag:s23], $0x800  }
0x7a: {  	[sflag:s23] =	ssyncset.done $0x0  }
0x7b: {  	[sflag:s23] =	ssyncadd.s32 $0xFFFFF800  }
0x7c: {  	_ =	swait.ge [sflag:s24], $0x800  }
0x7d: {  	[sflag:s24] =	ssyncset.done $0x0  }
0x7e: {  	[sflag:s24] =	ssyncadd.s32 $0xFFFFF800  }
0x7f: {  	_ =	swait.ge [sflag:s23], $0x800  }
0x80: {  	[sflag:s23] =	ssyncset.done $0x0  }
0x81: {  	[sflag:s23] =	ssyncadd.s32 $0xFFFFF800  }
0x82: {  	_ =	swait.ge [sflag:s24], $0x800  }
0x83: {  	[sflag:s24] =	ssyncset.done $0x0  }
0x84: {  	[sflag:s24] =	ssyncadd.s32 $0xFFFFF800  }
0x85: {  	[bflag:$0x0] =	sbarrier.arrive $0xFFFF  }
0x86: {  	[hbm:s13], [sflag:s8] =	dma.local [spmem:s16], $0x2780  }
0x87: {  	s25 =	sadd.s32 $0x1, s25;
	_ =	swait.ge [sflag:s17], $0x2780  }
0x88: {  	p1 =	sne.s32 s25, s15;
	[sflag:s17] =	ssyncset.done $0x0  }
.Ltmp2:
0x89: {  	[sflag:s17] =	ssyncadd.s32 $0xFFFFD880;
	(pc) =	sbr.rel @p1 .LBB2_1-.Ltmp2, $4  }
0x8a: {  	[hbm:s14], [sflag:s8] =	dma.local [spmem:s18], $0x2780  }
0x8b: {  	_ =	swait.ge [sflag:s17], $0x2780  }
0x8c: {  	[sflag:s17] =	ssyncset.done $0x0  }
0x8d: {  	[sflag:s17] =	ssyncadd.s32 $0xFFFFD880  }
0x8e: {  	_ =	sfence.sel $0x180000  }
0x8f: {  	[bflag:$0x0] =	sbarrier.arrive $0xFFFF  }
0x90: {  	p0 =	sne.s32 s1, $0x0;
	_ =	strace $0x90000047  }
0x91: {  	s0 =	sadd.s32 @!p0 $0x100000, s0;
	[bflag:$0x2] =	sbarrier.arrive $0xFFFF  }
0x92: {  	[sflag:s0] =	ssyncadd.tile.s32 @!p0 $0x1;
	_ =	shalt  }
.Lfunc_end2:
_tile_overlayer_lowered:
.L_overlay_start_2:
0x93: {  	(tag) =	ssettag $0x2  }
0x94: {  	s0 =	rddreg [dreg:$0x0];
	s2 =	stileid.u32  }
0x95: {  	s1 =	rddreg [dreg:$0x1];
	p0 =	sne.s32 s2, $0x0  }
0x96: {  	s3 =	rddreg [dreg:$0x2];
	[bflag:$0x3] =	sbarrier.arrive $0xFFFF;
	s2 =	simm.s32 @!p0 $0x1C03  }
0x97: {  	[timem:s3], [sflag:s2] =	dma.local @!p0 [hbm:s0], s1  }
0x98: {  	s0 =	simm.s32 @!p0 $0x3  }
0x99: {  	_ =	swait.ge @!p0 [sflag:s0], s1  }
0x9a: {  	s1 =	ssub.s32 @!p0 $0x0, s1;
	[sflag:s0] =	ssyncset.done @!p0 $0x0  }
0x9b: {  	[sflag:s0] =	ssyncadd.s32 @!p0 s1  }
0x9c: {  	[bflag:$0x3] =	sbarrier.arrive $0xFFFF  }
0x9d: {  	_ =	shalt  }

</sc_bundles>
